<compile_context>
chip_gen: v7x
topology: tpu7x:2x2x1
jax: 0.10.2.dev20260603
libtpu: 0.0.44.dev20260713+nightly
codegen_flags: <defaults>
</compile_context>

<pallas_src>
import functools

import jax
import jax.numpy as jnp
from jax import lax
from jax.experimental import pallas as pl
from jax.experimental.pallas import tpu as pltpu
from jax.experimental.pallas import tpu_sc as plsc

_N = 10000
_E = 320000
_D = 128
_H = 8
_C = 16

_NC = 2
_NS = 16
_NW = _NC * _NS
_EPW = _E // _NW
_CHUNK = 40
_NSTEP = _EPW // _CHUNK
_ROWS_PT = _N // _NS
_ACC_W = _D + 16

_ROW_BLK = 1000


def _proj_body(x_ref, wq_ref, bq_ref, wk_ref, bk_ref, wm_ref, bm_ref,
               bwa_ref, bwm_ref, q_ref, kt_ref, mt_ref):
    xb = x_ref[...]
    f32 = jnp.float32
    qv = jnp.dot(xb, wq_ref[...], preferred_element_type=f32) + bq_ref[...]
    q_ref[...] = qv.astype(jnp.bfloat16)
    kb = jnp.dot(xb, wk_ref[...], preferred_element_type=f32) + bk_ref[...]
    kt_ref[...] = jnp.dot(kb, bwa_ref[...],
                          preferred_element_type=f32).astype(jnp.bfloat16)
    mb = jnp.dot(xb, wm_ref[...], preferred_element_type=f32) + bm_ref[...]
    mt_ref[...] = jnp.dot(mb, bwm_ref[...], preferred_element_type=f32)


def _edge_body(kt_hbm, q_hbm, mt_hbm, src_hbm, dst_hbm, zeros_hbm, out_hbm,
               src_v, dst_v, ktb, qb, mtb, ob, acc, semi, semg, sems):
    cid = lax.axis_index("c")
    sid = lax.axis_index("s")
    wid = cid * _NS + sid

    pltpu.sync_copy(zeros_hbm.at[pl.ds(sid * _ROWS_PT, _ROWS_PT)],
                    acc.at[pl.ds(sid * _ROWS_PT, _ROWS_PT)])
    plsc.subcore_barrier()

    base = wid * _EPW
    lane = lax.iota(jnp.int32, 16)
    bperms = [lane ^ s for s in (4, 2, 1)]
    pperm = [jnp.where(lane == 2 * p + 1, 8, 0) for p in range(_H // 2)]
    pmask = [lax.div(lane, 2) == p for p in range(_H // 2)]
    hsel = [lane * 0 + h for h in range(_H)]
    himask = jnp.int32(-65536)

    def load_idx(g, p4):
        off = base + g * _CHUNK
        pltpu.async_copy(src_hbm.at[pl.ds(off, _CHUNK)], src_v.at[lax.rem(p4, 2)], semi)
        pltpu.async_copy(dst_hbm.at[pl.ds(off, _CHUNK)], dst_v.at[p4], semi)

    def wait_idx(p4):
        pltpu.make_async_copy(src_hbm.at[pl.ds(0, _CHUNK)], src_v.at[lax.rem(p4, 2)], semi).wait()
        pltpu.make_async_copy(dst_hbm.at[pl.ds(0, _CHUNK)], dst_v.at[p4], semi).wait()

    def issue_gathers(p, p4):
        pltpu.async_copy(kt_hbm.at[src_v.at[p]], ktb.at[p], semg)
        pltpu.async_copy(q_hbm.at[dst_v.at[p4]], qb.at[p], semg)
        pltpu.async_copy(mt_hbm.at[src_v.at[p]], mtb.at[p], semg)

    def wait_gathers(p, p4):
        pltpu.make_async_copy(kt_hbm.at[src_v.at[p]], ktb.at[p], semg).wait()
        pltpu.make_async_copy(q_hbm.at[dst_v.at[p4]], qb.at[p], semg).wait()
        pltpu.make_async_copy(mt_hbm.at[src_v.at[p]], mtb.at[p], semg).wait()

    def wait_scatter(p, p4):
        pltpu.make_async_copy(ob.at[p], acc.at[dst_v.at[p4]], sems).wait()

    load_idx(0, 0)
    wait_idx(0)
    issue_gathers(0, 0)
    load_idx(1, 1)

    def step(g, carry):
        par = lax.rem(g, 2)
        nxt = 1 - par
        g4 = lax.rem(g, 4)
        wait_gathers(par, g4)

        @pl.when(g + 1 < _NSTEP)
        def _():
            wait_idx(lax.rem(g4 + 1, 4))
            issue_gathers(nxt, lax.rem(g4 + 1, 4))

        @pl.when(g >= 2)
        def _():
            wait_scatter(par, lax.rem(g4 + 2, 4))

        @plsc.parallel_loop(0, _CHUNK, unroll=2)
        def edge(e):
            svec = jnp.zeros((16,), jnp.float32)
            for p in range(_H // 2):
                sl = pl.ds(p * 16, 16)
                kv = ktb[par, e, sl]
                qv = qb[par, e, sl]
                klo = plsc.bitcast(kv << 16, jnp.float32)
                khi = plsc.bitcast(kv & himask, jnp.float32)
                qlo = plsc.bitcast(qv << 16, jnp.float32)
                qhi = plsc.bitcast(qv & himask, jnp.float32)
                t = klo * qlo + khi * qhi
                for pm in bperms:
                    t = t + t[pm]
                svec = jnp.where(pmask[p], t[pperm[p]], svec)
            es = jnp.exp(svec)
            ob[par, e, pl.ds(_D, 16)] = es
            for h in range(_H):
                sl = pl.ds(h * 16, 16)
                ob[par, e, sl] = es[hsel[h]] * mtb[par, e, sl]
        pltpu.async_copy(ob.at[par], acc.at[dst_v.at[g4]], sems, add=True)

        @pl.when(g + 2 < _NSTEP)
        def _():
            load_idx(g + 2, lax.rem(g4 + 2, 4))

        return carry

    lax.fori_loop(0, _NSTEP, step, 0)
    wait_scatter((_NSTEP - 2) % 2, (_NSTEP - 2) % 4)
    wait_scatter((_NSTEP - 1) % 2, (_NSTEP - 1) % 4)
    plsc.subcore_barrier()
    pltpu.sync_copy(acc.at[pl.ds(sid * _ROWS_PT, _ROWS_PT)],
                    out_hbm.at[cid, pl.ds(sid * _ROWS_PT, _ROWS_PT)])


@functools.cache
def _edge_kernel():
    return functools.partial(
        pl.kernel,
        mesh=plsc.VectorSubcoreMesh(core_axis_name="c", subcore_axis_name="s"),
        compiler_params=pltpu.CompilerParams(use_tc_tiling_on_sc=False,
                                             needs_layout_passes=False),
        out_type=jax.ShapeDtypeStruct((_NC, _N, _ACC_W), jnp.float32),
        scratch_types=[
            pltpu.VMEM((2, _CHUNK), jnp.int32),
            pltpu.VMEM((4, _CHUNK), jnp.int32),
            pltpu.VMEM((2, _CHUNK, _D // 2), jnp.int32),
            pltpu.VMEM((2, _CHUNK, _D // 2), jnp.int32),
            pltpu.VMEM((2, _CHUNK, _D), jnp.float32),
            pltpu.VMEM((2, _CHUNK, _ACC_W), jnp.float32),
            pltpu.VMEM_SHARED((_N, _ACC_W), jnp.float32),
            pltpu.SemaphoreType.DMA,
            pltpu.SemaphoreType.DMA,
            pltpu.SemaphoreType.DMA,
        ],
    )(_edge_body)


def _out_body(acc_ref, x_ref, waggr_ref, baggr_ref, slog_ref, gamma_ref,
              beta_ref, exp_ref, o_ref):
    a0 = acc_ref[0]
    a1 = acc_ref[1]
    num = a0[:, :_D] + a1[:, :_D]
    den = a0[:, _D:] + a1[:, _D:]
    den_exp = jnp.dot(den, exp_ref[...], preferred_element_type=jnp.float32)
    pooled = num / jnp.maximum(den_exp, 1e-30)
    act = jax.nn.gelu(pooled)
    aggr = jnp.dot(act, waggr_ref[...], preferred_element_type=jnp.float32)
    aggr = aggr + baggr_ref[...]
    gate = jax.nn.sigmoid(slog_ref[0, 0])
    out = gate * aggr + (1.0 - gate) * x_ref[...]
    mean = jnp.mean(out, axis=-1, keepdims=True)
    cent = out - mean
    var = jnp.mean(cent * cent, axis=-1, keepdims=True)
    out = cent * lax.rsqrt(var + 1e-3)
    o_ref[...] = gamma_ref[...] * out + beta_ref[...]


def kernel(x, edge_index, Wq, bq, Wk, bk, Wm, bm, Watt, Wmsg, prior, Waggr,
           baggr, skip_logit, gamma, beta):
    src = edge_index[0]
    dst = edge_index[1]

    eyeh = jnp.eye(_H, dtype=jnp.float32)
    watt_s = Watt * (prior / jnp.sqrt(jnp.float32(_C)))[:, None, None]
    bwa = jnp.einsum('hcd,hg->hcgd', watt_s, eyeh).reshape(_D, _D)
    bwm = jnp.einsum('hcd,hg->hcgd', Wmsg, eyeh).reshape(_D, _D)

    full = pl.BlockSpec((_D, _D), lambda i: (0, 0))
    row = pl.BlockSpec((1, _D), lambda i: (0, 0))
    blk = pl.BlockSpec((_ROW_BLK, _D), lambda i: (i, 0))

    q, kt, mt = pl.pallas_call(
        _proj_body,
        grid=(_N // _ROW_BLK,),
        in_specs=[blk, full, row, full, row, full, row, full, full],
        out_specs=[blk, blk, blk],
        out_shape=[jax.ShapeDtypeStruct((_N, _D), jnp.bfloat16),
                   jax.ShapeDtypeStruct((_N, _D), jnp.bfloat16),
                   jax.ShapeDtypeStruct((_N, _D), jnp.float32)],
    )(x, Wq, bq.reshape(1, _D), Wk, bk.reshape(1, _D), Wm, bm.reshape(1, _D),
      bwa, bwm)

    q32 = lax.bitcast_convert_type(q.reshape(_N, _D // 2, 2), jnp.int32)
    kt32 = lax.bitcast_convert_type(kt.reshape(_N, _D // 2, 2), jnp.int32)

    zeros = jnp.zeros((_N, _ACC_W), jnp.float32)
    acc = _edge_kernel()(kt32, q32, mt, src, dst, zeros)

    exp_mat = jnp.kron(jnp.eye(16, dtype=jnp.float32)[:, :_H],
                       jnp.ones((1, 16), jnp.float32))

    acc_blk = pl.BlockSpec((_NC, _ROW_BLK, _ACC_W), lambda i: (0, i, 0))
    out = pl.pallas_call(
        _out_body,
        grid=(_N // _ROW_BLK,),
        in_specs=[acc_blk, blk, full, row,
                  pl.BlockSpec(memory_space=pltpu.SMEM), row, row,
                  pl.BlockSpec((16, _D), lambda i: (0, 0))],
        out_specs=blk,
        out_shape=jax.ShapeDtypeStruct((_N, _D), jnp.float32),
    )(acc, x, Waggr, baggr.reshape(1, _D), skip_logit.reshape(1, 1),
      gamma.reshape(1, _D), beta.reshape(1, _D), exp_mat)
    return out

# --- scband reference (transcript-rebuilt; emitter-appended) ---
"""Pipeline reference for scband-hgtgraph-update-66949950210771 (READ-ONLY COPY).

The authoritative reference and input builder live on the scoring server;
editing this copy changes nothing except your own understanding.
"""

import jax, jax.numpy as jnp
import numpy as np

N = 10000
E = 320000
D = 128
H = 8
C = 16


def setup_inputs(seed: int = 0) -> dict:
    key = jax.random.key(seed)
    ks = jax.random.split(key, 16)
    x = jax.random.normal(ks[0], (N, D), dtype=jnp.float32)
    edge_index = jax.random.randint(ks[1], (2, E), 0, N, dtype=jnp.int32)
    s = 0.05
    Wq = jax.random.normal(ks[2], (D, H * C), dtype=jnp.float32) * s
    bq = jnp.zeros((H * C,), dtype=jnp.float32)
    Wk = jax.random.normal(ks[3], (D, H * C), dtype=jnp.float32) * s
    bk = jnp.zeros((H * C,), dtype=jnp.float32)
    Wm = jax.random.normal(ks[4], (D, H * C), dtype=jnp.float32) * s
    bm = jnp.zeros((H * C,), dtype=jnp.float32)
    # per-edge-type, per-head attention and message transforms [H, C, C]
    Watt = jax.random.normal(ks[5], (H, C, C), dtype=jnp.float32) * s
    Wmsg = jax.random.normal(ks[6], (H, C, C), dtype=jnp.float32) * s
    # per-edge-type learnable prior mu per head, initialized to ones
    prior = jnp.ones((H,), dtype=jnp.float32)
    Waggr = jax.random.normal(ks[7], (H * C, H * C), dtype=jnp.float32) * s
    baggr = jnp.zeros((H * C,), dtype=jnp.float32)
    # learnable skip-connection logit (scalar per receiver node set)
    skip_logit = jnp.zeros((), dtype=jnp.float32)
    gamma = jnp.ones((D,), dtype=jnp.float32)
    beta = jnp.zeros((D,), dtype=jnp.float32)
    return {"x": x, "edge_index": edge_index, "Wq": Wq, "bq": bq, "Wk": Wk,
            "bk": bk, "Wm": Wm, "bm": bm, "Watt": Watt, "Wmsg": Wmsg,
            "prior": prior, "Waggr": Waggr, "baggr": baggr,
            "skip_logit": skip_logit, "gamma": gamma, "beta": beta}


def reference(x, edge_index, Wq, bq, Wk, bk, Wm, bm, Watt, Wmsg, prior,
              Waggr, baggr, skip_logit, gamma, beta):
    src = edge_index[0]
    dst = edge_index[1]  # receiver_tag = TARGET
    q = (x @ Wq + bq).reshape(N, H, C)
    k = (x @ Wk + bk).reshape(N, H, C)
    m = (x @ Wm + bm).reshape(N, H, C)
    # gather per edge (SparseCore gather)
    k_e = jnp.take(k, src, axis=0)
    q_e = jnp.take(q, dst, axis=0)
    m_e = jnp.take(m, src, axis=0)
    # per-head edge-type attention transform of keys, then dot with queries
    att_key = jnp.einsum('ehc,hcd->ehd', k_e, Watt)
    score = jnp.einsum('ehd,ehd->eh', att_key, q_e)
    score = score * prior[None, :] / jnp.sqrt(jnp.float32(C))
    # segment softmax over edges sharing the same receiver
    smax = jax.ops.segment_max(score, dst, num_segments=N)
    escore = jnp.exp(score - jnp.take(smax, dst, axis=0))
    denom = jax.ops.segment_sum(escore, dst, num_segments=N)
    att = escore / jnp.take(denom, dst, axis=0)
    # per-head edge-type message transform
    msg = jnp.einsum('ehc,hcd->ehd', m_e, Wmsg)
    weighted = att[..., None] * msg
    pooled = jax.ops.segment_sum(weighted, dst, num_segments=N).reshape(N, H * C)
    act = jax.nn.gelu(pooled)
    aggr = act @ Waggr + baggr
    # learnable weighted skip connection
    gate = jax.nn.sigmoid(skip_logit)
    out = gate * aggr + (1.0 - gate) * x
    # layer norm (keras default epsilon 1e-3)
    mean = jnp.mean(out, axis=-1, keepdims=True)
    var = jnp.var(out, axis=-1, keepdims=True)
    out = (out - mean) / jnp.sqrt(var + 1e-3)
    out = gamma * out + beta
    return out

if __name__ == "__main__":
    import jax
    _d = setup_inputs()
    print(jax.jit(kernel)(*tuple(_d.values())))

</pallas_src>

<mosaic_0001>
#map = affine_map<(d0, d1) -> (0, 0)>
#map1 = affine_map<(d0, d1) -> (0)>
#map2 = affine_map<(d0, d1) -> (0, 0, 0)>
module attributes {stable_mosaic.version = 14 : i64} {
  func.func @_edge_body(%arg0: i32, %arg1: i32, %arg2: memref<10000x64xi32, #tpu.memory_space<hbm>>, %arg3: memref<10000x64xi32, #tpu.memory_space<hbm>>, %arg4: memref<10000x128xf32, #tpu.memory_space<hbm>>, %arg5: memref<320000xi32, #tpu.memory_space<hbm>>, %arg6: memref<320000xi32, #tpu.memory_space<hbm>>, %arg7: memref<10000x144xf32, #tpu.memory_space<hbm>>, %arg8: memref<2x10000x144xf32, #tpu.memory_space<hbm>>, %arg9: memref<2x40xi32, #tpu.memory_space<vmem>>, %arg10: memref<4x40xi32, #tpu.memory_space<vmem>>, %arg11: memref<2x40x64xi32, #tpu.memory_space<vmem>>, %arg12: memref<2x40x64xi32, #tpu.memory_space<vmem>>, %arg13: memref<2x40x128xf32, #tpu.memory_space<vmem>>, %arg14: memref<2x40x144xf32, #tpu.memory_space<vmem>>, %arg15: memref<10000x144xf32, #tpu.memory_space<vmem_shared>>, %arg16: memref<!tpu.dma_semaphore, #tpu.memory_space<semaphore_mem>>, %arg17: memref<!tpu.dma_semaphore, #tpu.memory_space<semaphore_mem>>, %arg18: memref<!tpu.dma_semaphore, #tpu.memory_space<semaphore_mem>>) attributes {dimension_semantics = [#tpu.dimension_semantics<core_parallel>, #tpu.dimension_semantics<subcore_parallel>], iteration_bounds = array<i64: 2, 16>, scalar_prefetch = 0 : i64, scratch_operands = 10 : i64, tpu.core_type = #tpu.core_type<sc_vector_subcore>, window_params = [{transform_indices = #map}, {transform_indices = #map}, {transform_indices = #map}, {transform_indices = #map1}, {transform_indices = #map1}, {transform_indices = #map}, {transform_indices = #map2}]} {
    %mul3A = arith.constant 16 : i32
    %mul3A_0 = arith.muli %arg0, %mul3A : i32
    %add3A = arith.addi %mul3A_0, %arg1 : i32
    %mul3A_1 = arith.constant 625 : i32
    %mul3A_2 = arith.muli %arg1, %mul3A_1 : i32
    %mul3A_3 = arith.constant 625 : i32
    %mul3A_4 = arith.muli %arg1, %mul3A_3 : i32
    "tpu.region"() ({
      %run_scoped3A = tpu.sem_alloc : memref<!tpu.dma_semaphore, #tpu.memory_space<semaphore_mem>>
      %dma_start3A_250 = arith.constant 0 : i32
      %dma_start3A_251 = tpu.memref_slice %arg15[%mul3A_4, %dma_start3A_250] : memref<10000x144xf32, #tpu.memory_space<vmem_shared>> -> memref<625x144xf32, #tpu.memory_space<vmem_shared>>
      %dma_start3A_252 = arith.constant 0 : i32
      %dma_start3A_253 = tpu.memref_slice %arg7[%mul3A_2, %dma_start3A_252] : memref<10000x144xf32, #tpu.memory_space<hbm>> -> memref<625x144xf32, #tpu.memory_space<hbm>>
      tpu.enqueue_dma source(%dma_start3A_253 : memref<625x144xf32, #tpu.memory_space<hbm>>) target(%dma_start3A_251 : memref<625x144xf32, #tpu.memory_space<vmem_shared>>) target_semaphore(%run_scoped3A : memref<!tpu.dma_semaphore, #tpu.memory_space<semaphore_mem>>)
      %dma_wait3A_254 = arith.constant 0 : i32
      %dma_wait3A_255 = tpu.memref_slice %arg15[%mul3A_4, %dma_wait3A_254] : memref<10000x144xf32, #tpu.memory_space<vmem_shared>> -> memref<625x144xf32, #tpu.memory_space<vmem_shared>>
      %dma_wait3A_256 = arith.constant 0 : i32
      %dma_wait3A_257 = tpu.memref_slice %arg7[%mul3A_2, %dma_wait3A_256] : memref<10000x144xf32, #tpu.memory_space<hbm>> -> memref<625x144xf32, #tpu.memory_space<hbm>>
      tpu.wait_dma2 semaphore(%run_scoped3A : memref<!tpu.dma_semaphore, #tpu.memory_space<semaphore_mem>>) src(%dma_wait3A_257 : memref<625x144xf32, #tpu.memory_space<hbm>>) dst(%dma_wait3A_255 : memref<625x144xf32, #tpu.memory_space<vmem_shared>>)
      tpu.yield
    }) : () -> ()
    %barrier3A = arith.constant 0 : index
    tpu.barrier barrier_id(%barrier3A)
    %mul3A_5 = arith.constant 10000 : i32
    %mul3A_6 = arith.muli %add3A, %mul3A_5 : i32
    %iota3A = tpu.iota {dimensions = array<i32: 0>} : vector<16xi32>
    %xor3A = arith.constant 4 : i32
    %xor3A_7 = vector.broadcast %xor3A : i32 to vector<16xi32>
    %xor3A_8 = arith.xori %iota3A, %xor3A_7 : vector<16xi32>
    %xor3A_9 = arith.constant 2 : i32
    %xor3A_10 = vector.broadcast %xor3A_9 : i32 to vector<16xi32>
    %xor3A_11 = arith.xori %iota3A, %xor3A_10 : vector<16xi32>
    %xor3A_12 = arith.constant 1 : i32
    %xor3A_13 = vector.broadcast %xor3A_12 : i32 to vector<16xi32>
    %xor3A_14 = arith.xori %iota3A, %xor3A_13 : vector<16xi32>
    %eq3A = arith.constant 1 : i32
    %eq3A_15 = vector.broadcast %eq3A : i32 to vector<16xi32>
    %eq3A_16 = arith.cmpi eq, %iota3A, %eq3A_15 : vector<16xi32>
    %jit3A = arith.constant 8 : i32
    %jit3A_17 = arith.constant 0 : i32
    %broadcast_in_dim3A = vector.broadcast %jit3A : i32 to vector<16xi32>
    %broadcast_in_dim3A_18 = vector.broadcast %jit3A_17 : i32 to vector<16xi32>
    %select_n3A = arith.select %eq3A_16, %broadcast_in_dim3A, %broadcast_in_dim3A_18 : vector<16xi1>, vector<16xi32>
    %eq3A_19 = arith.constant 3 : i32
    %eq3A_20 = vector.broadcast %eq3A_19 : i32 to vector<16xi32>
    %eq3A_21 = arith.cmpi eq, %iota3A, %eq3A_20 : vector<16xi32>
    %jit3A_22 = arith.constant 8 : i32
    %jit3A_23 = arith.constant 0 : i32
    %broadcast_in_dim3A_24 = vector.broadcast %jit3A_22 : i32 to vector<16xi32>
    %broadcast_in_dim3A_25 = vector.broadcast %jit3A_23 : i32 to vector<16xi32>
    %select_n3A_26 = arith.select %eq3A_21, %broadcast_in_dim3A_24, %broadcast_in_dim3A_25 : vector<16xi1>, vector<16xi32>
    %eq3A_27 = arith.constant 5 : i32
    %eq3A_28 = vector.broadcast %eq3A_27 : i32 to vector<16xi32>
    %eq3A_29 = arith.cmpi eq, %iota3A, %eq3A_28 : vector<16xi32>
    %jit3A_30 = arith.constant 8 : i32
    %jit3A_31 = arith.constant 0 : i32
    %broadcast_in_dim3A_32 = vector.broadcast %jit3A_30 : i32 to vector<16xi32>
    %broadcast_in_dim3A_33 = vector.broadcast %jit3A_31 : i32 to vector<16xi32>
    %select_n3A_34 = arith.select %eq3A_29, %broadcast_in_dim3A_32, %broadcast_in_dim3A_33 : vector<16xi1>, vector<16xi32>
    %eq3A_35 = arith.constant 7 : i32
    %eq3A_36 = vector.broadcast %eq3A_35 : i32 to vector<16xi32>
    %eq3A_37 = arith.cmpi eq, %iota3A, %eq3A_36 : vector<16xi32>
    %jit3A_38 = arith.constant 8 : i32
    %jit3A_39 = arith.constant 0 : i32
    %broadcast_in_dim3A_40 = vector.broadcast %jit3A_38 : i32 to vector<16xi32>
    %broadcast_in_dim3A_41 = vector.broadcast %jit3A_39 : i32 to vector<16xi32>
    %select_n3A_42 = arith.select %eq3A_37, %broadcast_in_dim3A_40, %broadcast_in_dim3A_41 : vector<16xi1>, vector<16xi32>
    %div3A = arith.constant 2 : i32
    %div3A_43 = vector.broadcast %div3A : i32 to vector<16xi32>
    %div3A_44 = arith.divsi %iota3A, %div3A_43 : vector<16xi32>
    %eq3A_45 = arith.constant 0 : i32
    %eq3A_46 = vector.broadcast %eq3A_45 : i32 to vector<16xi32>
    %eq3A_47 = arith.cmpi eq, %div3A_44, %eq3A_46 : vector<16xi32>
    %div3A_48 = arith.constant 2 : i32
    %div3A_49 = vector.broadcast %div3A_48 : i32 to vector<16xi32>
    %div3A_50 = arith.divsi %iota3A, %div3A_49 : vector<16xi32>
    %eq3A_51 = arith.constant 1 : i32
    %eq3A_52 = vector.broadcast %eq3A_51 : i32 to vector<16xi32>
    %eq3A_53 = arith.cmpi eq, %div3A_50, %eq3A_52 : vector<16xi32>
    %div3A_54 = arith.constant 2 : i32
    %div3A_55 = vector.broadcast %div3A_54 : i32 to vector<16xi32>
    %div3A_56 = arith.divsi %iota3A, %div3A_55 : vector<16xi32>
    %eq3A_57 = arith.constant 2 : i32
    %eq3A_58 = vector.broadcast %eq3A_57 : i32 to vector<16xi32>
    %eq3A_59 = arith.cmpi eq, %div3A_56, %eq3A_58 : vector<16xi32>
    %div3A_60 = arith.constant 2 : i32
    %div3A_61 = vector.broadcast %div3A_60 : i32 to vector<16xi32>
    %div3A_62 = arith.divsi %iota3A, %div3A_61 : vector<16xi32>
    %eq3A_63 = arith.constant 3 : i32
    %eq3A_64 = vector.broadcast %eq3A_63 : i32 to vector<16xi32>
    %eq3A_65 = arith.cmpi eq, %div3A_62, %eq3A_64 : vector<16xi32>
    %mul3A_66 = arith.constant 0 : i32
    %mul3A_67 = vector.broadcast %mul3A_66 : i32 to vector<16xi32>
    %mul3A_68 = arith.muli %iota3A, %mul3A_67 : vector<16xi32>
    %add3A_69 = arith.constant 0 : i32
    %add3A_70 = vector.broadcast %add3A_69 : i32 to vector<16xi32>
    %add3A_71 = arith.addi %mul3A_68, %add3A_70 : vector<16xi32>
    %mul3A_72 = arith.constant 0 : i32
    %mul3A_73 = vector.broadcast %mul3A_72 : i32 to vector<16xi32>
    %mul3A_74 = arith.muli %iota3A, %mul3A_73 : vector<16xi32>
    %add3A_75 = arith.constant 1 : i32
    %add3A_76 = vector.broadcast %add3A_75 : i32 to vector<16xi32>
    %add3A_77 = arith.addi %mul3A_74, %add3A_76 : vector<16xi32>
    %mul3A_78 = arith.constant 0 : i32
    %mul3A_79 = vector.broadcast %mul3A_78 : i32 to vector<16xi32>
    %mul3A_80 = arith.muli %iota3A, %mul3A_79 : vector<16xi32>
    %add3A_81 = arith.constant 2 : i32
    %add3A_82 = vector.broadcast %add3A_81 : i32 to vector<16xi32>
    %add3A_83 = arith.addi %mul3A_80, %add3A_82 : vector<16xi32>
    %mul3A_84 = arith.constant 0 : i32
    %mul3A_85 = vector.broadcast %mul3A_84 : i32 to vector<16xi32>
    %mul3A_86 = arith.muli %iota3A, %mul3A_85 : vector<16xi32>
    %add3A_87 = arith.constant 3 : i32
    %add3A_88 = vector.broadcast %add3A_87 : i32 to vector<16xi32>
    %add3A_89 = arith.addi %mul3A_86, %add3A_88 : vector<16xi32>
    %mul3A_90 = arith.constant 0 : i32
    %mul3A_91 = vector.broadcast %mul3A_90 : i32 to vector<16xi32>
    %mul3A_92 = arith.muli %iota3A, %mul3A_91 : vector<16xi32>
    %add3A_93 = arith.constant 4 : i32
    %add3A_94 = vector.broadcast %add3A_93 : i32 to vector<16xi32>
    %add3A_95 = arith.addi %mul3A_92, %add3A_94 : vector<16xi32>
    %mul3A_96 = arith.constant 0 : i32
    %mul3A_97 = vector.broadcast %mul3A_96 : i32 to vector<16xi32>
    %mul3A_98 = arith.muli %iota3A, %mul3A_97 : vector<16xi32>
    %add3A_99 = arith.constant 5 : i32
    %add3A_100 = vector.broadcast %add3A_99 : i32 to vector<16xi32>
    %add3A_101 = arith.addi %mul3A_98, %add3A_100 : vector<16xi32>
    %mul3A_102 = arith.constant 0 : i32
    %mul3A_103 = vector.broadcast %mul3A_102 : i32 to vector<16xi32>
    %mul3A_104 = arith.muli %iota3A, %mul3A_103 : vector<16xi32>
    %add3A_105 = arith.constant 6 : i32
    %add3A_106 = vector.broadcast %add3A_105 : i32 to vector<16xi32>
    %add3A_107 = arith.addi %mul3A_104, %add3A_106 : vector<16xi32>
    %mul3A_108 = arith.constant 0 : i32
    %mul3A_109 = vector.broadcast %mul3A_108 : i32 to vector<16xi32>
    %mul3A_110 = arith.muli %iota3A, %mul3A_109 : vector<16xi32>
    %add3A_111 = arith.constant 7 : i32
    %add3A_112 = vector.broadcast %add3A_111 : i32 to vector<16xi32>
    %add3A_113 = arith.addi %mul3A_110, %add3A_112 : vector<16xi32>
    %add3A_114 = arith.constant 0 : i32
    %add3A_115 = arith.addi %mul3A_6, %add3A_114 : i32
    %rem3A = arith.constant 0 : i32
    %rem3A_116 = arith.constant 2 : i32
    %rem3A_117 = arith.remsi %rem3A, %rem3A_116 : i32
    %dma_start3A = arith.constant 0 : i32
    %dma_start3A_118 = tpu.memref_slice %arg9[%rem3A_117, %dma_start3A] : memref<2x40xi32, #tpu.memory_space<vmem>> -> memref<1x40xi32, #tpu.memory_space<vmem>>
    %dma_start3A_119 = tpu.memref_squeeze %dma_start3A_118 : memref<1x40xi32, #tpu.memory_space<vmem>> -> memref<40xi32, #tpu.memory_space<vmem>>
    %dma_start3A_120 = tpu.memref_slice %arg5[%add3A_115] : memref<320000xi32, #tpu.memory_space<hbm>> -> memref<40xi32, #tpu.memory_space<hbm>>
    %dma_start3A_121 = arith.constant 0 : i32
    %dma_start3A_122 = tpu.memref_slice %arg9[%rem3A_117, %dma_start3A_121] : memref<2x40xi32, #tpu.memory_space<vmem>> -> memref<1x40xi32, #tpu.memory_space<vmem>>
    %dma_start3A_123 = tpu.memref_squeeze %dma_start3A_122 : memref<1x40xi32, #tpu.memory_space<vmem>> -> memref<40xi32, #tpu.memory_space<vmem>>
    %dma_start3A_124 = tpu.memref_slice %arg5[%add3A_115] : memref<320000xi32, #tpu.memory_space<hbm>> -> memref<40xi32, #tpu.memory_space<hbm>>
    tpu.enqueue_dma source(%dma_start3A_124 : memref<40xi32, #tpu.memory_space<hbm>>) target(%dma_start3A_123 : memref<40xi32, #tpu.memory_space<vmem>>) target_semaphore(%arg16 : memref<!tpu.dma_semaphore, #tpu.memory_space<semaphore_mem>>)
    %dma_start3A_125 = arith.constant 0 : i32
    %dma_start3A_126 = arith.constant 0 : i32
    %dma_start3A_127 = tpu.memref_slice %arg10[%dma_start3A_125, %dma_start3A_126] : memref<4x40xi32, #tpu.memory_space<vmem>> -> memref<1x40xi32, #tpu.memory_space<vmem>>
    %dma_start3A_128 = tpu.memref_squeeze %dma_start3A_127 : memref<1x40xi32, #tpu.memory_space<vmem>> -> memref<40xi32, #tpu.memory_space<vmem>>
    %dma_start3A_129 = tpu.memref_slice %arg6[%add3A_115] : memref<320000xi32, #tpu.memory_space<hbm>> -> memref<40xi32, #tpu.memory_space<hbm>>
    %dma_start3A_130 = arith.constant 0 : i32
    %dma_start3A_131 = tpu.memref_slice %arg10[%dma_start3A_125, %dma_start3A_130] : memref<4x40xi32, #tpu.memory_space<vmem>> -> memref<1x40xi32, #tpu.memory_space<vmem>>
    %dma_start3A_132 = tpu.memref_squeeze %dma_start3A_131 : memref<1x40xi32, #tpu.memory_space<vmem>> -> memref<40xi32, #tpu.memory_space<vmem>>
    %dma_start3A_133 = tpu.memref_slice %arg6[%add3A_115] : memref<320000xi32, #tpu.memory_space<hbm>> -> memref<40xi32, #tpu.memory_space<hbm>>
    tpu.enqueue_dma source(%dma_start3A_133 : memref<40xi32, #tpu.memory_space<hbm>>) target(%dma_start3A_132 : memref<40xi32, #tpu.memory_space<vmem>>) target_semaphore(%arg16 : memref<!tpu.dma_semaphore, #tpu.memory_space<semaphore_mem>>)
    %rem3A_134 = arith.constant 0 : i32
    %rem3A_135 = arith.constant 2 : i32
    %rem3A_136 = arith.remsi %rem3A_134, %rem3A_135 : i32
    %dma_wait3A = arith.constant 0 : i32
    %dma_wait3A_137 = tpu.memref_slice %arg9[%rem3A_136, %dma_wait3A] : memref<2x40xi32, #tpu.memory_space<vmem>> -> memref<1x40xi32, #tpu.memory_space<vmem>>
    %dma_wait3A_138 = tpu.memref_squeeze %dma_wait3A_137 : memref<1x40xi32, #tpu.memory_space<vmem>> -> memref<40xi32, #tpu.memory_space<vmem>>
    %dma_wait3A_139 = arith.constant 0 : i32
    %dma_wait3A_140 = tpu.memref_slice %arg5[%dma_wait3A_139] : memref<320000xi32, #tpu.memory_space<hbm>> -> memref<40xi32, #tpu.memory_space<hbm>>
    %dma_wait3A_141 = arith.constant 0 : i32
    %dma_wait3A_142 = tpu.memref_slice %arg9[%rem3A_136, %dma_wait3A_141] : memref<2x40xi32, #tpu.memory_space<vmem>> -> memref<1x40xi32, #tpu.memory_space<vmem>>
    %dma_wait3A_143 = tpu.memref_squeeze %dma_wait3A_142 : memref<1x40xi32, #tpu.memory_space<vmem>> -> memref<40xi32, #tpu.memory_space<vmem>>
    %dma_wait3A_144 = arith.constant 0 : i32
    %dma_wait3A_145 = tpu.memref_slice %arg5[%dma_wait3A_144] : memref<320000xi32, #tpu.memory_space<hbm>> -> memref<40xi32, #tpu.memory_space<hbm>>
    tpu.wait_dma2 semaphore(%arg16 : memref<!tpu.dma_semaphore, #tpu.memory_space<semaphore_mem>>) src(%dma_wait3A_145 : memref<40xi32, #tpu.memory_space<hbm>>) dst(%dma_wait3A_143 : memref<40xi32, #tpu.memory_space<vmem>>)
    %dma_wait3A_146 = arith.constant 0 : i32
    %dma_wait3A_147 = arith.constant 0 : i32
    %dma_wait3A_148 = tpu.memref_slice %arg10[%dma_wait3A_146, %dma_wait3A_147] : memref<4x40xi32, #tpu.memory_space<vmem>> -> memref<1x40xi32, #tpu.memory_space<vmem>>
    %dma_wait3A_149 = tpu.memref_squeeze %dma_wait3A_148 : memref<1x40xi32, #tpu.memory_space<vmem>> -> memref<40xi32, #tpu.memory_space<vmem>>
    %dma_wait3A_150 = arith.constant 0 : i32
    %dma_wait3A_151 = tpu.memref_slice %arg6[%dma_wait3A_150] : memref<320000xi32, #tpu.memory_space<hbm>> -> memref<40xi32, #tpu.memory_space<hbm>>
    %dma_wait3A_152 = arith.constant 0 : i32
    %dma_wait3A_153 = tpu.memref_slice %arg10[%dma_wait3A_146, %dma_wait3A_152] : memref<4x40xi32, #tpu.memory_space<vmem>> -> memref<1x40xi32, #tpu.memory_space<vmem>>
    %dma_wait3A_154 = tpu.memref_squeeze %dma_wait3A_153 : memref<1x40xi32, #tpu.memory_space<vmem>> -> memref<40xi32, #tpu.memory_space<vmem>>
    %dma_wait3A_155 = arith.constant 0 : i32
    %dma_wait3A_156 = tpu.memref_slice %arg6[%dma_wait3A_155] : memref<320000xi32, #tpu.memory_space<hbm>> -> memref<40xi32, #tpu.memory_space<hbm>>
    tpu.wait_dma2 semaphore(%arg16 : memref<!tpu.dma_semaphore, #tpu.memory_space<semaphore_mem>>) src(%dma_wait3A_156 : memref<40xi32, #tpu.memory_space<hbm>>) dst(%dma_wait3A_154 : memref<40xi32, #tpu.memory_space<vmem>>)
    %dma_start3A_157 = arith.constant 0 : i32
    %dma_start3A_158 = arith.constant 0 : i32
    %dma_start3A_159 = arith.constant 0 : i32
    %dma_start3A_160 = arith.constant 0 : i32
    %dma_start3A_161 = tpu.memref_slice %arg11[%dma_start3A_158, %dma_start3A_159, %dma_start3A_160] : memref<2x40x64xi32, #tpu.memory_space<vmem>> -> memref<1x40x64xi32, #tpu.memory_space<vmem>>
    %dma_start3A_162 = tpu.memref_squeeze %dma_start3A_161 : memref<1x40x64xi32, #tpu.memory_space<vmem>> -> memref<40x64xi32, #tpu.memory_space<vmem>>
    %dma_start3A_163 = arith.constant 0 : i32
    %dma_start3A_164 = tpu.memref_slice %arg9[%dma_start3A_157, %dma_start3A_163] : memref<2x40xi32, #tpu.memory_space<vmem>> -> memref<1x40xi32, #tpu.memory_space<vmem>>
    %dma_start3A_165 = tpu.memref_squeeze %dma_start3A_164 : memref<1x40xi32, #tpu.memory_space<vmem>> -> memref<40xi32, #tpu.memory_space<vmem>>
    %dma_start3A_166 = arith.constant 0 : i32
    %dma_start3A_167 = arith.constant 0 : i32
    %dma_start3A_168 = tpu.memref_slice %arg2[%dma_start3A_166, %dma_start3A_167] : memref<10000x64xi32, #tpu.memory_space<hbm>> -> memref<10000x64xi32, #tpu.memory_space<hbm>>
    tpu.enqueue_indirect_dma source(%dma_start3A_168 : memref<10000x64xi32, #tpu.memory_space<hbm>>) target(%dma_start3A_162 : memref<40x64xi32, #tpu.memory_space<vmem>>) offsets(%dma_start3A_165 : memref<40xi32, #tpu.memory_space<vmem>>) semaphore(%arg17 : memref<!tpu.dma_semaphore, #tpu.memory_space<semaphore_mem>>)
    %dma_start3A_169 = arith.constant 0 : i32
    %dma_start3A_170 = arith.constant 0 : i32
    %dma_start3A_171 = arith.constant 0 : i32
    %dma_start3A_172 = arith.constant 0 : i32
    %dma_start3A_173 = tpu.memref_slice %arg12[%dma_start3A_170, %dma_start3A_171, %dma_start3A_172] : memref<2x40x64xi32, #tpu.memory_space<vmem>> -> memref<1x40x64xi32, #tpu.memory_space<vmem>>
    %dma_start3A_174 = tpu.memref_squeeze %dma_start3A_173 : memref<1x40x64xi32, #tpu.memory_space<vmem>> -> memref<40x64xi32, #tpu.memory_space<vmem>>
    %dma_start3A_175 = arith.constant 0 : i32
    %dma_start3A_176 = tpu.memref_slice %arg10[%dma_start3A_169, %dma_start3A_175] : memref<4x40xi32, #tpu.memory_space<vmem>> -> memref<1x40xi32, #tpu.memory_space<vmem>>
    %dma_start3A_177 = tpu.memref_squeeze %dma_start3A_176 : memref<1x40xi32, #tpu.memory_space<vmem>> -> memref<40xi32, #tpu.memory_space<vmem>>
    %dma_start3A_178 = arith.constant 0 : i32
    %dma_start3A_179 = arith.constant 0 : i32
    %dma_start3A_180 = tpu.memref_slice %arg3[%dma_start3A_178, %dma_start3A_179] : memref<10000x64xi32, #tpu.memory_space<hbm>> -> memref<10000x64xi32, #tpu.memory_space<hbm>>
    tpu.enqueue_indirect_dma source(%dma_start3A_180 : memref<10000x64xi32, #tpu.memory_space<hbm>>) target(%dma_start3A_174 : memref<40x64xi32, #tpu.memory_space<vmem>>) offsets(%dma_start3A_177 : memref<40xi32, #tpu.memory_space<vmem>>) semaphore(%arg17 : memref<!tpu.dma_semaphore, #tpu.memory_space<semaphore_mem>>)
    %dma_start3A_181 = arith.constant 0 : i32
    %dma_start3A_182 = arith.constant 0 : i32
    %dma_start3A_183 = arith.constant 0 : i32
    %dma_start3A_184 = arith.constant 0 : i32
    %dma_start3A_185 = tpu.memref_slice %arg13[%dma_start3A_182, %dma_start3A_183, %dma_start3A_184] : memref<2x40x128xf32, #tpu.memory_space<vmem>> -> memref<1x40x128xf32, #tpu.memory_space<vmem>>
    %dma_start3A_186 = tpu.memref_squeeze %dma_start3A_185 : memref<1x40x128xf32, #tpu.memory_space<vmem>> -> memref<40x128xf32, #tpu.memory_space<vmem>>
    %dma_start3A_187 = arith.constant 0 : i32
    %dma_start3A_188 = tpu.memref_slice %arg9[%dma_start3A_181, %dma_start3A_187] : memref<2x40xi32, #tpu.memory_space<vmem>> -> memref<1x40xi32, #tpu.memory_space<vmem>>
    %dma_start3A_189 = tpu.memref_squeeze %dma_start3A_188 : memref<1x40xi32, #tpu.memory_space<vmem>> -> memref<40xi32, #tpu.memory_space<vmem>>
    %dma_start3A_190 = arith.constant 0 : i32
    %dma_start3A_191 = arith.constant 0 : i32
    %dma_start3A_192 = tpu.memref_slice %arg4[%dma_start3A_190, %dma_start3A_191] : memref<10000x128xf32, #tpu.memory_space<hbm>> -> memref<10000x128xf32, #tpu.memory_space<hbm>>
    tpu.enqueue_indirect_dma source(%dma_start3A_192 : memref<10000x128xf32, #tpu.memory_space<hbm>>) target(%dma_start3A_186 : memref<40x128xf32, #tpu.memory_space<vmem>>) offsets(%dma_start3A_189 : memref<40xi32, #tpu.memory_space<vmem>>) semaphore(%arg17 : memref<!tpu.dma_semaphore, #tpu.memory_space<semaphore_mem>>)
    %add3A_193 = arith.constant 40 : i32
    %add3A_194 = arith.addi %mul3A_6, %add3A_193 : i32
    %rem3A_195 = arith.constant 1 : i32
    %rem3A_196 = arith.constant 2 : i32
    %rem3A_197 = arith.remsi %rem3A_195, %rem3A_196 : i32
    %dma_start3A_198 = arith.constant 0 : i32
    %dma_start3A_199 = tpu.memref_slice %arg9[%rem3A_197, %dma_start3A_198] : memref<2x40xi32, #tpu.memory_space<vmem>> -> memref<1x40xi32, #tpu.memory_space<vmem>>
    %dma_start3A_200 = tpu.memref_squeeze %dma_start3A_199 : memref<1x40xi32, #tpu.memory_space<vmem>> -> memref<40xi32, #tpu.memory_space<vmem>>
    %dma_start3A_201 = tpu.memref_slice %arg5[%add3A_194] : memref<320000xi32, #tpu.memory_space<hbm>> -> memref<40xi32, #tpu.memory_space<hbm>>
    %dma_start3A_202 = arith.constant 0 : i32
    %dma_start3A_203 = tpu.memref_slice %arg9[%rem3A_197, %dma_start3A_202] : memref<2x40xi32, #tpu.memory_space<vmem>> -> memref<1x40xi32, #tpu.memory_space<vmem>>
    %dma_start3A_204 = tpu.memref_squeeze %dma_start3A_203 : memref<1x40xi32, #tpu.memory_space<vmem>> -> memref<40xi32, #tpu.memory_space<vmem>>
    %dma_start3A_205 = tpu.memref_slice %arg5[%add3A_194] : memref<320000xi32, #tpu.memory_space<hbm>> -> memref<40xi32, #tpu.memory_space<hbm>>
    tpu.enqueue_dma source(%dma_start3A_205 : memref<40xi32, #tpu.memory_space<hbm>>) target(%dma_start3A_204 : memref<40xi32, #tpu.memory_space<vmem>>) target_semaphore(%arg16 : memref<!tpu.dma_semaphore, #tpu.memory_space<semaphore_mem>>)
    %dma_start3A_206 = arith.constant 1 : i32
    %dma_start3A_207 = arith.constant 0 : i32
    %dma_start3A_208 = tpu.memref_slice %arg10[%dma_start3A_206, %dma_start3A_207] : memref<4x40xi32, #tpu.memory_space<vmem>> -> memref<1x40xi32, #tpu.memory_space<vmem>>
    %dma_start3A_209 = tpu.memref_squeeze %dma_start3A_208 : memref<1x40xi32, #tpu.memory_space<vmem>> -> memref<40xi32, #tpu.memory_space<vmem>>
    %dma_start3A_210 = tpu.memref_slice %arg6[%add3A_194] : memref<320000xi32, #tpu.memory_space<hbm>> -> memref<40xi32, #tpu.memory_space<hbm>>
    %dma_start3A_211 = arith.constant 0 : i32
    %dma_start3A_212 = tpu.memref_slice %arg10[%dma_start3A_206, %dma_start3A_211] : memref<4x40xi32, #tpu.memory_space<vmem>> -> memref<1x40xi32, #tpu.memory_space<vmem>>
    %dma_start3A_213 = tpu.memref_squeeze %dma_start3A_212 : memref<1x40xi32, #tpu.memory_space<vmem>> -> memref<40xi32, #tpu.memory_space<vmem>>
    %dma_start3A_214 = tpu.memref_slice %arg6[%add3A_194] : memref<320000xi32, #tpu.memory_space<hbm>> -> memref<40xi32, #tpu.memory_space<hbm>>
    tpu.enqueue_dma source(%dma_start3A_214 : memref<40xi32, #tpu.memory_space<hbm>>) target(%dma_start3A_213 : memref<40xi32, #tpu.memory_space<vmem>>) target_semaphore(%arg16 : memref<!tpu.dma_semaphore, #tpu.memory_space<semaphore_mem>>)
    %scan3A = arith.constant 0 : i32
    %scan3A_215 = arith.constant -65536 : i32
    %scan3A_216 = arith.constant 0 : i32
    %scan3A_217 = arith.constant 250 : i32
    %scan3A_218 = arith.addi %scan3A_216, %scan3A_217 : i32
    %scan3A_219 = arith.constant 1 : i32
    scf.for %scan3A_250 = %scan3A_216 to %scan3A_218 step %scan3A_219  : i32 {
      %rem3A_251 = arith.constant 2 : i32
      %rem3A_252 = arith.remsi %scan3A_250, %rem3A_251 : i32
      %sub3A = arith.constant 1 : i32
      %sub3A_253 = arith.subi %sub3A, %rem3A_252 : i32
      %rem3A_254 = arith.constant 4 : i32
      %rem3A_255 = arith.remsi %scan3A_250, %rem3A_254 : i32
      %dma_wait3A_256 = arith.constant 0 : i32
      %dma_wait3A_257 = arith.constant 0 : i32
      %dma_wait3A_258 = tpu.memref_slice %arg11[%rem3A_252, %dma_wait3A_256, %dma_wait3A_257] : memref<2x40x64xi32, #tpu.memory_space<vmem>> -> memref<1x40x64xi32, #tpu.memory_space<vmem>>
      %dma_wait3A_259 = tpu.memref_squeeze %dma_wait3A_258 : memref<1x40x64xi32, #tpu.memory_space<vmem>> -> memref<40x64xi32, #tpu.memory_space<vmem>>
      %dma_wait3A_260 = arith.constant 0 : i32
      %dma_wait3A_261 = tpu.memref_slice %arg9[%rem3A_252, %dma_wait3A_260] : memref<2x40xi32, #tpu.memory_space<vmem>> -> memref<1x40xi32, #tpu.memory_space<vmem>>
      %dma_wait3A_262 = tpu.memref_squeeze %dma_wait3A_261 : memref<1x40xi32, #tpu.memory_space<vmem>> -> memref<40xi32, #tpu.memory_space<vmem>>
      %dma_wait3A_263 = arith.constant 0 : i32
      %dma_wait3A_264 = arith.constant 0 : i32
      %dma_wait3A_265 = tpu.memref_slice %arg2[%dma_wait3A_263, %dma_wait3A_264] : memref<10000x64xi32, #tpu.memory_space<hbm>> -> memref<10000x64xi32, #tpu.memory_space<hbm>>
      tpu.wait_indirect_dma semaphore(%arg17 : memref<!tpu.dma_semaphore, #tpu.memory_space<semaphore_mem>>) src(%dma_wait3A_265 : memref<10000x64xi32, #tpu.memory_space<hbm>>) dst(%dma_wait3A_259 : memref<40x64xi32, #tpu.memory_space<vmem>>)
      %dma_wait3A_266 = arith.constant 0 : i32
      %dma_wait3A_267 = arith.constant 0 : i32
      %dma_wait3A_268 = tpu.memref_slice %arg12[%rem3A_252, %dma_wait3A_266, %dma_wait3A_267] : memref<2x40x64xi32, #tpu.memory_space<vmem>> -> memref<1x40x64xi32, #tpu.memory_space<vmem>>
      %dma_wait3A_269 = tpu.memref_squeeze %dma_wait3A_268 : memref<1x40x64xi32, #tpu.memory_space<vmem>> -> memref<40x64xi32, #tpu.memory_space<vmem>>
      %dma_wait3A_270 = arith.constant 0 : i32
      %dma_wait3A_271 = tpu.memref_slice %arg10[%rem3A_255, %dma_wait3A_270] : memref<4x40xi32, #tpu.memory_space<vmem>> -> memref<1x40xi32, #tpu.memory_space<vmem>>
      %dma_wait3A_272 = tpu.memref_squeeze %dma_wait3A_271 : memref<1x40xi32, #tpu.memory_space<vmem>> -> memref<40xi32, #tpu.memory_space<vmem>>
      %dma_wait3A_273 = arith.constant 0 : i32
      %dma_wait3A_274 = arith.constant 0 : i32
      %dma_wait3A_275 = tpu.memref_slice %arg3[%dma_wait3A_273, %dma_wait3A_274] : memref<10000x64xi32, #tpu.memory_space<hbm>> -> memref<10000x64xi32, #tpu.memory_space<hbm>>
      tpu.wait_indirect_dma semaphore(%arg17 : memref<!tpu.dma_semaphore, #tpu.memory_space<semaphore_mem>>) src(%dma_wait3A_275 : memref<10000x64xi32, #tpu.memory_space<hbm>>) dst(%dma_wait3A_269 : memref<40x64xi32, #tpu.memory_space<vmem>>)
      %dma_wait3A_276 = arith.constant 0 : i32
      %dma_wait3A_277 = arith.constant 0 : i32
      %dma_wait3A_278 = tpu.memref_slice %arg13[%rem3A_252, %dma_wait3A_276, %dma_wait3A_277] : memref<2x40x128xf32, #tpu.memory_space<vmem>> -> memref<1x40x128xf32, #tpu.memory_space<vmem>>
      %dma_wait3A_279 = tpu.memref_squeeze %dma_wait3A_278 : memref<1x40x128xf32, #tpu.memory_space<vmem>> -> memref<40x128xf32, #tpu.memory_space<vmem>>
      %dma_wait3A_280 = arith.constant 0 : i32
      %dma_wait3A_281 = tpu.memref_slice %arg9[%rem3A_252, %dma_wait3A_280] : memref<2x40xi32, #tpu.memory_space<vmem>> -> memref<1x40xi32, #tpu.memory_space<vmem>>
      %dma_wait3A_282 = tpu.memref_squeeze %dma_wait3A_281 : memref<1x40xi32, #tpu.memory_space<vmem>> -> memref<40xi32, #tpu.memory_space<vmem>>
      %dma_wait3A_283 = arith.constant 0 : i32
      %dma_wait3A_284 = arith.constant 0 : i32
      %dma_wait3A_285 = tpu.memref_slice %arg4[%dma_wait3A_283, %dma_wait3A_284] : memref<10000x128xf32, #tpu.memory_space<hbm>> -> memref<10000x128xf32, #tpu.memory_space<hbm>>
      tpu.wait_indirect_dma semaphore(%arg17 : memref<!tpu.dma_semaphore, #tpu.memory_space<semaphore_mem>>) src(%dma_wait3A_285 : memref<10000x128xf32, #tpu.memory_space<hbm>>) dst(%dma_wait3A_279 : memref<40x128xf32, #tpu.memory_space<vmem>>)
      %add3A_286 = arith.constant 1 : i32
      %add3A_287 = arith.addi %scan3A_250, %add3A_286 : i32
      %lt3A = arith.constant 250 : i32
      %lt3A_288 = arith.cmpi slt, %add3A_287, %lt3A : i32
      %convert_element_type3A = arith.extui %lt3A_288 : i1 to i32
      %cond3A = arith.constant 0 : i32
      %cond3A_289 = arith.cmpi ne, %convert_element_type3A, %cond3A : i32
      scf.if %cond3A_289 {
        %add3A_313 = arith.constant 1 : i32
        %add3A_314 = arith.addi %rem3A_255, %add3A_313 : i32
        %rem3A_315 = arith.constant 4 : i32
        %rem3A_316 = arith.remsi %add3A_314, %rem3A_315 : i32
        %rem3A_317 = arith.constant 2 : i32
        %rem3A_318 = arith.remsi %rem3A_316, %rem3A_317 : i32
        %dma_wait3A_319 = arith.constant 0 : i32
        %dma_wait3A_320 = tpu.memref_slice %arg9[%rem3A_318, %dma_wait3A_319] : memref<2x40xi32, #tpu.memory_space<vmem>> -> memref<1x40xi32, #tpu.memory_space<vmem>>
        %dma_wait3A_321 = tpu.memref_squeeze %dma_wait3A_320 : memref<1x40xi32, #tpu.memory_space<vmem>> -> memref<40xi32, #tpu.memory_space<vmem>>
        %dma_wait3A_322 = arith.constant 0 : i32
        %dma_wait3A_323 = tpu.memref_slice %arg5[%dma_wait3A_322] : memref<320000xi32, #tpu.memory_space<hbm>> -> memref<40xi32, #tpu.memory_space<hbm>>
        %dma_wait3A_324 = arith.constant 0 : i32
        %dma_wait3A_325 = tpu.memref_slice %arg9[%rem3A_318, %dma_wait3A_324] : memref<2x40xi32, #tpu.memory_space<vmem>> -> memref<1x40xi32, #tpu.memory_space<vmem>>
        %dma_wait3A_326 = tpu.memref_squeeze %dma_wait3A_325 : memref<1x40xi32, #tpu.memory_space<vmem>> -> memref<40xi32, #tpu.memory_space<vmem>>
        %dma_wait3A_327 = arith.constant 0 : i32
        %dma_wait3A_328 = tpu.memref_slice %arg5[%dma_wait3A_327] : memref<320000xi32, #tpu.memory_space<hbm>> -> memref<40xi32, #tpu.memory_space<hbm>>
        tpu.wait_dma2 semaphore(%arg16 : memref<!tpu.dma_semaphore, #tpu.memory_space<semaphore_mem>>) src(%dma_wait3A_328 : memref<40xi32, #tpu.memory_space<hbm>>) dst(%dma_wait3A_326 : memref<40xi32, #tpu.memory_space<vmem>>)
        %dma_wait3A_329 = arith.constant 0 : i32
        %dma_wait3A_330 = tpu.memref_slice %arg10[%rem3A_316, %dma_wait3A_329] : memref<4x40xi32, #tpu.memory_space<vmem>> -> memref<1x40xi32, #tpu.memory_space<vmem>>
        %dma_wait3A_331 = tpu.memref_squeeze %dma_wait3A_330 : memref<1x40xi32, #tpu.memory_space<vmem>> -> memref<40xi32, #tpu.memory_space<vmem>>
        %dma_wait3A_332 = arith.constant 0 : i32
        %dma_wait3A_333 = tpu.memref_slice %arg6[%dma_wait3A_332] : memref<320000xi32, #tpu.memory_space<hbm>> -> memref<40xi32, #tpu.memory_space<hbm>>
        %dma_wait3A_334 = arith.constant 0 : i32
        %dma_wait3A_335 = tpu.memref_slice %arg10[%rem3A_316, %dma_wait3A_334] : memref<4x40xi32, #tpu.memory_space<vmem>> -> memref<1x40xi32, #tpu.memory_space<vmem>>
        %dma_wait3A_336 = tpu.memref_squeeze %dma_wait3A_335 : memref<1x40xi32, #tpu.memory_space<vmem>> -> memref<40xi32, #tpu.memory_space<vmem>>
        %dma_wait3A_337 = arith.constant 0 : i32
        %dma_wait3A_338 = tpu.memref_slice %arg6[%dma_wait3A_337] : memref<320000xi32, #tpu.memory_space<hbm>> -> memref<40xi32, #tpu.memory_space<hbm>>
        tpu.wait_dma2 semaphore(%arg16 : memref<!tpu.dma_semaphore, #tpu.memory_space<semaphore_mem>>) src(%dma_wait3A_338 : memref<40xi32, #tpu.memory_space<hbm>>) dst(%dma_wait3A_336 : memref<40xi32, #tpu.memory_space<vmem>>)
        %add3A_339 = arith.constant 1 : i32
        %add3A_340 = arith.addi %rem3A_255, %add3A_339 : i32
        %rem3A_341 = arith.constant 4 : i32
        %rem3A_342 = arith.remsi %add3A_340, %rem3A_341 : i32
        %dma_start3A_343 = arith.constant 0 : i32
        %dma_start3A_344 = arith.constant 0 : i32
        %dma_start3A_345 = tpu.memref_slice %arg11[%sub3A_253, %dma_start3A_343, %dma_start3A_344] : memref<2x40x64xi32, #tpu.memory_space<vmem>> -> memref<1x40x64xi32, #tpu.memory_space<vmem>>
        %dma_start3A_346 = tpu.memref_squeeze %dma_start3A_345 : memref<1x40x64xi32, #tpu.memory_space<vmem>> -> memref<40x64xi32, #tpu.memory_space<vmem>>
        %dma_start3A_347 = arith.constant 0 : i32
        %dma_start3A_348 = tpu.memref_slice %arg9[%sub3A_253, %dma_start3A_347] : memref<2x40xi32, #tpu.memory_space<vmem>> -> memref<1x40xi32, #tpu.memory_space<vmem>>
        %dma_start3A_349 = tpu.memref_squeeze %dma_start3A_348 : memref<1x40xi32, #tpu.memory_space<vmem>> -> memref<40xi32, #tpu.memory_space<vmem>>
        %dma_start3A_350 = arith.constant 0 : i32
        %dma_start3A_351 = arith.constant 0 : i32
        %dma_start3A_352 = tpu.memref_slice %arg2[%dma_start3A_350, %dma_start3A_351] : memref<10000x64xi32, #tpu.memory_space<hbm>> -> memref<10000x64xi32, #tpu.memory_space<hbm>>
        tpu.enqueue_indirect_dma source(%dma_start3A_352 : memref<10000x64xi32, #tpu.memory_space<hbm>>) target(%dma_start3A_346 : memref<40x64xi32, #tpu.memory_space<vmem>>) offsets(%dma_start3A_349 : memref<40xi32, #tpu.memory_space<vmem>>) semaphore(%arg17 : memref<!tpu.dma_semaphore, #tpu.memory_space<semaphore_mem>>)
        %dma_start3A_353 = arith.constant 0 : i32
        %dma_start3A_354 = arith.constant 0 : i32
        %dma_start3A_355 = tpu.memref_slice %arg12[%sub3A_253, %dma_start3A_353, %dma_start3A_354] : memref<2x40x64xi32, #tpu.memory_space<vmem>> -> memref<1x40x64xi32, #tpu.memory_space<vmem>>
        %dma_start3A_356 = tpu.memref_squeeze %dma_start3A_355 : memref<1x40x64xi32, #tpu.memory_space<vmem>> -> memref<40x64xi32, #tpu.memory_space<vmem>>
        %dma_start3A_357 = arith.constant 0 : i32
        %dma_start3A_358 = tpu.memref_slice %arg10[%rem3A_342, %dma_start3A_357] : memref<4x40xi32, #tpu.memory_space<vmem>> -> memref<1x40xi32, #tpu.memory_space<vmem>>
        %dma_start3A_359 = tpu.memref_squeeze %dma_start3A_358 : memref<1x40xi32, #tpu.memory_space<vmem>> -> memref<40xi32, #tpu.memory_space<vmem>>
        %dma_start3A_360 = arith.constant 0 : i32
        %dma_start3A_361 = arith.constant 0 : i32
        %dma_start3A_362 = tpu.memref_slice %arg3[%dma_start3A_360, %dma_start3A_361] : memref<10000x64xi32, #tpu.memory_space<hbm>> -> memref<10000x64xi32, #tpu.memory_space<hbm>>
        tpu.enqueue_indirect_dma source(%dma_start3A_362 : memref<10000x64xi32, #tpu.memory_space<hbm>>) target(%dma_start3A_356 : memref<40x64xi32, #tpu.memory_space<vmem>>) offsets(%dma_start3A_359 : memref<40xi32, #tpu.memory_space<vmem>>) semaphore(%arg17 : memref<!tpu.dma_semaphore, #tpu.memory_space<semaphore_mem>>)
        %dma_start3A_363 = arith.constant 0 : i32
        %dma_start3A_364 = arith.constant 0 : i32
        %dma_start3A_365 = tpu.memref_slice %arg13[%sub3A_253, %dma_start3A_363, %dma_start3A_364] : memref<2x40x128xf32, #tpu.memory_space<vmem>> -> memref<1x40x128xf32, #tpu.memory_space<vmem>>
        %dma_start3A_366 = tpu.memref_squeeze %dma_start3A_365 : memref<1x40x128xf32, #tpu.memory_space<vmem>> -> memref<40x128xf32, #tpu.memory_space<vmem>>
        %dma_start3A_367 = arith.constant 0 : i32
        %dma_start3A_368 = tpu.memref_slice %arg9[%sub3A_253, %dma_start3A_367] : memref<2x40xi32, #tpu.memory_space<vmem>> -> memref<1x40xi32, #tpu.memory_space<vmem>>
        %dma_start3A_369 = tpu.memref_squeeze %dma_start3A_368 : memref<1x40xi32, #tpu.memory_space<vmem>> -> memref<40xi32, #tpu.memory_space<vmem>>
        %dma_start3A_370 = arith.constant 0 : i32
        %dma_start3A_371 = arith.constant 0 : i32
        %dma_start3A_372 = tpu.memref_slice %arg4[%dma_start3A_370, %dma_start3A_371] : memref<10000x128xf32, #tpu.memory_space<hbm>> -> memref<10000x128xf32, #tpu.memory_space<hbm>>
        tpu.enqueue_indirect_dma source(%dma_start3A_372 : memref<10000x128xf32, #tpu.memory_space<hbm>>) target(%dma_start3A_366 : memref<40x128xf32, #tpu.memory_space<vmem>>) offsets(%dma_start3A_369 : memref<40xi32, #tpu.memory_space<vmem>>) semaphore(%arg17 : memref<!tpu.dma_semaphore, #tpu.memory_space<semaphore_mem>>)
      } else {
      }
      %ge3A = arith.constant 2 : i32
      %ge3A_290 = arith.cmpi sge, %scan3A_250, %ge3A : i32
      %convert_element_type3A_291 = arith.extui %ge3A_290 : i1 to i32
      %cond3A_292 = arith.constant 0 : i32
      %cond3A_293 = arith.cmpi ne, %convert_element_type3A_291, %cond3A_292 : i32
      scf.if %cond3A_293 {
        %add3A_313 = arith.constant 2 : i32
        %add3A_314 = arith.addi %rem3A_255, %add3A_313 : i32
        %rem3A_315 = arith.constant 4 : i32
        %rem3A_316 = arith.remsi %add3A_314, %rem3A_315 : i32
        %dma_wait3A_317 = arith.constant 0 : i32
        %dma_wait3A_318 = arith.constant 0 : i32
        %dma_wait3A_319 = tpu.memref_slice %arg14[%rem3A_252, %dma_wait3A_317, %dma_wait3A_318] : memref<2x40x144xf32, #tpu.memory_space<vmem>> -> memref<1x40x144xf32, #tpu.memory_space<vmem>>
        %dma_wait3A_320 = tpu.memref_squeeze %dma_wait3A_319 : memref<1x40x144xf32, #tpu.memory_space<vmem>> -> memref<40x144xf32, #tpu.memory_space<vmem>>
        %dma_wait3A_321 = arith.constant 0 : i32
        %dma_wait3A_322 = tpu.memref_slice %arg10[%rem3A_316, %dma_wait3A_321] : memref<4x40xi32, #tpu.memory_space<vmem>> -> memref<1x40xi32, #tpu.memory_space<vmem>>
        %dma_wait3A_323 = tpu.memref_squeeze %dma_wait3A_322 : memref<1x40xi32, #tpu.memory_space<vmem>> -> memref<40xi32, #tpu.memory_space<vmem>>
        %dma_wait3A_324 = arith.constant 0 : i32
        %dma_wait3A_325 = arith.constant 0 : i32
        %dma_wait3A_326 = tpu.memref_slice %arg15[%dma_wait3A_324, %dma_wait3A_325] : memref<10000x144xf32, #tpu.memory_space<vmem_shared>> -> memref<10000x144xf32, #tpu.memory_space<vmem_shared>>
        tpu.wait_indirect_dma semaphore(%arg18 : memref<!tpu.dma_semaphore, #tpu.memory_space<semaphore_mem>>) src(%dma_wait3A_320 : memref<40x144xf32, #tpu.memory_space<vmem>>) dst(%dma_wait3A_326 : memref<10000x144xf32, #tpu.memory_space<vmem_shared>>)
      } else {
      }
      %parallel_loop3A = arith.constant 0 : i32
      %parallel_loop3A_294 = arith.constant 40 : i32
      %parallel_loop3A_295 = arith.constant 1 : i32
      scf.for %parallel_loop3A_313 = %parallel_loop3A to %parallel_loop3A_294 step %parallel_loop3A_295  : i32 {
        %parallel_loop3A_314 = arith.constant 0.000000e+00 : f32
        %parallel_loop3A_315 = vector.broadcast %parallel_loop3A_314 : f32 to vector<16xf32>
        %parallel_loop3A_316 = arith.index_cast %rem3A_252 : i32 to index
        %parallel_loop3A_317 = arith.index_cast %parallel_loop3A_313 : i32 to index
        %parallel_loop3A_318 = arith.constant 0 : index
        %parallel_loop3A_319 = tpu.vector_load %arg11[%parallel_loop3A_316, %parallel_loop3A_317, %parallel_loop3A_318] {strides = array<i32>} : memref<2x40x64xi32, #tpu.memory_space<vmem>>, vector<16xi32>,
        %parallel_loop3A_320 = arith.index_cast %rem3A_252 : i32 to index
        %parallel_loop3A_321 = arith.index_cast %parallel_loop3A_313 : i32 to index
        %parallel_loop3A_322 = arith.constant 0 : index
        %parallel_loop3A_323 = tpu.vector_load %arg12[%parallel_loop3A_320, %parallel_loop3A_321, %parallel_loop3A_322] {strides = array<i32>} : memref<2x40x64xi32, #tpu.memory_space<vmem>>, vector<16xi32>,
        %parallel_loop3A_324 = arith.constant 16 : i32
        %parallel_loop3A_325 = vector.broadcast %parallel_loop3A_324 : i32 to vector<16xi32>
        %parallel_loop3A_326 = arith.shli %parallel_loop3A_319, %parallel_loop3A_325 : vector<16xi32>
        %parallel_loop3A_327 = vector.bitcast %parallel_loop3A_326 : vector<16xi32> to vector<16xf32>
        %parallel_loop3A_328 = vector.broadcast %scan3A_215 : i32 to vector<16xi32>
        %parallel_loop3A_329 = arith.andi %parallel_loop3A_319, %parallel_loop3A_328 : vector<16xi32>
        %parallel_loop3A_330 = vector.bitcast %parallel_loop3A_329 : vector<16xi32> to vector<16xf32>
        %parallel_loop3A_331 = arith.constant 16 : i32
        %parallel_loop3A_332 = vector.broadcast %parallel_loop3A_331 : i32 to vector<16xi32>
        %parallel_loop3A_333 = arith.shli %parallel_loop3A_323, %parallel_loop3A_332 : vector<16xi32>
        %parallel_loop3A_334 = vector.bitcast %parallel_loop3A_333 : vector<16xi32> to vector<16xf32>
        %parallel_loop3A_335 = vector.broadcast %scan3A_215 : i32 to vector<16xi32>
        %parallel_loop3A_336 = arith.andi %parallel_loop3A_323, %parallel_loop3A_335 : vector<16xi32>
        %parallel_loop3A_337 = vector.bitcast %parallel_loop3A_336 : vector<16xi32> to vector<16xf32>
        %parallel_loop3A_338 = arith.mulf %parallel_loop3A_327, %parallel_loop3A_334 : vector<16xf32>
        %parallel_loop3A_339 = arith.mulf %parallel_loop3A_330, %parallel_loop3A_337 : vector<16xf32>
        %parallel_loop3A_340 = arith.addf %parallel_loop3A_338, %parallel_loop3A_339 : vector<16xf32>
        %parallel_loop3A_341 = arith.constant 0 : i32
        %parallel_loop3A_342 = vector.broadcast %parallel_loop3A_341 : i32 to vector<16xi32>
        %parallel_loop3A_343 = arith.cmpi slt, %xor3A_8, %parallel_loop3A_342 : vector<16xi32>
        %parallel_loop3A_344 = arith.constant 16 : i32
        %parallel_loop3A_345 = vector.broadcast %parallel_loop3A_344 : i32 to vector<16xi32>
        %parallel_loop3A_346 = arith.addi %xor3A_8, %parallel_loop3A_345 : vector<16xi32>
        %parallel_loop3A_347 = arith.select %parallel_loop3A_343, %parallel_loop3A_346, %xor3A_8 : vector<16xi1>, vector<16xi32>
        %parallel_loop3A_348 = vector.shape_cast %parallel_loop3A_347 : vector<16xi32> to vector<16x1xi32>
        %parallel_loop3A_349 = vector.shape_cast %parallel_loop3A_348 : vector<16x1xi32> to vector<16xi32>
        %parallel_loop3A_350 = tpu.dynamic_gather %parallel_loop3A_340[%parallel_loop3A_349] in [0] : vector<16xf32>, vector<16xi32> -> vector<16xf32>
        %parallel_loop3A_351 = arith.addf %parallel_loop3A_340, %parallel_loop3A_350 : vector<16xf32>
        %parallel_loop3A_352 = arith.constant 0 : i32
        %parallel_loop3A_353 = vector.broadcast %parallel_loop3A_352 : i32 to vector<16xi32>
        %parallel_loop3A_354 = arith.cmpi slt, %xor3A_11, %parallel_loop3A_353 : vector<16xi32>
        %parallel_loop3A_355 = arith.constant 16 : i32
        %parallel_loop3A_356 = vector.broadcast %parallel_loop3A_355 : i32 to vector<16xi32>
        %parallel_loop3A_357 = arith.addi %xor3A_11, %parallel_loop3A_356 : vector<16xi32>
        %parallel_loop3A_358 = arith.select %parallel_loop3A_354, %parallel_loop3A_357, %xor3A_11 : vector<16xi1>, vector<16xi32>
        %parallel_loop3A_359 = vector.shape_cast %parallel_loop3A_358 : vector<16xi32> to vector<16x1xi32>
        %parallel_loop3A_360 = vector.shape_cast %parallel_loop3A_359 : vector<16x1xi32> to vector<16xi32>
        %parallel_loop3A_361 = tpu.dynamic_gather %parallel_loop3A_351[%parallel_loop3A_360] in [0] : vector<16xf32>, vector<16xi32> -> vector<16xf32>
        %parallel_loop3A_362 = arith.addf %parallel_loop3A_351, %parallel_loop3A_361 : vector<16xf32>
        %parallel_loop3A_363 = arith.constant 0 : i32
        %parallel_loop3A_364 = vector.broadcast %parallel_loop3A_363 : i32 to vector<16xi32>
        %parallel_loop3A_365 = arith.cmpi slt, %xor3A_14, %parallel_loop3A_364 : vector<16xi32>
        %parallel_loop3A_366 = arith.constant 16 : i32
        %parallel_loop3A_367 = vector.broadcast %parallel_loop3A_366 : i32 to vector<16xi32>
        %parallel_loop3A_368 = arith.addi %xor3A_14, %parallel_loop3A_367 : vector<16xi32>
        %parallel_loop3A_369 = arith.select %parallel_loop3A_365, %parallel_loop3A_368, %xor3A_14 : vector<16xi1>, vector<16xi32>
        %parallel_loop3A_370 = vector.shape_cast %parallel_loop3A_369 : vector<16xi32> to vector<16x1xi32>
        %parallel_loop3A_371 = vector.shape_cast %parallel_loop3A_370 : vector<16x1xi32> to vector<16xi32>
        %parallel_loop3A_372 = tpu.dynamic_gather %parallel_loop3A_362[%parallel_loop3A_371] in [0] : vector<16xf32>, vector<16xi32> -> vector<16xf32>
        %parallel_loop3A_373 = arith.addf %parallel_loop3A_362, %parallel_loop3A_372 : vector<16xf32>
        %parallel_loop3A_374 = arith.constant 0 : i32
        %parallel_loop3A_375 = vector.broadcast %parallel_loop3A_374 : i32 to vector<16xi32>
        %parallel_loop3A_376 = arith.cmpi slt, %select_n3A, %parallel_loop3A_375 : vector<16xi32>
        %parallel_loop3A_377 = arith.constant 16 : i32
        %parallel_loop3A_378 = vector.broadcast %parallel_loop3A_377 : i32 to vector<16xi32>
        %parallel_loop3A_379 = arith.addi %select_n3A, %parallel_loop3A_378 : vector<16xi32>
        %parallel_loop3A_380 = arith.select %parallel_loop3A_376, %parallel_loop3A_379, %select_n3A : vector<16xi1>, vector<16xi32>
        %parallel_loop3A_381 = vector.shape_cast %parallel_loop3A_380 : vector<16xi32> to vector<16x1xi32>
        %parallel_loop3A_382 = vector.shape_cast %parallel_loop3A_381 : vector<16x1xi32> to vector<16xi32>
        %parallel_loop3A_383 = tpu.dynamic_gather %parallel_loop3A_373[%parallel_loop3A_382] in [0] : vector<16xf32>, vector<16xi32> -> vector<16xf32>
        %parallel_loop3A_384 = arith.select %eq3A_47, %parallel_loop3A_383, %parallel_loop3A_315 : vector<16xi1>, vector<16xf32>
        %parallel_loop3A_385 = arith.index_cast %rem3A_252 : i32 to index
        %parallel_loop3A_386 = arith.index_cast %parallel_loop3A_313 : i32 to index
        %parallel_loop3A_387 = arith.constant 16 : index
        %parallel_loop3A_388 = tpu.vector_load %arg11[%parallel_loop3A_385, %parallel_loop3A_386, %parallel_loop3A_387] {strides = array<i32>} : memref<2x40x64xi32, #tpu.memory_space<vmem>>, vector<16xi32>,
        %parallel_loop3A_389 = arith.index_cast %rem3A_252 : i32 to index
        %parallel_loop3A_390 = arith.index_cast %parallel_loop3A_313 : i32 to index
        %parallel_loop3A_391 = arith.constant 16 : index
        %parallel_loop3A_392 = tpu.vector_load %arg12[%parallel_loop3A_389, %parallel_loop3A_390, %parallel_loop3A_391] {strides = array<i32>} : memref<2x40x64xi32, #tpu.memory_space<vmem>>, vector<16xi32>,
        %parallel_loop3A_393 = arith.constant 16 : i32
        %parallel_loop3A_394 = vector.broadcast %parallel_loop3A_393 : i32 to vector<16xi32>
        %parallel_loop3A_395 = arith.shli %parallel_loop3A_388, %parallel_loop3A_394 : vector<16xi32>
        %parallel_loop3A_396 = vector.bitcast %parallel_loop3A_395 : vector<16xi32> to vector<16xf32>
        %parallel_loop3A_397 = vector.broadcast %scan3A_215 : i32 to vector<16xi32>
        %parallel_loop3A_398 = arith.andi %parallel_loop3A_388, %parallel_loop3A_397 : vector<16xi32>
        %parallel_loop3A_399 = vector.bitcast %parallel_loop3A_398 : vector<16xi32> to vector<16xf32>
        %parallel_loop3A_400 = arith.constant 16 : i32
        %parallel_loop3A_401 = vector.broadcast %parallel_loop3A_400 : i32 to vector<16xi32>
        %parallel_loop3A_402 = arith.shli %parallel_loop3A_392, %parallel_loop3A_401 : vector<16xi32>
        %parallel_loop3A_403 = vector.bitcast %parallel_loop3A_402 : vector<16xi32> to vector<16xf32>
        %parallel_loop3A_404 = vector.broadcast %scan3A_215 : i32 to vector<16xi32>
        %parallel_loop3A_405 = arith.andi %parallel_loop3A_392, %parallel_loop3A_404 : vector<16xi32>
        %parallel_loop3A_406 = vector.bitcast %parallel_loop3A_405 : vector<16xi32> to vector<16xf32>
        %parallel_loop3A_407 = arith.mulf %parallel_loop3A_396, %parallel_loop3A_403 : vector<16xf32>
        %parallel_loop3A_408 = arith.mulf %parallel_loop3A_399, %parallel_loop3A_406 : vector<16xf32>
        %parallel_loop3A_409 = arith.addf %parallel_loop3A_407, %parallel_loop3A_408 : vector<16xf32>
        %parallel_loop3A_410 = arith.constant 0 : i32
        %parallel_loop3A_411 = vector.broadcast %parallel_loop3A_410 : i32 to vector<16xi32>
        %parallel_loop3A_412 = arith.cmpi slt, %xor3A_8, %parallel_loop3A_411 : vector<16xi32>
        %parallel_loop3A_413 = arith.constant 16 : i32
        %parallel_loop3A_414 = vector.broadcast %parallel_loop3A_413 : i32 to vector<16xi32>
        %parallel_loop3A_415 = arith.addi %xor3A_8, %parallel_loop3A_414 : vector<16xi32>
        %parallel_loop3A_416 = arith.select %parallel_loop3A_412, %parallel_loop3A_415, %xor3A_8 : vector<16xi1>, vector<16xi32>
        %parallel_loop3A_417 = vector.shape_cast %parallel_loop3A_416 : vector<16xi32> to vector<16x1xi32>
        %parallel_loop3A_418 = vector.shape_cast %parallel_loop3A_417 : vector<16x1xi32> to vector<16xi32>
        %parallel_loop3A_419 = tpu.dynamic_gather %parallel_loop3A_409[%parallel_loop3A_418] in [0] : vector<16xf32>, vector<16xi32> -> vector<16xf32>
        %parallel_loop3A_420 = arith.addf %parallel_loop3A_409, %parallel_loop3A_419 : vector<16xf32>
        %parallel_loop3A_421 = arith.constant 0 : i32
        %parallel_loop3A_422 = vector.broadcast %parallel_loop3A_421 : i32 to vector<16xi32>
        %parallel_loop3A_423 = arith.cmpi slt, %xor3A_11, %parallel_loop3A_422 : vector<16xi32>
        %parallel_loop3A_424 = arith.constant 16 : i32
        %parallel_loop3A_425 = vector.broadcast %parallel_loop3A_424 : i32 to vector<16xi32>
        %parallel_loop3A_426 = arith.addi %xor3A_11, %parallel_loop3A_425 : vector<16xi32>
        %parallel_loop3A_427 = arith.select %parallel_loop3A_423, %parallel_loop3A_426, %xor3A_11 : vector<16xi1>, vector<16xi32>
        %parallel_loop3A_428 = vector.shape_cast %parallel_loop3A_427 : vector<16xi32> to vector<16x1xi32>
        %parallel_loop3A_429 = vector.shape_cast %parallel_loop3A_428 : vector<16x1xi32> to vector<16xi32>
        %parallel_loop3A_430 = tpu.dynamic_gather %parallel_loop3A_420[%parallel_loop3A_429] in [0] : vector<16xf32>, vector<16xi32> -> vector<16xf32>
        %parallel_loop3A_431 = arith.addf %parallel_loop3A_420, %parallel_loop3A_430 : vector<16xf32>
        %parallel_loop3A_432 = arith.constant 0 : i32
        %parallel_loop3A_433 = vector.broadcast %parallel_loop3A_432 : i32 to vector<16xi32>
        %parallel_loop3A_434 = arith.cmpi slt, %xor3A_14, %parallel_loop3A_433 : vector<16xi32>
        %parallel_loop3A_435 = arith.constant 16 : i32
        %parallel_loop3A_436 = vector.broadcast %parallel_loop3A_435 : i32 to vector<16xi32>
        %parallel_loop3A_437 = arith.addi %xor3A_14, %parallel_loop3A_436 : vector<16xi32>
        %parallel_loop3A_438 = arith.select %parallel_loop3A_434, %parallel_loop3A_437, %xor3A_14 : vector<16xi1>, vector<16xi32>
        %parallel_loop3A_439 = vector.shape_cast %parallel_loop3A_438 : vector<16xi32> to vector<16x1xi32>
        %parallel_loop3A_440 = vector.shape_cast %parallel_loop3A_439 : vector<16x1xi32> to vector<16xi32>
        %parallel_loop3A_441 = tpu.dynamic_gather %parallel_loop3A_431[%parallel_loop3A_440] in [0] : vector<16xf32>, vector<16xi32> -> vector<16xf32>
        %parallel_loop3A_442 = arith.addf %parallel_loop3A_431, %parallel_loop3A_441 : vector<16xf32>
        %parallel_loop3A_443 = arith.constant 0 : i32
        %parallel_loop3A_444 = vector.broadcast %parallel_loop3A_443 : i32 to vector<16xi32>
        %parallel_loop3A_445 = arith.cmpi slt, %select_n3A_26, %parallel_loop3A_444 : vector<16xi32>
        %parallel_loop3A_446 = arith.constant 16 : i32
        %parallel_loop3A_447 = vector.broadcast %parallel_loop3A_446 : i32 to vector<16xi32>
        %parallel_loop3A_448 = arith.addi %select_n3A_26, %parallel_loop3A_447 : vector<16xi32>
        %parallel_loop3A_449 = arith.select %parallel_loop3A_445, %parallel_loop3A_448, %select_n3A_26 : vector<16xi1>, vector<16xi32>
        %parallel_loop3A_450 = vector.shape_cast %parallel_loop3A_449 : vector<16xi32> to vector<16x1xi32>
        %parallel_loop3A_451 = vector.shape_cast %parallel_loop3A_450 : vector<16x1xi32> to vector<16xi32>
        %parallel_loop3A_452 = tpu.dynamic_gather %parallel_loop3A_442[%parallel_loop3A_451] in [0] : vector<16xf32>, vector<16xi32> -> vector<16xf32>
        %parallel_loop3A_453 = arith.select %eq3A_53, %parallel_loop3A_452, %parallel_loop3A_384 : vector<16xi1>, vector<16xf32>
        %parallel_loop3A_454 = arith.index_cast %rem3A_252 : i32 to index
        %parallel_loop3A_455 = arith.index_cast %parallel_loop3A_313 : i32 to index
        %parallel_loop3A_456 = arith.constant 32 : index
        %parallel_loop3A_457 = tpu.vector_load %arg11[%parallel_loop3A_454, %parallel_loop3A_455, %parallel_loop3A_456] {strides = array<i32>} : memref<2x40x64xi32, #tpu.memory_space<vmem>>, vector<16xi32>,
        %parallel_loop3A_458 = arith.index_cast %rem3A_252 : i32 to index
        %parallel_loop3A_459 = arith.index_cast %parallel_loop3A_313 : i32 to index
        %parallel_loop3A_460 = arith.constant 32 : index
        %parallel_loop3A_461 = tpu.vector_load %arg12[%parallel_loop3A_458, %parallel_loop3A_459, %parallel_loop3A_460] {strides = array<i32>} : memref<2x40x64xi32, #tpu.memory_space<vmem>>, vector<16xi32>,
        %parallel_loop3A_462 = arith.constant 16 : i32
        %parallel_loop3A_463 = vector.broadcast %parallel_loop3A_462 : i32 to vector<16xi32>
        %parallel_loop3A_464 = arith.shli %parallel_loop3A_457, %parallel_loop3A_463 : vector<16xi32>
        %parallel_loop3A_465 = vector.bitcast %parallel_loop3A_464 : vector<16xi32> to vector<16xf32>
        %parallel_loop3A_466 = vector.broadcast %scan3A_215 : i32 to vector<16xi32>
        %parallel_loop3A_467 = arith.andi %parallel_loop3A_457, %parallel_loop3A_466 : vector<16xi32>
        %parallel_loop3A_468 = vector.bitcast %parallel_loop3A_467 : vector<16xi32> to vector<16xf32>
        %parallel_loop3A_469 = arith.constant 16 : i32
        %parallel_loop3A_470 = vector.broadcast %parallel_loop3A_469 : i32 to vector<16xi32>
        %parallel_loop3A_471 = arith.shli %parallel_loop3A_461, %parallel_loop3A_470 : vector<16xi32>
        %parallel_loop3A_472 = vector.bitcast %parallel_loop3A_471 : vector<16xi32> to vector<16xf32>
        %parallel_loop3A_473 = vector.broadcast %scan3A_215 : i32 to vector<16xi32>
        %parallel_loop3A_474 = arith.andi %parallel_loop3A_461, %parallel_loop3A_473 : vector<16xi32>
        %parallel_loop3A_475 = vector.bitcast %parallel_loop3A_474 : vector<16xi32> to vector<16xf32>
        %parallel_loop3A_476 = arith.mulf %parallel_loop3A_465, %parallel_loop3A_472 : vector<16xf32>
        %parallel_loop3A_477 = arith.mulf %parallel_loop3A_468, %parallel_loop3A_475 : vector<16xf32>
        %parallel_loop3A_478 = arith.addf %parallel_loop3A_476, %parallel_loop3A_477 : vector<16xf32>
        %parallel_loop3A_479 = arith.constant 0 : i32
        %parallel_loop3A_480 = vector.broadcast %parallel_loop3A_479 : i32 to vector<16xi32>
        %parallel_loop3A_481 = arith.cmpi slt, %xor3A_8, %parallel_loop3A_480 : vector<16xi32>
        %parallel_loop3A_482 = arith.constant 16 : i32
        %parallel_loop3A_483 = vector.broadcast %parallel_loop3A_482 : i32 to vector<16xi32>
        %parallel_loop3A_484 = arith.addi %xor3A_8, %parallel_loop3A_483 : vector<16xi32>
        %parallel_loop3A_485 = arith.select %parallel_loop3A_481, %parallel_loop3A_484, %xor3A_8 : vector<16xi1>, vector<16xi32>
        %parallel_loop3A_486 = vector.shape_cast %parallel_loop3A_485 : vector<16xi32> to vector<16x1xi32>
        %parallel_loop3A_487 = vector.shape_cast %parallel_loop3A_486 : vector<16x1xi32> to vector<16xi32>
        %parallel_loop3A_488 = tpu.dynamic_gather %parallel_loop3A_478[%parallel_loop3A_487] in [0] : vector<16xf32>, vector<16xi32> -> vector<16xf32>
        %parallel_loop3A_489 = arith.addf %parallel_loop3A_478, %parallel_loop3A_488 : vector<16xf32>
        %parallel_loop3A_490 = arith.constant 0 : i32
        %parallel_loop3A_491 = vector.broadcast %parallel_loop3A_490 : i32 to vector<16xi32>
        %parallel_loop3A_492 = arith.cmpi slt, %xor3A_11, %parallel_loop3A_491 : vector<16xi32>
        %parallel_loop3A_493 = arith.constant 16 : i32
        %parallel_loop3A_494 = vector.broadcast %parallel_loop3A_493 : i32 to vector<16xi32>
        %parallel_loop3A_495 = arith.addi %xor3A_11, %parallel_loop3A_494 : vector<16xi32>
        %parallel_loop3A_496 = arith.select %parallel_loop3A_492, %parallel_loop3A_495, %xor3A_11 : vector<16xi1>, vector<16xi32>
        %parallel_loop3A_497 = vector.shape_cast %parallel_loop3A_496 : vector<16xi32> to vector<16x1xi32>
        %parallel_loop3A_498 = vector.shape_cast %parallel_loop3A_497 : vector<16x1xi32> to vector<16xi32>
        %parallel_loop3A_499 = tpu.dynamic_gather %parallel_loop3A_489[%parallel_loop3A_498] in [0] : vector<16xf32>, vector<16xi32> -> vector<16xf32>
        %parallel_loop3A_500 = arith.addf %parallel_loop3A_489, %parallel_loop3A_499 : vector<16xf32>
        %parallel_loop3A_501 = arith.constant 0 : i32
        %parallel_loop3A_502 = vector.broadcast %parallel_loop3A_501 : i32 to vector<16xi32>
        %parallel_loop3A_503 = arith.cmpi slt, %xor3A_14, %parallel_loop3A_502 : vector<16xi32>
        %parallel_loop3A_504 = arith.constant 16 : i32
        %parallel_loop3A_505 = vector.broadcast %parallel_loop3A_504 : i32 to vector<16xi32>
        %parallel_loop3A_506 = arith.addi %xor3A_14, %parallel_loop3A_505 : vector<16xi32>
        %parallel_loop3A_507 = arith.select %parallel_loop3A_503, %parallel_loop3A_506, %xor3A_14 : vector<16xi1>, vector<16xi32>
        %parallel_loop3A_508 = vector.shape_cast %parallel_loop3A_507 : vector<16xi32> to vector<16x1xi32>
        %parallel_loop3A_509 = vector.shape_cast %parallel_loop3A_508 : vector<16x1xi32> to vector<16xi32>
        %parallel_loop3A_510 = tpu.dynamic_gather %parallel_loop3A_500[%parallel_loop3A_509] in [0] : vector<16xf32>, vector<16xi32> -> vector<16xf32>
        %parallel_loop3A_511 = arith.addf %parallel_loop3A_500, %parallel_loop3A_510 : vector<16xf32>
        %parallel_loop3A_512 = arith.constant 0 : i32
        %parallel_loop3A_513 = vector.broadcast %parallel_loop3A_512 : i32 to vector<16xi32>
        %parallel_loop3A_514 = arith.cmpi slt, %select_n3A_34, %parallel_loop3A_513 : vector<16xi32>
        %parallel_loop3A_515 = arith.constant 16 : i32
        %parallel_loop3A_516 = vector.broadcast %parallel_loop3A_515 : i32 to vector<16xi32>
        %parallel_loop3A_517 = arith.addi %select_n3A_34, %parallel_loop3A_516 : vector<16xi32>
        %parallel_loop3A_518 = arith.select %parallel_loop3A_514, %parallel_loop3A_517, %select_n3A_34 : vector<16xi1>, vector<16xi32>
        %parallel_loop3A_519 = vector.shape_cast %parallel_loop3A_518 : vector<16xi32> to vector<16x1xi32>
        %parallel_loop3A_520 = vector.shape_cast %parallel_loop3A_519 : vector<16x1xi32> to vector<16xi32>
        %parallel_loop3A_521 = tpu.dynamic_gather %parallel_loop3A_511[%parallel_loop3A_520] in [0] : vector<16xf32>, vector<16xi32> -> vector<16xf32>
        %parallel_loop3A_522 = arith.select %eq3A_59, %parallel_loop3A_521, %parallel_loop3A_453 : vector<16xi1>, vector<16xf32>
        %parallel_loop3A_523 = arith.index_cast %rem3A_252 : i32 to index
        %parallel_loop3A_524 = arith.index_cast %parallel_loop3A_313 : i32 to index
        %parallel_loop3A_525 = arith.constant 48 : index
        %parallel_loop3A_526 = tpu.vector_load %arg11[%parallel_loop3A_523, %parallel_loop3A_524, %parallel_loop3A_525] {strides = array<i32>} : memref<2x40x64xi32, #tpu.memory_space<vmem>>, vector<16xi32>,
        %parallel_loop3A_527 = arith.index_cast %rem3A_252 : i32 to index
        %parallel_loop3A_528 = arith.index_cast %parallel_loop3A_313 : i32 to index
        %parallel_loop3A_529 = arith.constant 48 : index
        %parallel_loop3A_530 = tpu.vector_load %arg12[%parallel_loop3A_527, %parallel_loop3A_528, %parallel_loop3A_529] {strides = array<i32>} : memref<2x40x64xi32, #tpu.memory_space<vmem>>, vector<16xi32>,
        %parallel_loop3A_531 = arith.constant 16 : i32
        %parallel_loop3A_532 = vector.broadcast %parallel_loop3A_531 : i32 to vector<16xi32>
        %parallel_loop3A_533 = arith.shli %parallel_loop3A_526, %parallel_loop3A_532 : vector<16xi32>
        %parallel_loop3A_534 = vector.bitcast %parallel_loop3A_533 : vector<16xi32> to vector<16xf32>
        %parallel_loop3A_535 = vector.broadcast %scan3A_215 : i32 to vector<16xi32>
        %parallel_loop3A_536 = arith.andi %parallel_loop3A_526, %parallel_loop3A_535 : vector<16xi32>
        %parallel_loop3A_537 = vector.bitcast %parallel_loop3A_536 : vector<16xi32> to vector<16xf32>
        %parallel_loop3A_538 = arith.constant 16 : i32
        %parallel_loop3A_539 = vector.broadcast %parallel_loop3A_538 : i32 to vector<16xi32>
        %parallel_loop3A_540 = arith.shli %parallel_loop3A_530, %parallel_loop3A_539 : vector<16xi32>
        %parallel_loop3A_541 = vector.bitcast %parallel_loop3A_540 : vector<16xi32> to vector<16xf32>
        %parallel_loop3A_542 = vector.broadcast %scan3A_215 : i32 to vector<16xi32>
        %parallel_loop3A_543 = arith.andi %parallel_loop3A_530, %parallel_loop3A_542 : vector<16xi32>
        %parallel_loop3A_544 = vector.bitcast %parallel_loop3A_543 : vector<16xi32> to vector<16xf32>
        %parallel_loop3A_545 = arith.mulf %parallel_loop3A_534, %parallel_loop3A_541 : vector<16xf32>
        %parallel_loop3A_546 = arith.mulf %parallel_loop3A_537, %parallel_loop3A_544 : vector<16xf32>
        %parallel_loop3A_547 = arith.addf %parallel_loop3A_545, %parallel_loop3A_546 : vector<16xf32>
        %parallel_loop3A_548 = arith.constant 0 : i32
        %parallel_loop3A_549 = vector.broadcast %parallel_loop3A_548 : i32 to vector<16xi32>
        %parallel_loop3A_550 = arith.cmpi slt, %xor3A_8, %parallel_loop3A_549 : vector<16xi32>
        %parallel_loop3A_551 = arith.constant 16 : i32
        %parallel_loop3A_552 = vector.broadcast %parallel_loop3A_551 : i32 to vector<16xi32>
        %parallel_loop3A_553 = arith.addi %xor3A_8, %parallel_loop3A_552 : vector<16xi32>
        %parallel_loop3A_554 = arith.select %parallel_loop3A_550, %parallel_loop3A_553, %xor3A_8 : vector<16xi1>, vector<16xi32>
        %parallel_loop3A_555 = vector.shape_cast %parallel_loop3A_554 : vector<16xi32> to vector<16x1xi32>
        %parallel_loop3A_556 = vector.shape_cast %parallel_loop3A_555 : vector<16x1xi32> to vector<16xi32>
        %parallel_loop3A_557 = tpu.dynamic_gather %parallel_loop3A_547[%parallel_loop3A_556] in [0] : vector<16xf32>, vector<16xi32> -> vector<16xf32>
        %parallel_loop3A_558 = arith.addf %parallel_loop3A_547, %parallel_loop3A_557 : vector<16xf32>
        %parallel_loop3A_559 = arith.constant 0 : i32
        %parallel_loop3A_560 = vector.broadcast %parallel_loop3A_559 : i32 to vector<16xi32>
        %parallel_loop3A_561 = arith.cmpi slt, %xor3A_11, %parallel_loop3A_560 : vector<16xi32>
        %parallel_loop3A_562 = arith.constant 16 : i32
        %parallel_loop3A_563 = vector.broadcast %parallel_loop3A_562 : i32 to vector<16xi32>
        %parallel_loop3A_564 = arith.addi %xor3A_11, %parallel_loop3A_563 : vector<16xi32>
        %parallel_loop3A_565 = arith.select %parallel_loop3A_561, %parallel_loop3A_564, %xor3A_11 : vector<16xi1>, vector<16xi32>
        %parallel_loop3A_566 = vector.shape_cast %parallel_loop3A_565 : vector<16xi32> to vector<16x1xi32>
        %parallel_loop3A_567 = vector.shape_cast %parallel_loop3A_566 : vector<16x1xi32> to vector<16xi32>
        %parallel_loop3A_568 = tpu.dynamic_gather %parallel_loop3A_558[%parallel_loop3A_567] in [0] : vector<16xf32>, vector<16xi32> -> vector<16xf32>
        %parallel_loop3A_569 = arith.addf %parallel_loop3A_558, %parallel_loop3A_568 : vector<16xf32>
        %parallel_loop3A_570 = arith.constant 0 : i32
        %parallel_loop3A_571 = vector.broadcast %parallel_loop3A_570 : i32 to vector<16xi32>
        %parallel_loop3A_572 = arith.cmpi slt, %xor3A_14, %parallel_loop3A_571 : vector<16xi32>
        %parallel_loop3A_573 = arith.constant 16 : i32
        %parallel_loop3A_574 = vector.broadcast %parallel_loop3A_573 : i32 to vector<16xi32>
        %parallel_loop3A_575 = arith.addi %xor3A_14, %parallel_loop3A_574 : vector<16xi32>
        %parallel_loop3A_576 = arith.select %parallel_loop3A_572, %parallel_loop3A_575, %xor3A_14 : vector<16xi1>, vector<16xi32>
        %parallel_loop3A_577 = vector.shape_cast %parallel_loop3A_576 : vector<16xi32> to vector<16x1xi32>
        %parallel_loop3A_578 = vector.shape_cast %parallel_loop3A_577 : vector<16x1xi32> to vector<16xi32>
        %parallel_loop3A_579 = tpu.dynamic_gather %parallel_loop3A_569[%parallel_loop3A_578] in [0] : vector<16xf32>, vector<16xi32> -> vector<16xf32>
        %parallel_loop3A_580 = arith.addf %parallel_loop3A_569, %parallel_loop3A_579 : vector<16xf32>
        %parallel_loop3A_581 = arith.constant 0 : i32
        %parallel_loop3A_582 = vector.broadcast %parallel_loop3A_581 : i32 to vector<16xi32>
        %parallel_loop3A_583 = arith.cmpi slt, %select_n3A_42, %parallel_loop3A_582 : vector<16xi32>
        %parallel_loop3A_584 = arith.constant 16 : i32
        %parallel_loop3A_585 = vector.broadcast %parallel_loop3A_584 : i32 to vector<16xi32>
        %parallel_loop3A_586 = arith.addi %select_n3A_42, %parallel_loop3A_585 : vector<16xi32>
        %parallel_loop3A_587 = arith.select %parallel_loop3A_583, %parallel_loop3A_586, %select_n3A_42 : vector<16xi1>, vector<16xi32>
        %parallel_loop3A_588 = vector.shape_cast %parallel_loop3A_587 : vector<16xi32> to vector<16x1xi32>
        %parallel_loop3A_589 = vector.shape_cast %parallel_loop3A_588 : vector<16x1xi32> to vector<16xi32>
        %parallel_loop3A_590 = tpu.dynamic_gather %parallel_loop3A_580[%parallel_loop3A_589] in [0] : vector<16xf32>, vector<16xi32> -> vector<16xf32>
        %parallel_loop3A_591 = arith.select %eq3A_65, %parallel_loop3A_590, %parallel_loop3A_522 : vector<16xi1>, vector<16xf32>
        %parallel_loop3A_592 = math.exp %parallel_loop3A_591 : vector<16xf32>
        %parallel_loop3A_593 = arith.index_cast %rem3A_252 : i32 to index
        %parallel_loop3A_594 = arith.index_cast %parallel_loop3A_313 : i32 to index
        %parallel_loop3A_595 = arith.constant 128 : index
        %parallel_loop3A_596 = tpu.vector_load %arg14[%parallel_loop3A_593, %parallel_loop3A_594, %parallel_loop3A_595] {strides = array<i32>} : memref<2x40x144xf32, #tpu.memory_space<vmem>>, vector<16xf32>,
        tpu.vector_store %arg14[%parallel_loop3A_593, %parallel_loop3A_594, %parallel_loop3A_595], %parallel_loop3A_592 {strides = array<i32>} : memref<2x40x144xf32, #tpu.memory_space<vmem>>, vector<16xf32>,
        %parallel_loop3A_597 = arith.constant 0 : i32
        %parallel_loop3A_598 = vector.broadcast %parallel_loop3A_597 : i32 to vector<16xi32>
        %parallel_loop3A_599 = arith.cmpi slt, %add3A_71, %parallel_loop3A_598 : vector<16xi32>
        %parallel_loop3A_600 = arith.constant 16 : i32
        %parallel_loop3A_601 = vector.broadcast %parallel_loop3A_600 : i32 to vector<16xi32>
        %parallel_loop3A_602 = arith.addi %add3A_71, %parallel_loop3A_601 : vector<16xi32>
        %parallel_loop3A_603 = arith.select %parallel_loop3A_599, %parallel_loop3A_602, %add3A_71 : vector<16xi1>, vector<16xi32>
        %parallel_loop3A_604 = vector.shape_cast %parallel_loop3A_603 : vector<16xi32> to vector<16x1xi32>
        %parallel_loop3A_605 = vector.shape_cast %parallel_loop3A_604 : vector<16x1xi32> to vector<16xi32>
        %parallel_loop3A_606 = tpu.dynamic_gather %parallel_loop3A_592[%parallel_loop3A_605] in [0] : vector<16xf32>, vector<16xi32> -> vector<16xf32>
        %parallel_loop3A_607 = arith.index_cast %rem3A_252 : i32 to index
        %parallel_loop3A_608 = arith.index_cast %parallel_loop3A_313 : i32 to index
        %parallel_loop3A_609 = arith.constant 0 : index
        %parallel_loop3A_610 = tpu.vector_load %arg13[%parallel_loop3A_607, %parallel_loop3A_608, %parallel_loop3A_609] {strides = array<i32>} : memref<2x40x128xf32, #tpu.memory_space<vmem>>, vector<16xf32>,
        %parallel_loop3A_611 = arith.mulf %parallel_loop3A_606, %parallel_loop3A_610 : vector<16xf32>
        %parallel_loop3A_612 = arith.index_cast %rem3A_252 : i32 to index
        %parallel_loop3A_613 = arith.index_cast %parallel_loop3A_313 : i32 to index
        %parallel_loop3A_614 = arith.constant 0 : index
        %parallel_loop3A_615 = tpu.vector_load %arg14[%parallel_loop3A_612, %parallel_loop3A_613, %parallel_loop3A_614] {strides = array<i32>} : memref<2x40x144xf32, #tpu.memory_space<vmem>>, vector<16xf32>,
        tpu.vector_store %arg14[%parallel_loop3A_612, %parallel_loop3A_613, %parallel_loop3A_614], %parallel_loop3A_611 {strides = array<i32>} : memref<2x40x144xf32, #tpu.memory_space<vmem>>, vector<16xf32>,
        %parallel_loop3A_616 = arith.constant 0 : i32
        %parallel_loop3A_617 = vector.broadcast %parallel_loop3A_616 : i32 to vector<16xi32>
        %parallel_loop3A_618 = arith.cmpi slt, %add3A_77, %parallel_loop3A_617 : vector<16xi32>
        %parallel_loop3A_619 = arith.constant 16 : i32
        %parallel_loop3A_620 = vector.broadcast %parallel_loop3A_619 : i32 to vector<16xi32>
        %parallel_loop3A_621 = arith.addi %add3A_77, %parallel_loop3A_620 : vector<16xi32>
        %parallel_loop3A_622 = arith.select %parallel_loop3A_618, %parallel_loop3A_621, %add3A_77 : vector<16xi1>, vector<16xi32>
        %parallel_loop3A_623 = vector.shape_cast %parallel_loop3A_622 : vector<16xi32> to vector<16x1xi32>
        %parallel_loop3A_624 = vector.shape_cast %parallel_loop3A_623 : vector<16x1xi32> to vector<16xi32>
        %parallel_loop3A_625 = tpu.dynamic_gather %parallel_loop3A_592[%parallel_loop3A_624] in [0] : vector<16xf32>, vector<16xi32> -> vector<16xf32>
        %parallel_loop3A_626 = arith.index_cast %rem3A_252 : i32 to index
        %parallel_loop3A_627 = arith.index_cast %parallel_loop3A_313 : i32 to index
        %parallel_loop3A_628 = arith.constant 16 : index
        %parallel_loop3A_629 = tpu.vector_load %arg13[%parallel_loop3A_626, %parallel_loop3A_627, %parallel_loop3A_628] {strides = array<i32>} : memref<2x40x128xf32, #tpu.memory_space<vmem>>, vector<16xf32>,
        %parallel_loop3A_630 = arith.mulf %parallel_loop3A_625, %parallel_loop3A_629 : vector<16xf32>
        %parallel_loop3A_631 = arith.index_cast %rem3A_252 : i32 to index
        %parallel_loop3A_632 = arith.index_cast %parallel_loop3A_313 : i32 to index
        %parallel_loop3A_633 = arith.constant 16 : index
        %parallel_loop3A_634 = tpu.vector_load %arg14[%parallel_loop3A_631, %parallel_loop3A_632, %parallel_loop3A_633] {strides = array<i32>} : memref<2x40x144xf32, #tpu.memory_space<vmem>>, vector<16xf32>,
        tpu.vector_store %arg14[%parallel_loop3A_631, %parallel_loop3A_632, %parallel_loop3A_633], %parallel_loop3A_630 {strides = array<i32>} : memref<2x40x144xf32, #tpu.memory_space<vmem>>, vector<16xf32>,
        %parallel_loop3A_635 = arith.constant 0 : i32
        %parallel_loop3A_636 = vector.broadcast %parallel_loop3A_635 : i32 to vector<16xi32>
        %parallel_loop3A_637 = arith.cmpi slt, %add3A_83, %parallel_loop3A_636 : vector<16xi32>
        %parallel_loop3A_638 = arith.constant 16 : i32
        %parallel_loop3A_639 = vector.broadcast %parallel_loop3A_638 : i32 to vector<16xi32>
        %parallel_loop3A_640 = arith.addi %add3A_83, %parallel_loop3A_639 : vector<16xi32>
        %parallel_loop3A_641 = arith.select %parallel_loop3A_637, %parallel_loop3A_640, %add3A_83 : vector<16xi1>, vector<16xi32>
        %parallel_loop3A_642 = vector.shape_cast %parallel_loop3A_641 : vector<16xi32> to vector<16x1xi32>
        %parallel_loop3A_643 = vector.shape_cast %parallel_loop3A_642 : vector<16x1xi32> to vector<16xi32>
        %parallel_loop3A_644 = tpu.dynamic_gather %parallel_loop3A_592[%parallel_loop3A_643] in [0] : vector<16xf32>, vector<16xi32> -> vector<16xf32>
        %parallel_loop3A_645 = arith.index_cast %rem3A_252 : i32 to index
        %parallel_loop3A_646 = arith.index_cast %parallel_loop3A_313 : i32 to index
        %parallel_loop3A_647 = arith.constant 32 : index
        %parallel_loop3A_648 = tpu.vector_load %arg13[%parallel_loop3A_645, %parallel_loop3A_646, %parallel_loop3A_647] {strides = array<i32>} : memref<2x40x128xf32, #tpu.memory_space<vmem>>, vector<16xf32>,
        %parallel_loop3A_649 = arith.mulf %parallel_loop3A_644, %parallel_loop3A_648 : vector<16xf32>
        %parallel_loop3A_650 = arith.index_cast %rem3A_252 : i32 to index
        %parallel_loop3A_651 = arith.index_cast %parallel_loop3A_313 : i32 to index
        %parallel_loop3A_652 = arith.constant 32 : index
        %parallel_loop3A_653 = tpu.vector_load %arg14[%parallel_loop3A_650, %parallel_loop3A_651, %parallel_loop3A_652] {strides = array<i32>} : memref<2x40x144xf32, #tpu.memory_space<vmem>>, vector<16xf32>,
        tpu.vector_store %arg14[%parallel_loop3A_650, %parallel_loop3A_651, %parallel_loop3A_652], %parallel_loop3A_649 {strides = array<i32>} : memref<2x40x144xf32, #tpu.memory_space<vmem>>, vector<16xf32>,
        %parallel_loop3A_654 = arith.constant 0 : i32
        %parallel_loop3A_655 = vector.broadcast %parallel_loop3A_654 : i32 to vector<16xi32>
        %parallel_loop3A_656 = arith.cmpi slt, %add3A_89, %parallel_loop3A_655 : vector<16xi32>
        %parallel_loop3A_657 = arith.constant 16 : i32
        %parallel_loop3A_658 = vector.broadcast %parallel_loop3A_657 : i32 to vector<16xi32>
        %parallel_loop3A_659 = arith.addi %add3A_89, %parallel_loop3A_658 : vector<16xi32>
        %parallel_loop3A_660 = arith.select %parallel_loop3A_656, %parallel_loop3A_659, %add3A_89 : vector<16xi1>, vector<16xi32>
        %parallel_loop3A_661 = vector.shape_cast %parallel_loop3A_660 : vector<16xi32> to vector<16x1xi32>
        %parallel_loop3A_662 = vector.shape_cast %parallel_loop3A_661 : vector<16x1xi32> to vector<16xi32>
        %parallel_loop3A_663 = tpu.dynamic_gather %parallel_loop3A_592[%parallel_loop3A_662] in [0] : vector<16xf32>, vector<16xi32> -> vector<16xf32>
        %parallel_loop3A_664 = arith.index_cast %rem3A_252 : i32 to index
        %parallel_loop3A_665 = arith.index_cast %parallel_loop3A_313 : i32 to index
        %parallel_loop3A_666 = arith.constant 48 : index
        %parallel_loop3A_667 = tpu.vector_load %arg13[%parallel_loop3A_664, %parallel_loop3A_665, %parallel_loop3A_666] {strides = array<i32>} : memref<2x40x128xf32, #tpu.memory_space<vmem>>, vector<16xf32>,
        %parallel_loop3A_668 = arith.mulf %parallel_loop3A_663, %parallel_loop3A_667 : vector<16xf32>
        %parallel_loop3A_669 = arith.index_cast %rem3A_252 : i32 to index
        %parallel_loop3A_670 = arith.index_cast %parallel_loop3A_313 : i32 to index
        %parallel_loop3A_671 = arith.constant 48 : index
        %parallel_loop3A_672 = tpu.vector_load %arg14[%parallel_loop3A_669, %parallel_loop3A_670, %parallel_loop3A_671] {strides = array<i32>} : memref<2x40x144xf32, #tpu.memory_space<vmem>>, vector<16xf32>,
        tpu.vector_store %arg14[%parallel_loop3A_669, %parallel_loop3A_670, %parallel_loop3A_671], %parallel_loop3A_668 {strides = array<i32>} : memref<2x40x144xf32, #tpu.memory_space<vmem>>, vector<16xf32>,
        %parallel_loop3A_673 = arith.constant 0 : i32
        %parallel_loop3A_674 = vector.broadcast %parallel_loop3A_673 : i32 to vector<16xi32>
        %parallel_loop3A_675 = arith.cmpi slt, %add3A_95, %parallel_loop3A_674 : vector<16xi32>
        %parallel_loop3A_676 = arith.constant 16 : i32
        %parallel_loop3A_677 = vector.broadcast %parallel_loop3A_676 : i32 to vector<16xi32>
        %parallel_loop3A_678 = arith.addi %add3A_95, %parallel_loop3A_677 : vector<16xi32>
        %parallel_loop3A_679 = arith.select %parallel_loop3A_675, %parallel_loop3A_678, %add3A_95 : vector<16xi1>, vector<16xi32>
        %parallel_loop3A_680 = vector.shape_cast %parallel_loop3A_679 : vector<16xi32> to vector<16x1xi32>
        %parallel_loop3A_681 = vector.shape_cast %parallel_loop3A_680 : vector<16x1xi32> to vector<16xi32>
        %parallel_loop3A_682 = tpu.dynamic_gather %parallel_loop3A_592[%parallel_loop3A_681] in [0] : vector<16xf32>, vector<16xi32> -> vector<16xf32>
        %parallel_loop3A_683 = arith.index_cast %rem3A_252 : i32 to index
        %parallel_loop3A_684 = arith.index_cast %parallel_loop3A_313 : i32 to index
        %parallel_loop3A_685 = arith.constant 64 : index
        %parallel_loop3A_686 = tpu.vector_load %arg13[%parallel_loop3A_683, %parallel_loop3A_684, %parallel_loop3A_685] {strides = array<i32>} : memref<2x40x128xf32, #tpu.memory_space<vmem>>, vector<16xf32>,
        %parallel_loop3A_687 = arith.mulf %parallel_loop3A_682, %parallel_loop3A_686 : vector<16xf32>
        %parallel_loop3A_688 = arith.index_cast %rem3A_252 : i32 to index
        %parallel_loop3A_689 = arith.index_cast %parallel_loop3A_313 : i32 to index
        %parallel_loop3A_690 = arith.constant 64 : index
        %parallel_loop3A_691 = tpu.vector_load %arg14[%parallel_loop3A_688, %parallel_loop3A_689, %parallel_loop3A_690] {strides = array<i32>} : memref<2x40x144xf32, #tpu.memory_space<vmem>>, vector<16xf32>,
        tpu.vector_store %arg14[%parallel_loop3A_688, %parallel_loop3A_689, %parallel_loop3A_690], %parallel_loop3A_687 {strides = array<i32>} : memref<2x40x144xf32, #tpu.memory_space<vmem>>, vector<16xf32>,
        %parallel_loop3A_692 = arith.constant 0 : i32
        %parallel_loop3A_693 = vector.broadcast %parallel_loop3A_692 : i32 to vector<16xi32>
        %parallel_loop3A_694 = arith.cmpi slt, %add3A_101, %parallel_loop3A_693 : vector<16xi32>
        %parallel_loop3A_695 = arith.constant 16 : i32
        %parallel_loop3A_696 = vector.broadcast %parallel_loop3A_695 : i32 to vector<16xi32>
        %parallel_loop3A_697 = arith.addi %add3A_101, %parallel_loop3A_696 : vector<16xi32>
        %parallel_loop3A_698 = arith.select %parallel_loop3A_694, %parallel_loop3A_697, %add3A_101 : vector<16xi1>, vector<16xi32>
        %parallel_loop3A_699 = vector.shape_cast %parallel_loop3A_698 : vector<16xi32> to vector<16x1xi32>
        %parallel_loop3A_700 = vector.shape_cast %parallel_loop3A_699 : vector<16x1xi32> to vector<16xi32>
        %parallel_loop3A_701 = tpu.dynamic_gather %parallel_loop3A_592[%parallel_loop3A_700] in [0] : vector<16xf32>, vector<16xi32> -> vector<16xf32>
        %parallel_loop3A_702 = arith.index_cast %rem3A_252 : i32 to index
        %parallel_loop3A_703 = arith.index_cast %parallel_loop3A_313 : i32 to index
        %parallel_loop3A_704 = arith.constant 80 : index
        %parallel_loop3A_705 = tpu.vector_load %arg13[%parallel_loop3A_702, %parallel_loop3A_703, %parallel_loop3A_704] {strides = array<i32>} : memref<2x40x128xf32, #tpu.memory_space<vmem>>, vector<16xf32>,
        %parallel_loop3A_706 = arith.mulf %parallel_loop3A_701, %parallel_loop3A_705 : vector<16xf32>
        %parallel_loop3A_707 = arith.index_cast %rem3A_252 : i32 to index
        %parallel_loop3A_708 = arith.index_cast %parallel_loop3A_313 : i32 to index
        %parallel_loop3A_709 = arith.constant 80 : index
        %parallel_loop3A_710 = tpu.vector_load %arg14[%parallel_loop3A_707, %parallel_loop3A_708, %parallel_loop3A_709] {strides = array<i32>} : memref<2x40x144xf32, #tpu.memory_space<vmem>>, vector<16xf32>,
        tpu.vector_store %arg14[%parallel_loop3A_707, %parallel_loop3A_708, %parallel_loop3A_709], %parallel_loop3A_706 {strides = array<i32>} : memref<2x40x144xf32, #tpu.memory_space<vmem>>, vector<16xf32>,
        %parallel_loop3A_711 = arith.constant 0 : i32
        %parallel_loop3A_712 = vector.broadcast %parallel_loop3A_711 : i32 to vector<16xi32>
        %parallel_loop3A_713 = arith.cmpi slt, %add3A_107, %parallel_loop3A_712 : vector<16xi32>
        %parallel_loop3A_714 = arith.constant 16 : i32
        %parallel_loop3A_715 = vector.broadcast %parallel_loop3A_714 : i32 to vector<16xi32>
        %parallel_loop3A_716 = arith.addi %add3A_107, %parallel_loop3A_715 : vector<16xi32>
        %parallel_loop3A_717 = arith.select %parallel_loop3A_713, %parallel_loop3A_716, %add3A_107 : vector<16xi1>, vector<16xi32>
        %parallel_loop3A_718 = vector.shape_cast %parallel_loop3A_717 : vector<16xi32> to vector<16x1xi32>
        %parallel_loop3A_719 = vector.shape_cast %parallel_loop3A_718 : vector<16x1xi32> to vector<16xi32>
        %parallel_loop3A_720 = tpu.dynamic_gather %parallel_loop3A_592[%parallel_loop3A_719] in [0] : vector<16xf32>, vector<16xi32> -> vector<16xf32>
        %parallel_loop3A_721 = arith.index_cast %rem3A_252 : i32 to index
        %parallel_loop3A_722 = arith.index_cast %parallel_loop3A_313 : i32 to index
        %parallel_loop3A_723 = arith.constant 96 : index
        %parallel_loop3A_724 = tpu.vector_load %arg13[%parallel_loop3A_721, %parallel_loop3A_722, %parallel_loop3A_723] {strides = array<i32>} : memref<2x40x128xf32, #tpu.memory_space<vmem>>, vector<16xf32>,
        %parallel_loop3A_725 = arith.mulf %parallel_loop3A_720, %parallel_loop3A_724 : vector<16xf32>
        %parallel_loop3A_726 = arith.index_cast %rem3A_252 : i32 to index
        %parallel_loop3A_727 = arith.index_cast %parallel_loop3A_313 : i32 to index
        %parallel_loop3A_728 = arith.constant 96 : index
        %parallel_loop3A_729 = tpu.vector_load %arg14[%parallel_loop3A_726, %parallel_loop3A_727, %parallel_loop3A_728] {strides = array<i32>} : memref<2x40x144xf32, #tpu.memory_space<vmem>>, vector<16xf32>,
        tpu.vector_store %arg14[%parallel_loop3A_726, %parallel_loop3A_727, %parallel_loop3A_728], %parallel_loop3A_725 {strides = array<i32>} : memref<2x40x144xf32, #tpu.memory_space<vmem>>, vector<16xf32>,
        %parallel_loop3A_730 = arith.constant 0 : i32
        %parallel_loop3A_731 = vector.broadcast %parallel_loop3A_730 : i32 to vector<16xi32>
        %parallel_loop3A_732 = arith.cmpi slt, %add3A_113, %parallel_loop3A_731 : vector<16xi32>
        %parallel_loop3A_733 = arith.constant 16 : i32
        %parallel_loop3A_734 = vector.broadcast %parallel_loop3A_733 : i32 to vector<16xi32>
        %parallel_loop3A_735 = arith.addi %add3A_113, %parallel_loop3A_734 : vector<16xi32>
        %parallel_loop3A_736 = arith.select %parallel_loop3A_732, %parallel_loop3A_735, %add3A_113 : vector<16xi1>, vector<16xi32>
        %parallel_loop3A_737 = vector.shape_cast %parallel_loop3A_736 : vector<16xi32> to vector<16x1xi32>
        %parallel_loop3A_738 = vector.shape_cast %parallel_loop3A_737 : vector<16x1xi32> to vector<16xi32>
        %parallel_loop3A_739 = tpu.dynamic_gather %parallel_loop3A_592[%parallel_loop3A_738] in [0] : vector<16xf32>, vector<16xi32> -> vector<16xf32>
        %parallel_loop3A_740 = arith.index_cast %rem3A_252 : i32 to index
        %parallel_loop3A_741 = arith.index_cast %parallel_loop3A_313 : i32 to index
        %parallel_loop3A_742 = arith.constant 112 : index
        %parallel_loop3A_743 = tpu.vector_load %arg13[%parallel_loop3A_740, %parallel_loop3A_741, %parallel_loop3A_742] {strides = array<i32>} : memref<2x40x128xf32, #tpu.memory_space<vmem>>, vector<16xf32>,
        %parallel_loop3A_744 = arith.mulf %parallel_loop3A_739, %parallel_loop3A_743 : vector<16xf32>
        %parallel_loop3A_745 = arith.index_cast %rem3A_252 : i32 to index
        %parallel_loop3A_746 = arith.index_cast %parallel_loop3A_313 : i32 to index
        %parallel_loop3A_747 = arith.constant 112 : index
        %parallel_loop3A_748 = tpu.vector_load %arg14[%parallel_loop3A_745, %parallel_loop3A_746, %parallel_loop3A_747] {strides = array<i32>} : memref<2x40x144xf32, #tpu.memory_space<vmem>>, vector<16xf32>,
        tpu.vector_store %arg14[%parallel_loop3A_745, %parallel_loop3A_746, %parallel_loop3A_747], %parallel_loop3A_744 {strides = array<i32>} : memref<2x40x144xf32, #tpu.memory_space<vmem>>, vector<16xf32>,
      } {sc.loop_unroll_factor = 2 : i64, sc.parallel_access}
      %dma_start3A_296 = arith.constant 0 : i32
      %dma_start3A_297 = arith.constant 0 : i32
      %dma_start3A_298 = tpu.memref_slice %arg14[%rem3A_252, %dma_start3A_296, %dma_start3A_297] : memref<2x40x144xf32, #tpu.memory_space<vmem>> -> memref<1x40x144xf32, #tpu.memory_space<vmem>>
      %dma_start3A_299 = tpu.memref_squeeze %dma_start3A_298 : memref<1x40x144xf32, #tpu.memory_space<vmem>> -> memref<40x144xf32, #tpu.memory_space<vmem>>
      %dma_start3A_300 = arith.constant 0 : i32
      %dma_start3A_301 = tpu.memref_slice %arg10[%rem3A_255, %dma_start3A_300] : memref<4x40xi32, #tpu.memory_space<vmem>> -> memref<1x40xi32, #tpu.memory_space<vmem>>
      %dma_start3A_302 = tpu.memref_squeeze %dma_start3A_301 : memref<1x40xi32, #tpu.memory_space<vmem>> -> memref<40xi32, #tpu.memory_space<vmem>>
      %dma_start3A_303 = arith.constant 0 : i32
      %dma_start3A_304 = arith.constant 0 : i32
      %dma_start3A_305 = tpu.memref_slice %arg15[%dma_start3A_303, %dma_start3A_304] : memref<10000x144xf32, #tpu.memory_space<vmem_shared>> -> memref<10000x144xf32, #tpu.memory_space<vmem_shared>>
      tpu.enqueue_indirect_dma source(%dma_start3A_299 : memref<40x144xf32, #tpu.memory_space<vmem>>) target(%dma_start3A_305 : memref<10000x144xf32, #tpu.memory_space<vmem_shared>>) offsets(%dma_start3A_302 : memref<40xi32, #tpu.memory_space<vmem>>) semaphore(%arg18 : memref<!tpu.dma_semaphore, #tpu.memory_space<semaphore_mem>>) {add = true}
      %add3A_306 = arith.constant 2 : i32
      %add3A_307 = arith.addi %scan3A_250, %add3A_306 : i32
      %lt3A_308 = arith.constant 250 : i32
      %lt3A_309 = arith.cmpi slt, %add3A_307, %lt3A_308 : i32
      %convert_element_type3A_310 = arith.extui %lt3A_309 : i1 to i32
      %cond3A_311 = arith.constant 0 : i32
      %cond3A_312 = arith.cmpi ne, %convert_element_type3A_310, %cond3A_311 : i32
      scf.if %cond3A_312 {
        %add3A_313 = arith.constant 2 : i32
        %add3A_314 = arith.addi %scan3A_250, %add3A_313 : i32
        %add3A_315 = arith.constant 2 : i32
        %add3A_316 = arith.addi %rem3A_255, %add3A_315 : i32
        %rem3A_317 = arith.constant 4 : i32
        %rem3A_318 = arith.remsi %add3A_316, %rem3A_317 : i32
        %mul3A_319 = arith.constant 40 : i32
        %mul3A_320 = arith.muli %add3A_314, %mul3A_319 : i32
        %add3A_321 = arith.addi %mul3A_6, %mul3A_320 : i32
        %rem3A_322 = arith.constant 2 : i32
        %rem3A_323 = arith.remsi %rem3A_318, %rem3A_322 : i32
        %dma_start3A_324 = arith.constant 0 : i32
        %dma_start3A_325 = tpu.memref_slice %arg9[%rem3A_323, %dma_start3A_324] : memref<2x40xi32, #tpu.memory_space<vmem>> -> memref<1x40xi32, #tpu.memory_space<vmem>>
        %dma_start3A_326 = tpu.memref_squeeze %dma_start3A_325 : memref<1x40xi32, #tpu.memory_space<vmem>> -> memref<40xi32, #tpu.memory_space<vmem>>
        %dma_start3A_327 = tpu.memref_slice %arg5[%add3A_321] : memref<320000xi32, #tpu.memory_space<hbm>> -> memref<40xi32, #tpu.memory_space<hbm>>
        %dma_start3A_328 = arith.constant 0 : i32
        %dma_start3A_329 = tpu.memref_slice %arg9[%rem3A_323, %dma_start3A_328] : memref<2x40xi32, #tpu.memory_space<vmem>> -> memref<1x40xi32, #tpu.memory_space<vmem>>
        %dma_start3A_330 = tpu.memref_squeeze %dma_start3A_329 : memref<1x40xi32, #tpu.memory_space<vmem>> -> memref<40xi32, #tpu.memory_space<vmem>>
        %dma_start3A_331 = tpu.memref_slice %arg5[%add3A_321] : memref<320000xi32, #tpu.memory_space<hbm>> -> memref<40xi32, #tpu.memory_space<hbm>>
        tpu.enqueue_dma source(%dma_start3A_331 : memref<40xi32, #tpu.memory_space<hbm>>) target(%dma_start3A_330 : memref<40xi32, #tpu.memory_space<vmem>>) target_semaphore(%arg16 : memref<!tpu.dma_semaphore, #tpu.memory_space<semaphore_mem>>)
        %dma_start3A_332 = arith.constant 0 : i32
        %dma_start3A_333 = tpu.memref_slice %arg10[%rem3A_318, %dma_start3A_332] : memref<4x40xi32, #tpu.memory_space<vmem>> -> memref<1x40xi32, #tpu.memory_space<vmem>>
        %dma_start3A_334 = tpu.memref_squeeze %dma_start3A_333 : memref<1x40xi32, #tpu.memory_space<vmem>> -> memref<40xi32, #tpu.memory_space<vmem>>
        %dma_start3A_335 = tpu.memref_slice %arg6[%add3A_321] : memref<320000xi32, #tpu.memory_space<hbm>> -> memref<40xi32, #tpu.memory_space<hbm>>
        %dma_start3A_336 = arith.constant 0 : i32
        %dma_start3A_337 = tpu.memref_slice %arg10[%rem3A_318, %dma_start3A_336] : memref<4x40xi32, #tpu.memory_space<vmem>> -> memref<1x40xi32, #tpu.memory_space<vmem>>
        %dma_start3A_338 = tpu.memref_squeeze %dma_start3A_337 : memref<1x40xi32, #tpu.memory_space<vmem>> -> memref<40xi32, #tpu.memory_space<vmem>>
        %dma_start3A_339 = tpu.memref_slice %arg6[%add3A_321] : memref<320000xi32, #tpu.memory_space<hbm>> -> memref<40xi32, #tpu.memory_space<hbm>>
        tpu.enqueue_dma source(%dma_start3A_339 : memref<40xi32, #tpu.memory_space<hbm>>) target(%dma_start3A_338 : memref<40xi32, #tpu.memory_space<vmem>>) target_semaphore(%arg16 : memref<!tpu.dma_semaphore, #tpu.memory_space<semaphore_mem>>)
      } else {
      }
    }
    %scan3A_220 = arith.constant 250 : i32
    %dma_wait3A_221 = arith.constant 0 : i32
    %dma_wait3A_222 = arith.constant 0 : i32
    %dma_wait3A_223 = arith.constant 0 : i32
    %dma_wait3A_224 = arith.constant 0 : i32
    %dma_wait3A_225 = tpu.memref_slice %arg14[%dma_wait3A_221, %dma_wait3A_223, %dma_wait3A_224] : memref<2x40x144xf32, #tpu.memory_space<vmem>> -> memref<1x40x144xf32, #tpu.memory_space<vmem>>
    %dma_wait3A_226 = tpu.memref_squeeze %dma_wait3A_225 : memref<1x40x144xf32, #tpu.memory_space<vmem>> -> memref<40x144xf32, #tpu.memory_space<vmem>>
    %dma_wait3A_227 = arith.constant 0 : i32
    %dma_wait3A_228 = tpu.memref_slice %arg10[%dma_wait3A_222, %dma_wait3A_227] : memref<4x40xi32, #tpu.memory_space<vmem>> -> memref<1x40xi32, #tpu.memory_space<vmem>>
    %dma_wait3A_229 = tpu.memref_squeeze %dma_wait3A_228 : memref<1x40xi32, #tpu.memory_space<vmem>> -> memref<40xi32, #tpu.memory_space<vmem>>
    %dma_wait3A_230 = arith.constant 0 : i32
    %dma_wait3A_231 = arith.constant 0 : i32
    %dma_wait3A_232 = tpu.memref_slice %arg15[%dma_wait3A_230, %dma_wait3A_231] : memref<10000x144xf32, #tpu.memory_space<vmem_shared>> -> memref<10000x144xf32, #tpu.memory_space<vmem_shared>>
    tpu.wait_indirect_dma semaphore(%arg18 : memref<!tpu.dma_semaphore, #tpu.memory_space<semaphore_mem>>) src(%dma_wait3A_226 : memref<40x144xf32, #tpu.memory_space<vmem>>) dst(%dma_wait3A_232 : memref<10000x144xf32, #tpu.memory_space<vmem_shared>>)
    %dma_wait3A_233 = arith.constant 1 : i32
    %dma_wait3A_234 = arith.constant 1 : i32
    %dma_wait3A_235 = arith.constant 0 : i32
    %dma_wait3A_236 = arith.constant 0 : i32
    %dma_wait3A_237 = tpu.memref_slice %arg14[%dma_wait3A_233, %dma_wait3A_235, %dma_wait3A_236] : memref<2x40x144xf32, #tpu.memory_space<vmem>> -> memref<1x40x144xf32, #tpu.memory_space<vmem>>
    %dma_wait3A_238 = tpu.memref_squeeze %dma_wait3A_237 : memref<1x40x144xf32, #tpu.memory_space<vmem>> -> memref<40x144xf32, #tpu.memory_space<vmem>>
    %dma_wait3A_239 = arith.constant 0 : i32
    %dma_wait3A_240 = tpu.memref_slice %arg10[%dma_wait3A_234, %dma_wait3A_239] : memref<4x40xi32, #tpu.memory_space<vmem>> -> memref<1x40xi32, #tpu.memory_space<vmem>>
    %dma_wait3A_241 = tpu.memref_squeeze %dma_wait3A_240 : memref<1x40xi32, #tpu.memory_space<vmem>> -> memref<40xi32, #tpu.memory_space<vmem>>
    %dma_wait3A_242 = arith.constant 0 : i32
    %dma_wait3A_243 = arith.constant 0 : i32
    %dma_wait3A_244 = tpu.memref_slice %arg15[%dma_wait3A_242, %dma_wait3A_243] : memref<10000x144xf32, #tpu.memory_space<vmem_shared>> -> memref<10000x144xf32, #tpu.memory_space<vmem_shared>>
    tpu.wait_indirect_dma semaphore(%arg18 : memref<!tpu.dma_semaphore, #tpu.memory_space<semaphore_mem>>) src(%dma_wait3A_238 : memref<40x144xf32, #tpu.memory_space<vmem>>) dst(%dma_wait3A_244 : memref<10000x144xf32, #tpu.memory_space<vmem_shared>>)
    %barrier3A_245 = arith.constant 0 : index
    tpu.barrier barrier_id(%barrier3A_245)
    %mul3A_246 = arith.constant 625 : i32
    %mul3A_247 = arith.muli %arg1, %mul3A_246 : i32
    %mul3A_248 = arith.constant 625 : i32
    %mul3A_249 = arith.muli %arg1, %mul3A_248 : i32
    "tpu.region"() ({
      %run_scoped3A = tpu.sem_alloc : memref<!tpu.dma_semaphore, #tpu.memory_space<semaphore_mem>>
      %dma_start3A_250 = arith.constant 0 : i32
      %dma_start3A_251 = tpu.memref_slice %arg8[%arg0, %mul3A_249, %dma_start3A_250] : memref<2x10000x144xf32, #tpu.memory_space<hbm>> -> memref<1x625x144xf32, #tpu.memory_space<hbm>>
      %dma_start3A_252 = tpu.memref_squeeze %dma_start3A_251 : memref<1x625x144xf32, #tpu.memory_space<hbm>> -> memref<625x144xf32, #tpu.memory_space<hbm>>
      %dma_start3A_253 = arith.constant 0 : i32
      %dma_start3A_254 = tpu.memref_slice %arg15[%mul3A_247, %dma_start3A_253] : memref<10000x144xf32, #tpu.memory_space<vmem_shared>> -> memref<625x144xf32, #tpu.memory_space<vmem_shared>>
      tpu.enqueue_dma source(%dma_start3A_254 : memref<625x144xf32, #tpu.memory_space<vmem_shared>>) target(%dma_start3A_252 : memref<625x144xf32, #tpu.memory_space<hbm>>) target_semaphore(%run_scoped3A : memref<!tpu.dma_semaphore, #tpu.memory_space<semaphore_mem>>)
      %dma_wait3A_255 = arith.constant 0 : i32
      %dma_wait3A_256 = tpu.memref_slice %arg8[%arg0, %mul3A_249, %dma_wait3A_255] : memref<2x10000x144xf32, #tpu.memory_space<hbm>> -> memref<1x625x144xf32, #tpu.memory_space<hbm>>
      %dma_wait3A_257 = tpu.memref_squeeze %dma_wait3A_256 : memref<1x625x144xf32, #tpu.memory_space<hbm>> -> memref<625x144xf32, #tpu.memory_space<hbm>>
      %dma_wait3A_258 = arith.constant 0 : i32
      %dma_wait3A_259 = tpu.memref_slice %arg15[%mul3A_247, %dma_wait3A_258] : memref<10000x144xf32, #tpu.memory_space<vmem_shared>> -> memref<625x144xf32, #tpu.memory_space<vmem_shared>>
      tpu.wait_dma2 semaphore(%run_scoped3A : memref<!tpu.dma_semaphore, #tpu.memory_space<semaphore_mem>>) src(%dma_wait3A_259 : memref<625x144xf32, #tpu.memory_space<vmem_shared>>) dst(%dma_wait3A_257 : memref<625x144xf32, #tpu.memory_space<hbm>>)
      tpu.yield
    }) : () -> ()
    return
  }
}

module attributes {stable_mosaic.version = 14 : i64} {
  func.func @_proj_body(%arg0: i32, %arg1: memref<1000x128xf32, #tpu.memory_space<vmem>>, %arg2: memref<128x128xf32, #tpu.memory_space<vmem>>, %arg3: memref<1x128xf32, #tpu.memory_space<vmem>>, %arg4: memref<128x128xf32, #tpu.memory_space<vmem>>, %arg5: memref<1x128xf32, #tpu.memory_space<vmem>>, %arg6: memref<128x128xf32, #tpu.memory_space<vmem>>, %arg7: memref<1x128xf32, #tpu.memory_space<vmem>>, %arg8: memref<128x128xf32, #tpu.memory_space<vmem>>, %arg9: memref<128x128xf32, #tpu.memory_space<vmem>>, %arg10: memref<1000x128xbf16, #tpu.memory_space<vmem>>, %arg11: memref<1000x128xbf16, #tpu.memory_space<vmem>>, %arg12: memref<1000x128xf32, #tpu.memory_space<vmem>>) attributes {dimension_semantics = [#tpu.dimension_semantics<arbitrary>], iteration_bounds = array<i64: 10>, scalar_prefetch = 0 : i64, scratch_operands = 0 : i64, tpu.core_type = #tpu.core_type<tc>, window_params = [{transform_indices = @transform_0, window_bounds = array<i64: 1000, 128>}, {pipeline_mode = #tpu.pipeline_mode<synchronous>, transform_indices = @transform_1, window_bounds = array<i64: 128, 128>}, {pipeline_mode = #tpu.pipeline_mode<synchronous>, transform_indices = @transform_2, window_bounds = array<i64: 1, 128>}, {pipeline_mode = #tpu.pipeline_mode<synchronous>, transform_indices = @transform_3, window_bounds = array<i64: 128, 128>}, {pipeline_mode = #tpu.pipeline_mode<synchronous>, transform_indices = @transform_4, window_bounds = array<i64: 1, 128>}, {pipeline_mode = #tpu.pipeline_mode<synchronous>, transform_indices = @transform_5, window_bounds = array<i64: 128, 128>}, {pipeline_mode = #tpu.pipeline_mode<synchronous>, transform_indices = @transform_6, window_bounds = array<i64: 1, 128>}, {pipeline_mode = #tpu.pipeline_mode<synchronous>, transform_indices = @transform_7, window_bounds = array<i64: 128, 128>}, {pipeline_mode = #tpu.pipeline_mode<synchronous>, transform_indices = @transform_8, window_bounds = array<i64: 128, 128>}, {transform_indices = @transform_9, window_bounds = array<i64: 1000, 128>}, {transform_indices = @transform_10, window_bounds = array<i64: 1000, 128>}, {transform_indices = @transform_11, window_bounds = array<i64: 1000, 128>}]} {
    %get3A = arith.constant 0 : index
    %get3A_0 = arith.constant 0 : index
    %get3A_1 = vector.load %arg1[%get3A, %get3A_0] : memref<1000x128xf32, #tpu.memory_space<vmem>>, vector<1000x128xf32>
    %get3A_2 = arith.constant 0 : index
    %get3A_3 = arith.constant 0 : index
    %get3A_4 = vector.load %arg2[%get3A_2, %get3A_3] : memref<128x128xf32, #tpu.memory_space<vmem>>, vector<128x128xf32>
    %dot_general3A = arith.constant dense<0.000000e+00> : vector<1000x128xf32>
    %dot_general3A_5 = tpu.matmul %get3A_1, %get3A_4, %dot_general3A {dimension_numbers = #tpu.dot_dimension_numbers<[1], [0], [0], [1], [0, 0, 1, 1], [], []>, transpose_lhs_hint = false} : vector<1000x128xf32>, vector<128x128xf32>, vector<1000x128xf32> -> vector<1000x128xf32>
    %get3A_6 = arith.constant 0 : index
    %get3A_7 = arith.constant 0 : index
    %get3A_8 = vector.load %arg3[%get3A_6, %get3A_7] : memref<1x128xf32, #tpu.memory_space<vmem>>, vector<1x128xf32>
    %add3A = vector.broadcast %get3A_8 : vector<1x128xf32> to vector<1000x128xf32>
    %add3A_9 = arith.addf %dot_general3A_5, %add3A : vector<1000x128xf32>
    %convert_element_type3A = arith.truncf %add3A_9 : vector<1000x128xf32> to vector<1000x128xbf16>
    %swap3A = arith.constant 0 : index
    %swap3A_10 = arith.constant 0 : index
    %swap3A_11 = vector.load %arg10[%swap3A, %swap3A_10] : memref<1000x128xbf16, #tpu.memory_space<vmem>>, vector<1000x128xbf16>
    tpu.vector_store %arg10[%swap3A, %swap3A_10], %convert_element_type3A {strides = array<i32>} : memref<1000x128xbf16, #tpu.memory_space<vmem>>, vector<1000x128xbf16>,
    %get3A_12 = arith.constant 0 : index
    %get3A_13 = arith.constant 0 : index
    %get3A_14 = vector.load %arg4[%get3A_12, %get3A_13] : memref<128x128xf32, #tpu.memory_space<vmem>>, vector<128x128xf32>
    %dot_general3A_15 = arith.constant dense<0.000000e+00> : vector<1000x128xf32>
    %dot_general3A_16 = tpu.matmul %get3A_1, %get3A_14, %dot_general3A_15 {dimension_numbers = #tpu.dot_dimension_numbers<[1], [0], [0], [1], [0, 0, 1, 1], [], []>, transpose_lhs_hint = false} : vector<1000x128xf32>, vector<128x128xf32>, vector<1000x128xf32> -> vector<1000x128xf32>
    %get3A_17 = arith.constant 0 : index
    %get3A_18 = arith.constant 0 : index
    %get3A_19 = vector.load %arg5[%get3A_17, %get3A_18] : memref<1x128xf32, #tpu.memory_space<vmem>>, vector<1x128xf32>
    %add3A_20 = vector.broadcast %get3A_19 : vector<1x128xf32> to vector<1000x128xf32>
    %add3A_21 = arith.addf %dot_general3A_16, %add3A_20 : vector<1000x128xf32>
    %get3A_22 = arith.constant 0 : index
    %get3A_23 = arith.constant 0 : index
    %get3A_24 = vector.load %arg8[%get3A_22, %get3A_23] : memref<128x128xf32, #tpu.memory_space<vmem>>, vector<128x128xf32>
    %dot_general3A_25 = arith.constant dense<0.000000e+00> : vector<1000x128xf32>
    %dot_general3A_26 = tpu.matmul %add3A_21, %get3A_24, %dot_general3A_25 {dimension_numbers = #tpu.dot_dimension_numbers<[1], [0], [0], [1], [0, 0, 1, 1], [], []>, transpose_lhs_hint = false} : vector<1000x128xf32>, vector<128x128xf32>, vector<1000x128xf32> -> vector<1000x128xf32>
    %convert_element_type3A_27 = arith.truncf %dot_general3A_26 : vector<1000x128xf32> to vector<1000x128xbf16>
    %swap3A_28 = arith.constant 0 : index
    %swap3A_29 = arith.constant 0 : index
    %swap3A_30 = vector.load %arg11[%swap3A_28, %swap3A_29] : memref<1000x128xbf16, #tpu.memory_space<vmem>>, vector<1000x128xbf16>
    tpu.vector_store %arg11[%swap3A_28, %swap3A_29], %convert_element_type3A_27 {strides = array<i32>} : memref<1000x128xbf16, #tpu.memory_space<vmem>>, vector<1000x128xbf16>,
    %get3A_31 = arith.constant 0 : index
    %get3A_32 = arith.constant 0 : index
    %get3A_33 = vector.load %arg6[%get3A_31, %get3A_32] : memref<128x128xf32, #tpu.memory_space<vmem>>, vector<128x128xf32>
    %dot_general3A_34 = arith.constant dense<0.000000e+00> : vector<1000x128xf32>
    %dot_general3A_35 = tpu.matmul %get3A_1, %get3A_33, %dot_general3A_34 {dimension_numbers = #tpu.dot_dimension_numbers<[1], [0], [0], [1], [0, 0, 1, 1], [], []>, transpose_lhs_hint = false} : vector<1000x128xf32>, vector<128x128xf32>, vector<1000x128xf32> -> vector<1000x128xf32>
    %get3A_36 = arith.constant 0 : index
    %get3A_37 = arith.constant 0 : index
    %get3A_38 = vector.load %arg7[%get3A_36, %get3A_37] : memref<1x128xf32, #tpu.memory_space<vmem>>, vector<1x128xf32>
    %add3A_39 = vector.broadcast %get3A_38 : vector<1x128xf32> to vector<1000x128xf32>
    %add3A_40 = arith.addf %dot_general3A_35, %add3A_39 : vector<1000x128xf32>
    %get3A_41 = arith.constant 0 : index
    %get3A_42 = arith.constant 0 : index
    %get3A_43 = vector.load %arg9[%get3A_41, %get3A_42] : memref<128x128xf32, #tpu.memory_space<vmem>>, vector<128x128xf32>
    %dot_general3A_44 = arith.constant dense<0.000000e+00> : vector<1000x128xf32>
    %dot_general3A_45 = tpu.matmul %add3A_40, %get3A_43, %dot_general3A_44 {dimension_numbers = #tpu.dot_dimension_numbers<[1], [0], [0], [1], [0, 0, 1, 1], [], []>, transpose_lhs_hint = false} : vector<1000x128xf32>, vector<128x128xf32>, vector<1000x128xf32> -> vector<1000x128xf32>
    %swap3A_46 = arith.constant 0 : index
    %swap3A_47 = arith.constant 0 : index
    %swap3A_48 = vector.load %arg12[%swap3A_46, %swap3A_47] : memref<1000x128xf32, #tpu.memory_space<vmem>>, vector<1000x128xf32>
    tpu.vector_store %arg12[%swap3A_46, %swap3A_47], %dot_general3A_45 {strides = array<i32>} : memref<1000x128xf32, #tpu.memory_space<vmem>>, vector<1000x128xf32>,
    return
  }
  func.func @transform_0(%arg0: i32) -> (i32, i32) {
    %c0_i32 = arith.constant 0 : i32
    %c0_i32_0 = arith.constant 0 : i32
    return %arg0, %c0_i32 : i32, i32
  }
  func.func @transform_1(%arg0: i32) -> (i32, i32) {
    %c0_i32 = arith.constant 0 : i32
    %c0_i32_0 = arith.constant 0 : i32
    %c0_i32_1 = arith.constant 0 : i32
    return %c0_i32, %c0_i32_0 : i32, i32
  }
  func.func @transform_2(%arg0: i32) -> (i32, i32) {
    %c0_i32 = arith.constant 0 : i32
    %c0_i32_0 = arith.constant 0 : i32
    %c0_i32_1 = arith.constant 0 : i32
    return %c0_i32, %c0_i32_0 : i32, i32
  }
  func.func @transform_3(%arg0: i32) -> (i32, i32) {
    %c0_i32 = arith.constant 0 : i32
    %c0_i32_0 = arith.constant 0 : i32
    %c0_i32_1 = arith.constant 0 : i32
    return %c0_i32, %c0_i32_0 : i32, i32
  }
  func.func @transform_4(%arg0: i32) -> (i32, i32) {
    %c0_i32 = arith.constant 0 : i32
    %c0_i32_0 = arith.constant 0 : i32
    %c0_i32_1 = arith.constant 0 : i32
    return %c0_i32, %c0_i32_0 : i32, i32
  }
  func.func @transform_5(%arg0: i32) -> (i32, i32) {
    %c0_i32 = arith.constant 0 : i32
    %c0_i32_0 = arith.constant 0 : i32
    %c0_i32_1 = arith.constant 0 : i32
    return %c0_i32, %c0_i32_0 : i32, i32
  }
  func.func @transform_6(%arg0: i32) -> (i32, i32) {
    %c0_i32 = arith.constant 0 : i32
    %c0_i32_0 = arith.constant 0 : i32
    %c0_i32_1 = arith.constant 0 : i32
    return %c0_i32, %c0_i32_0 : i32, i32
  }
  func.func @transform_7(%arg0: i32) -> (i32, i32) {
    %c0_i32 = arith.constant 0 : i32
    %c0_i32_0 = arith.constant 0 : i32
    %c0_i32_1 = arith.constant 0 : i32
    return %c0_i32, %c0_i32_0 : i32, i32
  }
  func.func @transform_8(%arg0: i32) -> (i32, i32) {
    %c0_i32 = arith.constant 0 : i32
    %c0_i32_0 = arith.constant 0 : i32
    %c0_i32_1 = arith.constant 0 : i32
    return %c0_i32, %c0_i32_0 : i32, i32
  }
  func.func @transform_9(%arg0: i32) -> (i32, i32) {
    %c0_i32 = arith.constant 0 : i32
    %c0_i32_0 = arith.constant 0 : i32
    return %arg0, %c0_i32 : i32, i32
  }
  func.func @transform_10(%arg0: i32) -> (i32, i32) {
    %c0_i32 = arith.constant 0 : i32
    %c0_i32_0 = arith.constant 0 : i32
    return %arg0, %c0_i32 : i32, i32
  }
  func.func @transform_11(%arg0: i32) -> (i32, i32) {
    %c0_i32 = arith.constant 0 : i32
    %c0_i32_0 = arith.constant 0 : i32
    return %arg0, %c0_i32 : i32, i32
  }
}

module attributes {stable_mosaic.version = 14 : i64} {
  func.func @_out_body(%arg0: i32, %arg1: memref<2x1000x144xf32, #tpu.memory_space<vmem>>, %arg2: memref<1000x128xf32, #tpu.memory_space<vmem>>, %arg3: memref<128x128xf32, #tpu.memory_space<vmem>>, %arg4: memref<1x128xf32, #tpu.memory_space<vmem>>, %arg5: memref<1x1xf32, #tpu.memory_space<smem>>, %arg6: memref<1x128xf32, #tpu.memory_space<vmem>>, %arg7: memref<1x128xf32, #tpu.memory_space<vmem>>, %arg8: memref<16x128xf32, #tpu.memory_space<vmem>>, %arg9: memref<1000x128xf32, #tpu.memory_space<vmem>>) attributes {dimension_semantics = [#tpu.dimension_semantics<arbitrary>], iteration_bounds = array<i64: 10>, scalar_prefetch = 0 : i64, scratch_operands = 0 : i64, tpu.core_type = #tpu.core_type<tc>, window_params = [{transform_indices = @transform_0, window_bounds = array<i64: 2, 1000, 144>}, {transform_indices = @transform_1, window_bounds = array<i64: 1000, 128>}, {pipeline_mode = #tpu.pipeline_mode<synchronous>, transform_indices = @transform_2, window_bounds = array<i64: 128, 128>}, {pipeline_mode = #tpu.pipeline_mode<synchronous>, transform_indices = @transform_3, window_bounds = array<i64: 1, 128>}, {transform_indices = @transform_4, window_bounds = array<i64: 1, 1>}, {pipeline_mode = #tpu.pipeline_mode<synchronous>, transform_indices = @transform_5, window_bounds = array<i64: 1, 128>}, {pipeline_mode = #tpu.pipeline_mode<synchronous>, transform_indices = @transform_6, window_bounds = array<i64: 1, 128>}, {pipeline_mode = #tpu.pipeline_mode<synchronous>, transform_indices = @transform_7, window_bounds = array<i64: 16, 128>}, {transform_indices = @transform_8, window_bounds = array<i64: 1000, 128>}]} {
    %get3A = arith.constant 0 : index
    %get3A_0 = arith.constant 0 : index
    %get3A_1 = arith.constant 0 : index
    %get3A_2 = vector.load %arg1[%get3A, %get3A_0, %get3A_1] : memref<2x1000x144xf32, #tpu.memory_space<vmem>>, vector<1x1000x144xf32>
    %get3A_3 = vector.shape_cast %get3A_2 : vector<1x1000x144xf32> to vector<1000x144xf32>
    %get3A_4 = arith.constant 1 : index
    %get3A_5 = arith.constant 0 : index
    %get3A_6 = arith.constant 0 : index
    %get3A_7 = vector.load %arg1[%get3A_4, %get3A_5, %get3A_6] : memref<2x1000x144xf32, #tpu.memory_space<vmem>>, vector<1x1000x144xf32>
    %get3A_8 = vector.shape_cast %get3A_7 : vector<1x1000x144xf32> to vector<1000x144xf32>
    %slice3A = vector.extract_strided_slice %get3A_3 {offsets = [0, 0], sizes = [1000, 128], strides = [1, 1]} : vector<1000x144xf32> to vector<1000x128xf32>
    %slice3A_9 = vector.extract_strided_slice %get3A_8 {offsets = [0, 0], sizes = [1000, 128], strides = [1, 1]} : vector<1000x144xf32> to vector<1000x128xf32>
    %add3A = arith.addf %slice3A, %slice3A_9 : vector<1000x128xf32>
    %slice3A_10 = vector.extract_strided_slice %get3A_3 {offsets = [0, 128], sizes = [1000, 16], strides = [1, 1]} : vector<1000x144xf32> to vector<1000x16xf32>
    %slice3A_11 = vector.extract_strided_slice %get3A_8 {offsets = [0, 128], sizes = [1000, 16], strides = [1, 1]} : vector<1000x144xf32> to vector<1000x16xf32>
    %add3A_12 = arith.addf %slice3A_10, %slice3A_11 : vector<1000x16xf32>
    %get3A_13 = arith.constant 0 : index
    %get3A_14 = arith.constant 0 : index
    %get3A_15 = vector.load %arg8[%get3A_13, %get3A_14] : memref<16x128xf32, #tpu.memory_space<vmem>>, vector<16x128xf32>
    %dot_general3A = arith.constant dense<0.000000e+00> : vector<1000x128xf32>
    %dot_general3A_16 = tpu.matmul %add3A_12, %get3A_15, %dot_general3A {dimension_numbers = #tpu.dot_dimension_numbers<[1], [0], [0], [1], [0, 0, 1, 1], [], []>, transpose_lhs_hint = false} : vector<1000x16xf32>, vector<16x128xf32>, vector<1000x128xf32> -> vector<1000x128xf32>
    %max3A = arith.constant 1.000000e-30 : f32
    %max3A_17 = vector.broadcast %max3A : f32 to vector<1000x128xf32>
    %max3A_18 = arith.maximumf %dot_general3A_16, %max3A_17 : vector<1000x128xf32>
    %div3A = arith.divf %add3A, %max3A_18 : vector<1000x128xf32>
    %integer_pow3A = arith.mulf %div3A, %div3A : vector<1000x128xf32>
    %integer_pow3A_19 = arith.mulf %div3A, %integer_pow3A : vector<1000x128xf32>
    %mul3A = arith.constant 4.471500e-02 : f32
    %mul3A_20 = vector.broadcast %mul3A : f32 to vector<1000x128xf32>
    %mul3A_21 = arith.mulf %mul3A_20, %integer_pow3A_19 : vector<1000x128xf32>
    %add3A_22 = arith.addf %div3A, %mul3A_21 : vector<1000x128xf32>
    %mul3A_23 = arith.constant 0.797884583 : f32
    %mul3A_24 = vector.broadcast %mul3A_23 : f32 to vector<1000x128xf32>
    %mul3A_25 = arith.mulf %mul3A_24, %add3A_22 : vector<1000x128xf32>
    %tanh3A = math.tanh %mul3A_25 : vector<1000x128xf32>
    %add3A_26 = arith.constant 1.000000e+00 : f32
    %add3A_27 = vector.broadcast %add3A_26 : f32 to vector<1000x128xf32>
    %add3A_28 = arith.addf %add3A_27, %tanh3A : vector<1000x128xf32>
    %mul3A_29 = arith.constant 5.000000e-01 : f32
    %mul3A_30 = vector.broadcast %mul3A_29 : f32 to vector<1000x128xf32>
    %mul3A_31 = arith.mulf %mul3A_30, %add3A_28 : vector<1000x128xf32>
    %mul3A_32 = arith.mulf %div3A, %mul3A_31 : vector<1000x128xf32>
    %get3A_33 = arith.constant 0 : index
    %get3A_34 = arith.constant 0 : index
    %get3A_35 = vector.load %arg3[%get3A_33, %get3A_34] : memref<128x128xf32, #tpu.memory_space<vmem>>, vector<128x128xf32>
    %dot_general3A_36 = arith.constant dense<0.000000e+00> : vector<1000x128xf32>
    %dot_general3A_37 = tpu.matmul %mul3A_32, %get3A_35, %dot_general3A_36 {dimension_numbers = #tpu.dot_dimension_numbers<[1], [0], [0], [1], [0, 0, 1, 1], [], []>, transpose_lhs_hint = false} : vector<1000x128xf32>, vector<128x128xf32>, vector<1000x128xf32> -> vector<1000x128xf32>
    %get3A_38 = arith.constant 0 : index
    %get3A_39 = arith.constant 0 : index
    %get3A_40 = vector.load %arg4[%get3A_38, %get3A_39] : memref<1x128xf32, #tpu.memory_space<vmem>>, vector<1x128xf32>
    %add3A_41 = vector.broadcast %get3A_40 : vector<1x128xf32> to vector<1000x128xf32>
    %add3A_42 = arith.addf %dot_general3A_37, %add3A_41 : vector<1000x128xf32>
    %get3A_43 = arith.constant 0 : index
    %get3A_44 = arith.constant 0 : index
    %get3A_45 = memref.load %arg5[%get3A_43, %get3A_44] : memref<1x1xf32, #tpu.memory_space<smem>>
    %logistic3A = arith.negf %get3A_45 : f32
    %logistic3A_46 = math.exp %logistic3A : f32
    %logistic3A_47 = arith.constant 1.000000e+00 : f32
    %logistic3A_48 = arith.addf %logistic3A_47, %logistic3A_46 : f32
    %logistic3A_49 = arith.divf %logistic3A_47, %logistic3A_48 : f32
    %mul3A_50 = vector.broadcast %logistic3A_49 : f32 to vector<1000x128xf32>
    %mul3A_51 = arith.mulf %mul3A_50, %add3A_42 : vector<1000x128xf32>
    %sub3A = arith.constant 1.000000e+00 : f32
    %sub3A_52 = arith.subf %sub3A, %logistic3A_49 : f32
    %get3A_53 = arith.constant 0 : index
    %get3A_54 = arith.constant 0 : index
    %get3A_55 = vector.load %arg2[%get3A_53, %get3A_54] : memref<1000x128xf32, #tpu.memory_space<vmem>>, vector<1000x128xf32>
    %mul3A_56 = vector.broadcast %sub3A_52 : f32 to vector<1000x128xf32>
    %mul3A_57 = arith.mulf %mul3A_56, %get3A_55 : vector<1000x128xf32>
    %add3A_58 = arith.addf %mul3A_51, %mul3A_57 : vector<1000x128xf32>
    %reduce_sum3A = arith.constant dense<0.000000e+00> : vector<1000xf32>
    %reduce_sum3A_59 = vector.multi_reduction <add>, %add3A_58, %reduce_sum3A [1] : vector<1000x128xf32> to vector<1000xf32>
    %broadcast_in_dim3A = vector.shape_cast %reduce_sum3A_59 : vector<1000xf32> to vector<1000x1xf32>
    %div3A_60 = arith.constant 1.280000e+02 : f32
    %div3A_61 = vector.broadcast %div3A_60 : f32 to vector<1000x1xf32>
    %div3A_62 = arith.divf %broadcast_in_dim3A, %div3A_61 : vector<1000x1xf32>
    %sub3A_63 = vector.broadcast %div3A_62 : vector<1000x1xf32> to vector<1000x128xf32>
    %sub3A_64 = arith.subf %add3A_58, %sub3A_63 : vector<1000x128xf32>
    %mul3A_65 = arith.mulf %sub3A_64, %sub3A_64 : vector<1000x128xf32>
    %reduce_sum3A_66 = arith.constant dense<0.000000e+00> : vector<1000xf32>
    %reduce_sum3A_67 = vector.multi_reduction <add>, %mul3A_65, %reduce_sum3A_66 [1] : vector<1000x128xf32> to vector<1000xf32>
    %broadcast_in_dim3A_68 = vector.shape_cast %reduce_sum3A_67 : vector<1000xf32> to vector<1000x1xf32>
    %div3A_69 = arith.constant 1.280000e+02 : f32
    %div3A_70 = vector.broadcast %div3A_69 : f32 to vector<1000x1xf32>
    %div3A_71 = arith.divf %broadcast_in_dim3A_68, %div3A_70 : vector<1000x1xf32>
    %add3A_72 = arith.constant 1.000000e-03 : f32
    %add3A_73 = vector.broadcast %add3A_72 : f32 to vector<1000x1xf32>
    %add3A_74 = arith.addf %div3A_71, %add3A_73 : vector<1000x1xf32>
    %rsqrt3A = math.rsqrt %add3A_74 : vector<1000x1xf32>
    %mul3A_75 = vector.broadcast %rsqrt3A : vector<1000x1xf32> to vector<1000x128xf32>
    %mul3A_76 = arith.mulf %sub3A_64, %mul3A_75 : vector<1000x128xf32>
    %get3A_77 = arith.constant 0 : index
    %get3A_78 = arith.constant 0 : index
    %get3A_79 = vector.load %arg6[%get3A_77, %get3A_78] : memref<1x128xf32, #tpu.memory_space<vmem>>, vector<1x128xf32>
    %mul3A_80 = vector.broadcast %get3A_79 : vector<1x128xf32> to vector<1000x128xf32>
    %mul3A_81 = arith.mulf %mul3A_80, %mul3A_76 : vector<1000x128xf32>
    %get3A_82 = arith.constant 0 : index
    %get3A_83 = arith.constant 0 : index
    %get3A_84 = vector.load %arg7[%get3A_82, %get3A_83] : memref<1x128xf32, #tpu.memory_space<vmem>>, vector<1x128xf32>
    %add3A_85 = vector.broadcast %get3A_84 : vector<1x128xf32> to vector<1000x128xf32>
    %add3A_86 = arith.addf %mul3A_81, %add3A_85 : vector<1000x128xf32>
    %swap3A = arith.constant 0 : index
    %swap3A_87 = arith.constant 0 : index
    %swap3A_88 = vector.load %arg9[%swap3A, %swap3A_87] : memref<1000x128xf32, #tpu.memory_space<vmem>>, vector<1000x128xf32>
    tpu.vector_store %arg9[%swap3A, %swap3A_87], %add3A_86 {strides = array<i32>} : memref<1000x128xf32, #tpu.memory_space<vmem>>, vector<1000x128xf32>,
    return
  }
  func.func @transform_0(%arg0: i32) -> (i32, i32, i32) {
    %c0_i32 = arith.constant 0 : i32
    %c0_i32_0 = arith.constant 0 : i32
    %c0_i32_1 = arith.constant 0 : i32
    return %c0_i32, %arg0, %c0_i32_0 : i32, i32, i32
  }
  func.func @transform_1(%arg0: i32) -> (i32, i32) {
    %c0_i32 = arith.constant 0 : i32
    %c0_i32_0 = arith.constant 0 : i32
    return %arg0, %c0_i32 : i32, i32
  }
  func.func @transform_2(%arg0: i32) -> (i32, i32) {
    %c0_i32 = arith.constant 0 : i32
    %c0_i32_0 = arith.constant 0 : i32
    %c0_i32_1 = arith.constant 0 : i32
    return %c0_i32, %c0_i32_0 : i32, i32
  }
  func.func @transform_3(%arg0: i32) -> (i32, i32) {
    %c0_i32 = arith.constant 0 : i32
    %c0_i32_0 = arith.constant 0 : i32
    %c0_i32_1 = arith.constant 0 : i32
    return %c0_i32, %c0_i32_0 : i32, i32
  }
  func.func @transform_4(%arg0: i32) -> (i32, i32) {
    %c0_i32 = arith.constant 0 : i32
    %c0_i32_0 = arith.constant 0 : i32
    %c0_i32_1 = arith.constant 0 : i32
    return %c0_i32, %c0_i32_0 : i32, i32
  }
  func.func @transform_5(%arg0: i32) -> (i32, i32) {
    %c0_i32 = arith.constant 0 : i32
    %c0_i32_0 = arith.constant 0 : i32
    %c0_i32_1 = arith.constant 0 : i32
    return %c0_i32, %c0_i32_0 : i32, i32
  }
  func.func @transform_6(%arg0: i32) -> (i32, i32) {
    %c0_i32 = arith.constant 0 : i32
    %c0_i32_0 = arith.constant 0 : i32
    %c0_i32_1 = arith.constant 0 : i32
    return %c0_i32, %c0_i32_0 : i32, i32
  }
  func.func @transform_7(%arg0: i32) -> (i32, i32) {
    %c0_i32 = arith.constant 0 : i32
    %c0_i32_0 = arith.constant 0 : i32
    %c0_i32_1 = arith.constant 0 : i32
    return %c0_i32, %c0_i32_0 : i32, i32
  }
  func.func @transform_8(%arg0: i32) -> (i32, i32) {
    %c0_i32 = arith.constant 0 : i32
    %c0_i32_0 = arith.constant 0 : i32
    return %arg0, %c0_i32 : i32, i32
  }
}

</mosaic_0001>

<sc_bundles>
// kernel: kernel.5.cloned.1.call-start
scs
__scs_entry_jumppad:
0x0: {  	(pc) =	sbr.rel $0x88, $3  }
0x1: {  	(tag) =	ssettag $0x0;
	lr =	simm.s32 $0x1  }
0x2: {  	[smem:$0x3F91] =	sst lr;
	_ =	strace $0xD0000000  }
0x3: {  	_ = 	snop  }
0x4: {  	_ = 	snop  }
0x5: {  	_ = 	snop  }
0x6: {  	_ = 	snop  }
0x7: {  	_ = 	snop  }
__scs_overlays_trampoline_lowered:
0x8: {  	[smem:$0x3FA0] =	sst s0  }
0x9: {  	[smem:$0x3FA1] =	sst s1  }
0xa: {  	[smem:$0x3FA2] =	sst s2  }
0xb: {  	[smem:$0x3FA3] =	sst s3  }
0xc: {  	[smem:$0x3FA4] =	sst s4  }
0xd: {  	[smem:$0x3FA5] =	sst s5  }
0xe: {  	[smem:$0x3FA6] =	sst s6  }
0xf: {  	[smem:$0x3FA7] =	sst s7  }
0x10: {  	[smem:$0x3FA8] =	sst s8  }
0x11: {  	[smem:$0x3FA9] =	sst s9;
	s0 =	simm.s32 @!p0 $0x0  }
0x12: {  	s1 =	sld [smem:$0x3F8F];
	s0 =	simm.s32 @p0 $0x1  }
0x13: {  	[smem:$0x3FAA] =	sst s0;
	s0 =	simm.s32 @!p1 $0x0  }
0x14: {  	s2 =	sld [smem:$0x3F8E];
	s0 =	simm.s32 @p1 $0x1  }
0x15: {  	[smem:$0x3FAB] =	sst s0;
	s0 =	simm.s32 @!p2 $0x0  }
0x16: {  	s3 =	sld [smem:$0x3FDB];
	s0 =	simm.s32 @p2 $0x1  }
0x17: {  	s4 =	simm.s32 $0x1BF5;
	[smem:$0x3FAD] =	sst s0  }
0x18: {  	s0 =	sld [smem:$0x3F90];
	_ =	swait.ge [sflag:s4], $0x0  }
0x19: {  	s7 =	sld [smem:$0x3F91]  }
0x1a: {  	s8 =	sadd.s32 $0xFFFFE003, lr  }
0x1b: {  	s9 =	sadd.s32 $0xFFFFFEF7, lr;
	s5 =	simm.s32 $0xFFFFFFFF;
	p2 =	slt.u32 s8, $0xFFFFF086  }
0x1c: {  	p1 =	slt.u32 s9, $0xF7A;
	s5 =	simm.s32 @!p2 $0x0  }
0x1d: {  	s5 =	simm.s32 @p1 $0x1;
	p0 =	seq.s32 s7, s2  }
0x1e: {  	s7 =	smul.u32 @!p0 $0xF7A, s2;
	p2 =	seq.s32 @!p0 s5, $0x0  }
0x1f: {  	s9 =	smul.u32 $0xF7A, s1;
	s8 =	simm.s32 @!p0 $0x1BF5;
	p2 =	por !p2, p0  }
0x20: {  	[sflag:s8] =	ssyncset.s32 @!p0 $0xFFFFF086;
	s6 =	sadd.s32 @!p0 s3, s7;
	s7 =	simm.s32 @!p0 $0x108  }
0x21: {  	s3 =	sadd.s32 s3, s9;
	s6 =	sadd.s32 @!p0 $0x88, s6;
	s7 =	simm.s32 @p2 $0x1082  }
0x22: {  	[simem:s7], [sflag:s8] =	dma.local @!p0 [hbm:s6], $0xF7A  }
0x23: {  	s9 =	sor.u32 $0xD0000000, s2;
	s6 =	simm.s32 $0x108;
	_ =	swait.ge @!p0 [sflag:s8], $0x0  }
0x24: {  	s3 =	sadd.s32 $0x88, s3;
	s6 =	simm.s32 @!p1 $0x1082;
	[sflag:s4] =	ssyncset.s32 $0xFFFFF086  }
0x25: {  	[simem:s6], [sflag:s4] =	dma.local [hbm:s3], $0xF7A  }
0x26: {  	[smem:$0x3F91] =	sst s1;
	(tag) =	ssettag s2;
	_ =	strace s9  }
0x27: {  	s1 =	sld [smem:$0x3FA1]  }
0x28: {  	s2 =	sld [smem:$0x3FA2]  }
0x29: {  	s4 =	sld [smem:$0x3FA4]  }
0x2a: {  	p0 =	seq.s32 s5, $0x0;
	s5 =	sld [smem:$0x3FA5]  }
0x2b: {  	s6 =	sld [smem:$0x3FA6]  }
0x2c: {  	s7 =	sld [smem:$0x3FA7]  }
0x2d: {  	s3 =	simm.s32 $0x108;
	s8 =	sld [smem:$0x3FA8]  }
0x2e: {  	s3 =	simm.s32 @!p0 $0x1082;
	s9 =	sld [smem:$0x3FA9]  }
0x2f: {  	lr =	sadd.s32 s0, s3;
	s0 =	sld [smem:$0x3FA0]  }
0x30: {  	s3 =	sld [smem:$0x3FA3]  }
0x31: {  	[smem:$0x3FAC] =	sst s10  }
0x32: {  	s10 =	sld [smem:$0x3FAA];
	_ =	sdelay $0x3  }
0x33: {  	p0 =	seq.s32 s10, $0x1;
	s10 =	sld [smem:$0x3FAC];
	_ =	sdelay $0x3  }
0x34: {  	[smem:$0x3FAC] =	sst s10  }
0x35: {  	s10 =	sld [smem:$0x3FAB];
	_ =	sdelay $0x3  }
0x36: {  	p1 =	seq.s32 s10, $0x1;
	s10 =	sld [smem:$0x3FAC];
	_ =	sdelay $0x3  }
0x37: {  	[smem:$0x3FAC] =	sst s10  }
0x38: {  	s10 =	sld [smem:$0x3FAD]  }
0x39: {  	_ = 	snop;
	(pc) =	sbr.ind lr, $3  }
0x3a: {  	_ = 	snop  }
0x3b: {  	_ = 	snop  }
0x3c: {  	p2 =	seq.s32 s10, $0x1;
	s10 =	sld [smem:$0x3FAC]  }
0x3d: {  	_ =	shalt  }
0x3e: {  	_ =	shalt  }
0x3f: {  	_ =	shalt  }
0x40: {  	_ =	shalt  }
0x41: {  	_ =	shalt  }
0x42: {  	_ =	shalt  }
0x43: {  	_ =	shalt  }
0x44: {  	_ =	shalt  }
0x45: {  	_ =	shalt  }
0x46: {  	_ =	shalt  }
0x47: {  	_ =	shalt  }
0x48: {  	_ =	shalt  }
0x49: {  	_ =	shalt  }
0x4a: {  	_ =	shalt  }
0x4b: {  	_ =	shalt  }
0x4c: {  	_ =	shalt  }
0x4d: {  	_ =	shalt  }
0x4e: {  	_ =	shalt  }
0x4f: {  	_ =	shalt  }
0x50: {  	_ =	shalt  }
0x51: {  	_ =	shalt  }
0x52: {  	_ =	shalt  }
0x53: {  	_ =	shalt  }
0x54: {  	_ =	shalt  }
0x55: {  	_ =	shalt  }
0x56: {  	_ =	shalt  }
0x57: {  	_ =	shalt  }
0x58: {  	_ =	shalt  }
0x59: {  	_ =	shalt  }
0x5a: {  	_ =	shalt  }
0x5b: {  	_ =	shalt  }
0x5c: {  	_ =	shalt  }
0x5d: {  	_ =	shalt  }
0x5e: {  	_ =	shalt  }
0x5f: {  	_ =	shalt  }
0x60: {  	_ =	shalt  }
0x61: {  	_ =	shalt  }
0x62: {  	_ =	shalt  }
0x63: {  	_ =	shalt  }
0x64: {  	_ =	shalt  }
0x65: {  	_ =	shalt  }
0x66: {  	_ =	shalt  }
0x67: {  	_ =	shalt  }
0x68: {  	_ =	shalt  }
0x69: {  	_ =	shalt  }
0x6a: {  	_ =	shalt  }
0x6b: {  	_ =	shalt  }
0x6c: {  	_ =	shalt  }
0x6d: {  	_ =	shalt  }
0x6e: {  	_ =	shalt  }
0x6f: {  	_ =	shalt  }
0x70: {  	_ =	shalt  }
0x71: {  	_ =	shalt  }
0x72: {  	_ =	shalt  }
0x73: {  	_ =	shalt  }
0x74: {  	_ =	shalt  }
0x75: {  	_ =	shalt  }
0x76: {  	_ =	shalt  }
0x77: {  	_ =	shalt  }
0x78: {  	_ =	shalt  }
0x79: {  	_ =	shalt  }
0x7a: {  	_ =	shalt  }
0x7b: {  	_ =	shalt  }
0x7c: {  	_ =	shalt  }
0x7d: {  	_ =	shalt  }
0x7e: {  	_ =	shalt  }
0x7f: {  	_ =	shalt  }
0x80: {  	_ =	shalt  }
0x81: {  	_ =	shalt  }
0x82: {  	_ =	shalt  }
0x83: {  	_ =	shalt  }
0x84: {  	_ =	shalt  }
0x85: {  	_ =	shalt  }
0x86: {  	_ =	shalt  }
0x87: {  	_ =	shalt  }
.Lfunc_end0:
.L_simem_size_0:
called_computation_lowered:
.L_overlay_start_0:
0x88: {  	s2 =	sld [smem:$0x3FD9]  }
0x89: {  	s3 =	sld [smem:$0x3FFE];
	_ =	sdelay $0x1  }
0x8a: {  	s1 =	srdreg.scid  }
0x8b: {  	s0 =	sand.u32 $0x1, s1  }
0x8c: {  	s17 =	sshll.u32 s0, $0xA;
	s2 =	sadd.s32 s3, s2  }
0x8d: {  	s2 =	sadd.s32 s2, s17  }
0x8e: {  	[smem:$0x3FB8] =	sst s2  }
0x8f: {  	_ = 	snop  }
0x90: {  	s2 =	sld [smem:$0x3FD0];
	(tm) =	ssettm $0x1  }
0x91: {  	s18 =	sld [smem:$0x3FFB];
	_ =	sdelay $0x3  }
0x92: {  	_ =	strace s18  }
0x93: {  	s3 =	sld [smem:$0x3FFC];
	_ =	sdelay $0x3  }
0x94: {  	_ =	strace s3  }
0x95: {  	s3 =	sld [smem:$0x3FFD];
	_ =	sdelay $0x3  }
0x96: {  	_ =	strace s3  }
0x97: {  	_ =	strace $0x8FFFFFFF  }
0x98: {  	s19 =	sld [smem:$0x3FDB];
	_ =	sdelay $0x1  }
0x99: {  	s4 =	simm.s32 $_scs_section_size  }
0x9a: {  	s5 =	simm.s32 $_size__tile_overlayer_lowered;
	s6 =	simm.s32 $_tile_overlayer_lowered  }
0x9b: {  	s22 =	simm.s32 $0x1BFF;
	s21 =	sshll.u32 s6, $0x1;
	s3 =	sadd.s32 s4, s19  }
0x9c: {  	s7 =	simm.s32 $0x0;
	s20 =	sshll.u32 s5, $0x1;
	s5 =	sadd.s32 s21, s3  }
0x9d: {  	[timem:s7], [sflag:s22] =	dma.local [hbm:s5], s20  }
0x9e: {  	_ =	swait.ge [sflag:s22], s20  }
0x9f: {  	s4 =	ssub.s32 $0x0, s20;
	[sflag:s22] =	ssyncset.done $0x0  }
0xa0: {  	[sflag:s22] =	ssyncadd.s32 s4;
	_ =	sdelay $0x1  }
0xa1: {  	s23 =	simm.s32 $0x1B8B  }
0xa2: {  	_ =	swait.ge [sflag:s23], $0x1  }
0xa3: {  	[sflag:s23] =	ssyncset.done $0x0  }
0xa4: {  	s25 =	simm.s32 $0x1B8E;
	s24 =	sld [smem:$0x3FFE];
	[sflag:s23] =	ssyncadd.s32 $0xFFFFFFFF  }
0xa5: {  	s26 =	simm.s32 $execute0_lowered;
	[smem:$0x3FD2] =	sst s25  }
0xa6: {  	s5 =	sshll.u32 s26, $0x1;
	_ =	strace $0x80000046;
	[dreg:$0x1] =	wrdreg $0xFFFFFFFF  }
0xa7: {  	s28 =	simm.s32 $_size_execute0_lowered;
	s3 =	sadd.s32 s3, s5;
	[dreg:$0x0] =	wrdreg $0x0  }
0xa8: {  	s5 =	sshll.u32 s28, $0x1;
	[dreg:$0x2] =	wrdreg s3  }
0xa9: {  	[dreg:$0x3] =	wrdreg s5  }
0xaa: {  	[dreg:$0x4] =	wrdreg $0xC0  }
0xab: {  	_ =	task [dreg:s7], $0x5FFFF  }
0xac: {  	[dreg:$0x1] =	wrdreg $0xFFFFFFFF  }
0xad: {  	[dreg:$0x0] =	wrdreg $0x60  }
0xae: {  	[dreg:$0x2] =	wrdreg s24  }
0xaf: {  	[dreg:$0x3] =	wrdreg s2  }
0xb0: {  	[dreg:$0x4] =	wrdreg $0x7DF00  }
0xb1: {  	[dreg:$0x5] =	wrdreg $0x9  }
0xb2: {  	_ =	task.clear_ibuf [dreg:s7], $0x6FFFF;
	_ =	strace $0x90000046  }
0xb3: {  	s29 =	simm.s32 $0x9;
	_ =	strace $0x80000048  }
0xb4: {  	_ =	swait.ge [sflag:s29], $0x1  }
0xb5: {  	[sflag:s29] =	ssyncadd.s32 $0xFFFFFFFF  }
0xb6: {  	_ =	strace $0x90000048  }
0xb7: {  	_ =	sfence  }
0xb8: {  	s30 =	sld [smem:$0x0];
	_ =	sdelay $0x2  }
0xb9: {  	s31 =	sshll.u32 s1, $0xD;
	s1 =	sshrl.u32 s1, $0x2  }
0xba: {  	s3 =	sand.u32 $0x4000, s31;
	s1 =	sadd.s32 s1, s30  }
0xbb: {  	s0 =	sor.u32 s3, s0;
	s1 =	sshll.u32 s1, $0x11  }
0xbc: {  	s0 =	sor.u32 s1, s0  }
0xbd: {  	s0 =	sadd.s32 $0x8F2B, s0  }
0xbe: {  	[sflag:s0] =	ssyncadd.remote.s32 $0x1  }
0xbf: {  	_ =	sfence.sel $0xFFFF  }
0xc0: {  	[dreg:$0x0] =	wrdreg $0xFFFFFFFF;
	(pc) =	sbr.abs _section_cstart, $3  }
0xc1: {  	[dreg:$0x1] =	wrdreg $0xFFFFFFFF  }
0xc2: {  	_ =	task.clear_ibuf [dreg:s7], $0x2FFFF;
	_ =	strace $0x9FFFFFFF  }
0xc3: {  	(tm) =	ssettm $0x7FFFFFFF  }
tec
execute0_lowered:
.L_overlay_start_1:
0x0: {  	(tag) =	ssettag $0x1  }
0x1: {  	s0 =	rddreg [dreg:$0x0]  }
0x2: {  	s1 =	rddreg [dreg:$0x1]  }
0x3: {  	s2 =	rddreg [dreg:$0x2];
	s3 =	simm.s32 $0x0  }
0x4: {  	s12 =	stileid.u32;
	s18 =	srdreg.scid;
	s28 =	simm.s32 $0x2  }
0x5: {  	v0 =	vimm.s32 $0xBA98FEDC;
	v1 =	vimm.s32 $0x32107654;
	s29 =	simm.s32 $0x3;
	[smem:$0x7FF] =	sst s3;
	s5 =	sadd.s32 $0x15200, s0  }
0x6: {  	v2 =	vimm.s32 $0xDCFE98BA;
	v3 =	vimm.s32 $0x54761032;
	s6 =	sadd.s32 $0x1800, s0;
	s4 =	smul.u32 $0x15F90, s12;
	s3 =	sand.u32 $0x1, s18  }
0x7: {  	v4 =	vimm.s32 $0xEFCDAB89;
	v5 =	vimm.s32 $0x67452301;
	s7 =	sadd.s32 $0x32A00, s0;
	s8 =	sadd.s32 $0x28C00, s0;
	s21 =	sshll.u32 s12, $0x6  }
0x8: {  	vm0 =	vcmask $0x704;
	vm1 =	vcmask $0xF0C;
	_ =	strace $0x80000047;
	s9 =	smul.u32 $0x15F900, s3;
	s11 =	sshll.u32 s3, $0x4  }
0x9: {  	vm2 =	vcmask $0x1714;
	vm3 =	vcmask $0x1F1C;
	v8 =	vimm.s32 $0x1;
	s3 =	ssub.s32 $0x2, s3;
	s13 =	sor.u32 $0x1C04, s21;
	s10 =	sshrl.u32 s4, $0x3  }
0xa: {  	v9 =	vimm.s32 $0x2;
	v10 =	vimm.s32 $0x3;
	v11 =	vimm.s32 $0x4;
	s11 =	sor.u32 s12, s11;
	s19 =	sshrl.u32 s3, $0x1;
	[dreg:$0x5] =	wrdreg s13  }
0xb: {  	v12 =	vimm.s32 $0x5;
	v13 =	vimm.s32 $0x6;
	v0 =	vunpack.c.l.s4.s8 v0;
	s10 =	sadd.s32 s10, s0;
	s9 =	sadd.s32 s4, s9;
	s11 =	smul.u32 $0x2710, s11  }
0xc: {  	v1 =	vunpack.c.l.s4.s8 v1;
	v2 =	vunpack.c.l.s4.s8 v2;
	v3 =	vunpack.c.l.s4.s8 v3;
	s3 =	ssub.s32 s3, s19;
	s4 =	sadd.s32 s4, s2;
	s20 =	sadd.s32 $0x3C800, s10  }
0xd: {  	v4 =	vunpack.c.l.s4.s8 v4;
	v5 =	vunpack.c.l.s4.s8 v5;
	v0 =	vunpack.c.0.s8.s32 v0;
	s9 =	sshrl.u32 s9, $0x3;
	s31 =	smax.u32 s3, $0x1;
	[dreg:$0x4] =	wrdreg s20  }
0xe: {  	v1 =	vunpack.c.0.s8.s32 v1;
	v2 =	vunpack.c.0.s8.s32 v2;
	v3 =	vunpack.c.0.s8.s32 v3;
	s3 =	sshrl.u32 s4, $0x3;
	s22 =	sshrl.u32 s11, $0x3;
	[dreg:$0xb] =	wrdreg s31  }
0xf: {  	v14 =	vimm.s32 $0x7;
	v4 =	vunpack.c.0.s8.s32 v4;
	v5 =	vunpack.c.0.s8.s32 v5;
	s0 =	sadd.s32 s9, s0;
	[dreg:$0xc] =	wrdreg s3;
	s24 =	sadd.s32 s7, s22  }
0x10: {  	v0 =	vcombine.low v1, v0;
	v1 =	vcombine.low v3, v2;
	v3 =	vimm.s32 $0x0;
	s23 =	sadd.s32 $0x28, s11;
	s10 =	sadd.s32 s8, s22;
	[dreg:$0x6] =	wrdreg s24  }
0x11: {  	v2 =	vcombine.low v5, v4;
	v4 =	vsel vm0, $0x8, v3;
	vm0 =	vmmov $0x3;
	s25 =	sshrl.u32 s23, $0x3;
	s0 =	sadd.s32 $0x68800, s0;
	[dreg:$0x7] =	wrdreg s10  }
0x12: {  	s30 =	simm.s32 $0x0;
	v5 =	vsel vm1, $0x8, v3;
	vm1 =	vcmask $0x720;
	v6 =	vsel vm2, $0x8, v3;
	s26 =	sadd.s32 s7, s25;
	[dreg:$0xa] =	wrdreg s0  }
0x13: {  	s4 =	simm.s32 $0x4;
	vm2 =	vcmask $0xF20;
	v7 =	vsel vm3, $0x8, v3;
	vm3 =	vcmask $0x1720;
	s9 =	sadd.s32 s8, s25;
	[dreg:$0x8] =	wrdreg s26  }
0x14: {  	s15 =	sadd.s32 $0x50, s11;
	v0 =	vand.u32 $0xF, v0;
	v1 =	vand.u32 $0xF, v1;
	v2 =	vand.u32 $0xF, v2;
	s22 =	simm.s32 $0x28;
	[dreg:$0x9] =	wrdreg s9  }
.LBB2_1:
0x15: {  	s0 =	rddreg [dreg:$0x4]  }
0x16: {  	[spmem:s3], [sflag:s13] =	dma.local [hbm:s0], $0x2BF2  }
0x17: {  	_ =	swait.ge [sflag:s4], $0x2BF2  }
0x18: {  	[sflag:s4] =	ssyncset.done $0x0  }
0x19: {  	[sflag:s4] =	ssyncadd.s32 $0xFFFFD40E  }
0x1a: {  	[bflag:$0x0] =	sbarrier.arrive $0xFFFF  }
0x1b: {  	s14 =	simm.s32 $0x0;
	s16 =	rddreg [dreg:$0x6]  }
0x1c: {  	[tilespmem:s14], [sflag:$0x1] =	stream.linear.gather [hbm4b:s16+s14], $0x28, $0x38;
	[tilespmem:$0x1DD80] =	vst v63  }
0x1d: {  	s18 =	simm.s32 $0x50;
	s19 =	simm.s32 $0x1;
	s17 =	rddreg [dreg:$0x7]  }
0x1e: {  	[tilespmem:s18], [sflag:$0x1] =	stream.linear.gather [hbm4b:s17+s14], $0x28, $0x38;
	[tilespmem:$0x1DD80] =	vst v63  }
0x1f: {  	_ =	swait.ge [sflag:s19], $0x28  }
0x20: {  	[sflag:s19] =	ssyncset.done $0x0  }
0x21: {  	[sflag:s19] =	ssyncadd.s32 $0xFFFFFFD8  }
0x22: {  	_ =	swait.ge [sflag:s19], $0x28  }
0x23: {  	[sflag:s19] =	ssyncset.done $0x0  }
0x24: {  	s20 =	simm.s32 $0xF0;
	[sflag:s19] =	ssyncadd.s32 $0xFFFFFFD8  }
0x25: {  	[tilespmem:s20], [sflag:$0x2] =	stream.indirect.gather [hbm4b:s5+s22], $0x40, s14, s22, $0xb8;
	[tilespmem:$0x1DD80] =	vst v63  }
0x26: {  	s21 =	simm.s32 $0x14F0  }
0x27: {  	[tilespmem:s21], [sflag:$0x2] =	stream.indirect.gather [hbm4b:s6+s22], $0x40, s18, s22, $0xb8;
	[tilespmem:$0x1DD80] =	vst v63  }
0x28: {  	s23 =	simm.s32 $0x28F0  }
0x29: {  	[tilespmem:s23], [sflag:$0x2] =	stream.indirect.gather [hbm4b:s1+s22], $0x80, s14, s22, $0xb8;
	[tilespmem:$0x1DD80] =	vst v63  }
0x2a: {  	s26 =	simm.s32 $0x78;
	s24 =	rddreg [dreg:$0x8]  }
0x2b: {  	[tilespmem:s22], [sflag:$0x1] =	stream.linear.gather [hbm4b:s24+s14], $0x28, $0x38;
	[tilespmem:$0x1DD80] =	vst v63  }
0x2c: {  	p0 =	por $0x0, $0x0;
	s31 =	simm.s32 $0x0;
	s25 =	rddreg [dreg:$0x9]  }
0x2d: {  	[tilespmem:s26], [sflag:$0x1] =	stream.linear.gather [hbm4b:s25+s14], $0x28, $0x38;
	[tilespmem:$0x1DD80] =	vst v63  }
.LBB2_2:
0x2e: {  	_ =	swait.ge [sflag:s28], $0xA00  }
0x2f: {  	[sflag:s28] =	ssyncset.done $0x0  }
0x30: {  	[sflag:s28] =	ssyncadd.s32 $0xFFFFF600  }
0x31: {  	_ =	swait.ge [sflag:s28], $0xA00  }
0x32: {  	[sflag:s28] =	ssyncset.done $0x0  }
0x33: {  	[sflag:s28] =	ssyncadd.s32 $0xFFFFF600  }
0x34: {  	_ =	swait.ge [sflag:s28], $0x1400  }
0x35: {  	p1 =	seq.s32 s31, $0xF9;
	[sflag:s28] =	ssyncset.done $0x0  }
0x36: {  	s0 =	sadd.s32 $0x1, s31;
	s3 =	simm.s32 @!p1 $0x1;
	[sflag:s28] =	ssyncadd.s32 $0xFFFFEC00  }
0x37: {  	s25 =	sand.u32 $0x1, s31;
	s4 =	sand.u32 @!p1 $0x3, s0;
	_ =	swait.ge @!p1 [sflag:s3], $0x28  }
0x38: {  	s9 =	sxor.u32 @!p1 $0x1, s25;
	s4 =	smul.u32 @!p1 $0xA0, s4;
	[sflag:s3] =	ssyncset.done @!p1 $0x0  }
0x39: {  	s10 =	smul.u32 @!p1 $0xA00, s9;
	[sflag:s3] =	ssyncadd.s32 @!p1 $0xFFFFFFD8  }
0x3a: {  	s11 =	smul.u32 @!p1 $0xA0, s9;
	_ =	swait.ge @!p1 [sflag:s3], $0x28  }
0x3b: {  	s12 =	simm.s32 @!p1 $0x28;
	s4 =	sshrl.u32 @!p1 s4, $0x2;
	[sflag:s3] =	ssyncset.done @!p1 $0x0  }
0x3c: {  	s11 =	sshrl.u32 @!p1 s11, $0x2;
	[sflag:s3] =	ssyncadd.s32 @!p1 $0xFFFFFFD8;
	s3 =	sor.u32 @!p1 $0xF0, s10  }
0x3d: {  	[tilespmem:s3], [sflag:$0x2] =	stream.indirect.gather @!p1 [hbm4b:s5+s12], $0x40, s11, s12, $0xb8;
	[tilespmem:$0x1DD80] =	vst v63  }
0x3e: {  	s9 =	smul.u32 @!p1 $0x5000, s9;
	s3 =	sadd.s32 @!p1 $0x50, s4;
	s4 =	sadd.s32 @!p1 $0x14F0, s10  }
0x3f: {  	[tilespmem:s4], [sflag:$0x2] =	stream.indirect.gather @!p1 [hbm4b:s6+s12], $0x40, s3, s12, $0xb8;
	[tilespmem:$0x1DD80] =	vst v63  }
0x40: {  	s3 =	sshrl.u32 @!p1 s9, $0x2;
	s4 =	simm.s32 $0x1  }
0x41: {  	p2 =	slt.u32 @!p1 s31, $0x2;
	s3 =	sadd.s32 @!p1 $0x28F0, s3;
	s4 =	simm.s32 @!p0 $0x0  }
0x42: {  	[tilespmem:s3], [sflag:$0x2] =	stream.indirect.gather @!p1 [hbm4b:s1+s12], $0x80, s11, s12, $0xb8;
	[tilespmem:$0x1DD80] =	vst v63  }
0x43: {  	p1 =	por p1, !p2;
	s10 =	smul.u32 $0x2800, s4  }
0x44: {  	_ =	swait.ge @p1 [sflag:s29], $0x1680  }
0x45: {  	[sflag:s29] =	ssyncset.done @p1 $0x0;
	s11 =	sshrl.u32 s10, $0x2  }
0x46: {  	[sflag:s29] =	ssyncadd.s32 @p1 $0xFFFFE980;
	s3 =	sor.u32 $0x130, s11  }
0x47: {  	s12 =	sadd.s32 $0x1530, s11;
	v15 =	vld [tilespmem:s3+$0x30]  }
0x48: {  	v16 =	vld [tilespmem:s12+$0x30]  }
0x49: {  	v17 =	vld [tilespmem:s3+$0x20]  }
0x4a: {  	v18 =	vld [tilespmem:s12+$0x20]  }
0x4b: {  	v19 =	vld [tilespmem:s3+$0x10]  }
0x4c: {  	v20 =	vld [tilespmem:s12+$0x10]  }
0x4d: {  	v21 =	vld [tilespmem:s3+$0x0]  }
0x4e: {  	v22 =	vld [tilespmem:s12+$0x0]  }
0x4f: {  	v23 =	vshll.u32 v15, $0x10;
	v15 =	vand.u32 $0xFFFF0000, v15  }
0x50: {  	v24 =	vshll.u32 v16, $0x10;
	v16 =	vand.u32 $0xFFFF0000, v16;
	v25 =	vshll.u32 v17, $0x10  }
0x51: {  	v17 =	vand.u32 $0xFFFF0000, v17;
	v26 =	vshll.u32 v18, $0x10;
	v27 =	vshll.u32 v19, $0x10  }
0x52: {  	v19 =	vand.u32 $0xFFFF0000, v19;
	v28 =	vshll.u32 v20, $0x10;
	v29 =	vshll.u32 v21, $0x10  }
0x53: {  	v21 =	vand.u32 $0xFFFF0000, v21;
	v30 =	vshll.u32 v22, $0x10;
	v22 =	vand.u32 $0xFFFF0000, v22  }
0x54: {  	v20 =	vand.u32 $0xFFFF0000, v20;
	v29 =	vmul.f32 v30, v29;
	v21 =	vmul.f32 v22, v21  }
0x55: {  	v18 =	vand.u32 $0xFFFF0000, v18;
	v22 =	vmul.f32 v28, v27;
	v19 =	vmul.f32 v20, v19  }
0x56: {  	v17 =	vmul.f32 v18, v17;
	v20 =	vadd.f32 v21, v29;
	v21 =	vmul.f32 v26, v25  }
0x57: {  	v15 =	vmul.f32 v16, v15;
	v18 =	vadd.f32 v19, v22;
	v19 =	vmul.f32 v24, v23  }
0x58: {  	v16 =	vperm.xlane v20, v0;
	v17 =	vadd.f32 v17, v21  }
0x59: {  	v21 =	vperm.xlane v18, v0;
	v15 =	vadd.f32 v15, v19  }
0x5a: {  	v16 =	vadd.f32 v20, v16;
	v19 =	vperm.xlane v17, v0  }
0x5b: {  	v18 =	vadd.f32 v18, v21;
	v20 =	vperm.xlane v15, v0  }
0x5c: {  	v21 =	vperm.xlane v16, v1;
	v17 =	vadd.f32 v17, v19  }
0x5d: {  	v19 =	vperm.xlane v18, v1;
	v15 =	vadd.f32 v15, v20  }
0x5e: {  	v16 =	vadd.f32 v16, v21;
	v20 =	vperm.xlane v17, v1  }
0x5f: {  	v18 =	vadd.f32 v18, v19;
	v19 =	vperm.xlane v15, v1  }
0x60: {  	v21 =	vperm.xlane v16, v2;
	v17 =	vadd.f32 v17, v20  }
0x61: {  	v20 =	vperm.xlane v18, v2;
	v15 =	vadd.f32 v15, v19  }
0x62: {  	v16 =	vadd.f32 v16, v21;
	v19 =	vperm.xlane v17, v2  }
0x63: {  	v18 =	vadd.f32 v18, v20;
	v20 =	vperm.xlane v15, v2  }
0x64: {  	v16 =	vperm.xlane v16, v4;
	v17 =	vadd.f32 v17, v19  }
0x65: {  	v18 =	vperm.xlane v18, v5;
	v15 =	vadd.f32 v15, v20  }
0x66: {  	v16 =	vnsel vm0, $0x0, v16;
	v17 =	vperm.xlane v17, v6  }
0x67: {  	v19 =	vld [tilespmem:s3+$0xFFFFFFC0];
	v15 =	vperm.xlane v15, v7;
	v16 =	vsel vm1, v16, v18  }
0x68: {  	v18 =	vld [tilespmem:s12+$0xFFFFFFC0];
	v16 =	vsel vm2, v16, v17  }
0x69: {  	v17 =	vld [tilespmem:s3+$0xFFFFFFD0];
	v15 =	vsel vm3, v16, v15  }
0x6a: {  	v16 =	vld [tilespmem:s12+$0xFFFFFFD0];
	v15 =	vmul.f32 $1.442695020e+00, v15  }
0x6b: {  	v21 =	vld [tilespmem:s12+$0xFFFFFFE0]  }
0x6c: {  	v20 =	vld [tilespmem:s3+$0xFFFFFFE0];
	v22 =	vshll.u32 v19, $0x10;
	(erf) = vpow2.f32 v15  }
0x6d: {  	v15 =	vand.u32 $0xFFFF0000, v19;
	v19 =	vshll.u32 v18, $0x10;
	v18 =	vand.u32 $0xFFFF0000, v18  }
0x6e: {  	v23 =	vld [tilespmem:s3+$0xFFFFFFF0];
	v19 =	vmul.f32 v19, v22;
	v15 =	vmul.f32 v18, v15;
	v18 =	vshll.u32 v17, $0x10  }
0x6f: {  	v22 =	vld [tilespmem:s12+$0xFFFFFFF0];
	v17 =	vand.u32 $0xFFFF0000, v17;
	v24 =	vshll.u32 v16, $0x10;
	v16 =	vand.u32 $0xFFFF0000, v16  }
0x70: {  	v18 =	vmul.f32 v24, v18;
	v16 =	vmul.f32 v16, v17  }
0x71: {  	v17 =	vshll.u32 v20, $0x10;
	v20 =	vand.u32 $0xFFFF0000, v20;
	v24 =	vshll.u32 v21, $0x10  }
0x72: {  	v21 =	vand.u32 $0xFFFF0000, v21;
	v19 =	vadd.f32 v15, v19;
	v15 =	vmul.f32 v24, v17  }
0x73: {  	v17 =	vmul.f32 v21, v20;
	v20 =	vshll.u32 v23, $0x10;
	v21 =	vand.u32 $0xFFFF0000, v23  }
0x74: {  	v16 =	vadd.f32 v16, v18;
	v23 =	vshll.u32 v22, $0x10;
	v18 =	vand.u32 $0xFFFF0000, v22  }
0x75: {  	v20 =	vmul.f32 v23, v20;
	v18 =	vmul.f32 v18, v21  }
0x76: {  	s3 =	sadd.s32 $0x80, s3  }
0x77: {  	s13 =	smul.u32 $0x5A00, s4;
	s10 =	sadd.s32 $0x80, s12;
	v26 =	vld [tilespmem:s3+$0x20];
	v17 =	vadd.f32 v17, v15;
	v22 =	vperm.xlane v16, v0;
	v18 =	vadd.f32 v18, v20  }
0x78: {  	s14 =	smul.u32 $0x5000, s4;
	v28 =	vld [tilespmem:s10+$0x10];
	v21 =	vperm.xlane v19, v0  }
0x79: {  	s16 =	sshrl.u32 s13, $0x2;
	v31 =	vld [tilespmem:s3+$0x0];
	v23 =	vperm.xlane v17, v0;
	v16 =	vadd.f32 v16, v22;
	v22 =	vperm.xlane v18, v0  }
0x7a: {  	s17 =	sshrl.u32 s14, $0x2;
	s4 =	sadd.s32 $0x5180, s16;
	v15 =	vpop (erf);
	v19 =	vadd.f32 v19, v21;
	v21 =	vld [tilespmem:s3+$0x30]  }
0x7b: {  	s9 =	sadd.s32 $0x2970, s17;
	[tilespmem:s4+$0x80] =	vst v15;
	v17 =	vadd.f32 v17, v23;
	v23 =	vld [tilespmem:s10+$0x30];
	v25 =	vperm.xlane v16, v1;
	v18 =	vadd.f32 v18, v22  }
0x7c: {  	v35 =	vshll.u32 v26, $0x10;
	v26 =	vand.u32 $0xFFFF0000, v26;
	v20 =	vld [tilespmem:s9+$0x0];
	v24 =	vperm.xlane v19, v1  }
0x7d: {  	v27 =	vperm.xlane v17, v1;
	v22 =	vld [tilespmem:s10+$0x20];
	v16 =	vadd.f32 v16, v25;
	v25 =	vperm.xlane v18, v1  }
0x7e: {  	v38 =	vshll.u32 v31, $0x10;
	v31 =	vand.u32 $0xFFFF0000, v31;
	v19 =	vadd.f32 v19, v24;
	v24 =	vld [tilespmem:s3+$0x10]  }
0x7f: {  	v17 =	vadd.f32 v17, v27;
	v27 =	vperm.xlane v15, v3;
	v18 =	vadd.f32 v18, v25;
	v25 =	vld [tilespmem:s10+$0x0]  }
0x80: {  	v33 =	vshll.u32 v21, $0x10;
	v21 =	vand.u32 $0xFFFF0000, v21;
	v29 =	vperm.xlane v19, v2  }
0x81: {  	v30 =	vperm.xlane v16, v2;
	v34 =	vshll.u32 v23, $0x10;
	v20 =	vmul.f32 v20, v27  }
0x82: {  	v23 =	vand.u32 $0xFFFF0000, v23;
	v32 =	vperm.xlane v17, v2;
	v27 =	vperm.xlane v15, v8  }
0x83: {  	v36 =	vshll.u32 v22, $0x10;
	v37 =	vshll.u32 v24, $0x10;
	[tilespmem:s4+$0x0] =	vst v20;
	v20 =	vand.u32 $0xFFFF0000, v24  }
0x84: {  	v24 =	vshll.u32 v28, $0x10;
	v39 =	vld [tilespmem:s9+$0x10];
	v40 =	vshll.u32 v25, $0x10;
	v25 =	vand.u32 $0xFFFF0000, v25  }
0x85: {  	v28 =	vand.u32 $0xFFFF0000, v28;
	v38 =	vmul.f32 v40, v38;
	v25 =	vmul.f32 v25, v31  }
0x86: {  	v22 =	vand.u32 $0xFFFF0000, v22;
	v24 =	vmul.f32 v24, v37;
	v20 =	vmul.f32 v28, v20  }
0x87: {  	v28 =	vmul.f32 v36, v35;
	v22 =	vmul.f32 v22, v26;
	v25 =	vadd.f32 v25, v38  }
0x88: {  	v21 =	vmul.f32 v23, v21;
	v20 =	vadd.f32 v20, v24;
	v24 =	vmul.f32 v34, v33  }
0x89: {  	v22 =	vadd.f32 v22, v28;
	v23 =	vmul.f32 v39, v27;
	v26 =	vperm.xlane v25, v0  }
0x8a: {  	v19 =	vadd.f32 v19, v29;
	v21 =	vadd.f32 v21, v24;
	v27 =	vperm.xlane v20, v0  }
0x8b: {  	v16 =	vadd.f32 v16, v30;
	v24 =	vperm.xlane v22, v0;
	[tilespmem:s4+$0x10] =	vst v23;
	v23 =	vadd.f32 v25, v26  }
0x8c: {  	v17 =	vadd.f32 v17, v32;
	v20 =	vadd.f32 v20, v27;
	v27 =	vperm.xlane v21, v0;
	v26 =	vld [tilespmem:s9+$0x20]  }
0x8d: {  	v19 =	vperm.xlane v19, v4;
	v22 =	vadd.f32 v22, v24;
	v28 =	vperm.xlane v23, v1  }
0x8e: {  	v16 =	vperm.xlane v16, v5;
	v24 =	vperm.xlane v20, v1;
	v21 =	vadd.f32 v21, v27  }
0x8f: {  	v27 =	vperm.xlane v15, v9;
	v23 =	vadd.f32 v23, v28;
	v28 =	vperm.xlane v22, v1  }
0x90: {  	v25 =	vperm.xlane v18, v2;
	v20 =	vadd.f32 v20, v24;
	v24 =	vperm.xlane v21, v1  }
0x91: {  	v26 =	vmul.f32 v26, v27;
	v27 =	vperm.xlane v23, v2;
	v22 =	vadd.f32 v22, v28  }
0x92: {  	v18 =	vadd.f32 v18, v25;
	v25 =	vperm.xlane v20, v2;
	v21 =	vadd.f32 v21, v24  }
0x93: {  	v17 =	vperm.xlane v17, v6;
	[tilespmem:s4+$0x20] =	vst v26;
	v23 =	vadd.f32 v23, v27;
	v24 =	vperm.xlane v22, v2  }
0x94: {  	v19 =	vnsel vm0, $0x0, v19;
	v20 =	vadd.f32 v20, v25;
	v25 =	vperm.xlane v21, v2;
	v26 =	vld [tilespmem:s9+$0x30]  }
0x95: {  	v16 =	vsel vm1, v19, v16;
	v19 =	vperm.xlane v23, v4;
	v22 =	vadd.f32 v22, v24  }
0x96: {  	v18 =	vperm.xlane v18, v7;
	v20 =	vperm.xlane v20, v5;
	v21 =	vadd.f32 v21, v25  }
0x97: {  	v23 =	vperm.xlane v15, v10;
	v19 =	vnsel vm0, $0x0, v19;
	v22 =	vperm.xlane v22, v6  }
0x98: {  	v16 =	vsel vm2, v16, v17;
	v17 =	vsel vm1, v19, v20;
	v19 =	vperm.xlane v21, v7;
	v20 =	vld [tilespmem:s10+$0xFFFFFFC0]  }
0x99: {  	v16 =	vsel vm3, v16, v18;
	v18 =	vmul.f32 v26, v23;
	v23 =	vld [tilespmem:s10+$0xFFFFFFE0];
	v17 =	vsel vm2, v17, v22  }
0x9a: {  	v16 =	vmul.f32 $1.442695020e+00, v16;
	v17 =	vsel vm3, v17, v19;
	v19 =	vld [tilespmem:s3+$0xFFFFFFC0]  }
0x9b: {  	[tilespmem:s4+$0x30] =	vst v18;
	v18 =	vld [tilespmem:s3+$0xFFFFFFD0];
	v17 =	vmul.f32 $1.442695020e+00, v17  }
0x9c: {  	(erf) = vpow2.f32 v16;
	v16 =	vld [tilespmem:s9+$0x40]  }
0x9d: {  	(erf) = vpow2.f32 v17;
	v17 =	vld [tilespmem:s10+$0xFFFFFFD0]  }
0x9e: {  	v31 =	vperm.xlane v15, v13  }
0x9f: {  	v21 =	vld [tilespmem:s3+$0xFFFFFFE0];
	v22 =	vperm.xlane v15, v11;
	v25 =	vshll.u32 v20, $0x10;
	v20 =	vand.u32 $0xFFFF0000, v20  }
0xa0: {  	v27 =	vshll.u32 v23, $0x10;
	v23 =	vand.u32 $0xFFFF0000, v23;
	v24 =	vshll.u32 v19, $0x10  }
0xa1: {  	v19 =	vand.u32 $0xFFFF0000, v19;
	v16 =	vmul.f32 v16, v22;
	v22 =	vld [tilespmem:s3+$0xFFFFFFF0];
	v24 =	vmul.f32 v25, v24  }
0xa2: {  	v25 =	vld [tilespmem:s10+$0xFFFFFFF0];
	v20 =	vmul.f32 v20, v19;
	v19 =	vshll.u32 v18, $0x10;
	v26 =	vshll.u32 v17, $0x10  }
0xa3: {  	s3 =	sadd.s32 $0x80, s3;
	[tilespmem:s4+$0x40] =	vst v16;
	v16 =	vand.u32 $0xFFFF0000, v18;
	v17 =	vand.u32 $0xFFFF0000, v17;
	v18 =	vmul.f32 v26, v19  }
0xa4: {  	v30 =	vld [tilespmem:s3+$0x30];
	v17 =	vmul.f32 v17, v16;
	v16 =	vshll.u32 v21, $0x10;
	v21 =	vand.u32 $0xFFFF0000, v21  }
0xa5: {  	s10 =	sadd.s32 $0x80, s10;
	v26 =	vld [tilespmem:s9+$0x50];
	v27 =	vmul.f32 v27, v16;
	v21 =	vmul.f32 v23, v21  }
0xa6: {  	v54 =	vld [tilespmem:s10+$0x10];
	v20 =	vadd.f32 v20, v24;
	v23 =	vperm.xlane v15, v12;
	v15 =	vperm.xlane v15, v14  }
0xa7: {  	v57 =	vld [tilespmem:s3+$0x0];
	v24 =	vshll.u32 v22, $0x10;
	v22 =	vand.u32 $0xFFFF0000, v22;
	v28 =	vshll.u32 v25, $0x10  }
0xa8: {  	v19 =	vpop (erf);
	v17 =	vadd.f32 v17, v18;
	v18 =	vand.u32 $0xFFFF0000, v25;
	v24 =	vmul.f32 v28, v24  }
0xa9: {  	[tilespmem:s4+$0xFFFFFFF0] =	vst v19;
	v18 =	vmul.f32 v18, v22;
	v22 =	vperm.xlane v20, v0  }
0xaa: {  	s23 =	sadd.s32 $0x120, s4;
	v25 =	vld [tilespmem:s9+$0xFFFFFF80];
	v16 =	vpop (erf);
	v21 =	vadd.f32 v21, v27;
	v28 =	vperm.xlane v19, v3;
	v23 =	vmul.f32 v26, v23  }
0xab: {  	s24 =	sadd.s32 $0x100, s9;
	v60 =	vshll.u32 v30, $0x10;
	v30 =	vand.u32 $0xFFFF0000, v30;
	v42 =	vshll.u32 v54, $0x10;
	[tilespmem:s23+$0x80] =	vst v16  }
0xac: {  	v43 =	vshll.u32 v57, $0x10;
	v29 =	vld [tilespmem:s24+$0x0];
	v26 =	vperm.xlane v17, v0;
	v18 =	vadd.f32 v18, v24;
	[tilespmem:s4+$0x50] =	vst v23  }
0xad: {  	v37 =	vand.u32 $0xFFFF0000, v57;
	v27 =	vperm.xlane v21, v0;
	v20 =	vadd.f32 v20, v22;
	v24 =	vld [tilespmem:s9+$0x60]  }
0xae: {  	v23 =	vperm.xlane v16, v3;
	v17 =	vadd.f32 v17, v26;
	v26 =	vperm.xlane v18, v0  }
0xaf: {  	v21 =	vadd.f32 v21, v27;
	v25 =	vmul.f32 v25, v28;
	v27 =	vperm.xlane v20, v1;
	v28 =	vld [tilespmem:s3+$0x20]  }
0xb0: {  	v56 =	vperm.xlane v16, v8;
	v50 =	vperm.xlane v17, v1;
	v18 =	vadd.f32 v18, v26  }
0xb1: {  	v52 =	vperm.xlane v21, v1;
	v20 =	vadd.f32 v20, v27;
	v26 =	vld [tilespmem:s10+$0x20];
	v22 =	vmul.f32 v29, v23  }
0xb2: {  	v34 =	vand.u32 $0xFFFF0000, v54;
	v29 =	vld [tilespmem:s10+$0x30];
	v24 =	vmul.f32 v24, v31;
	v31 =	vperm.xlane v18, v1  }
0xb3: {  	v27 =	vadd.f32 v17, v50;
	v17 =	vld [tilespmem:s3+$0x10];
	v21 =	vadd.f32 v21, v52;
	v53 =	vperm.xlane v20, v2  }
0xb4: {  	v52 =	vperm.xlane v16, v9;
	v62 =	vshll.u32 v28, $0x10;
	v18 =	vadd.f32 v18, v31;
	v31 =	vld [tilespmem:s10+$0x0]  }
0xb5: {  	v28 =	vand.u32 $0xFFFF0000, v28;
	v55 =	vperm.xlane v27, v2;
	v58 =	vperm.xlane v21, v2  }
0xb6: {  	[tilespmem:s23+$0x0] =	vst v22;
	v20 =	vadd.f32 v20, v53;
	v63 =	vshll.u32 v26, $0x10;
	v26 =	vand.u32 $0xFFFF0000, v26  }
0xb7: {  	v51 =	vld [tilespmem:s24+$0x10];
	v61 =	vshll.u32 v29, $0x10;
	v29 =	vand.u32 $0xFFFF0000, v29;
	v48 =	vmul.f32 v63, v62  }
0xb8: {  	v26 =	vmul.f32 v26, v28;
	v27 =	vadd.f32 v27, v55;
	v20 =	vperm.xlane v20, v4  }
0xb9: {  	v41 =	vshll.u32 v17, $0x10;
	v44 =	vshll.u32 v31, $0x10;
	v31 =	vand.u32 $0xFFFF0000, v31  }
0xba: {  	v17 =	vand.u32 $0xFFFF0000, v17;
	v43 =	vmul.f32 v44, v43;
	v31 =	vmul.f32 v31, v37  }
0xbb: {  	v21 =	vadd.f32 v21, v58;
	v47 =	vmul.f32 v42, v41;
	v17 =	vmul.f32 v34, v17  }
0xbc: {  	v33 =	vmul.f32 v61, v60;
	v59 =	vmul.f32 v51, v56;
	v31 =	vadd.f32 v31, v43  }
0xbd: {  	v29 =	vmul.f32 v29, v30;
	v50 =	vperm.xlane v18, v2;
	v28 =	vadd.f32 v17, v47  }
0xbe: {  	v26 =	vadd.f32 v26, v48;
	v27 =	vperm.xlane v27, v5;
	[tilespmem:s23+$0x10] =	vst v59;
	v30 =	vperm.xlane v31, v0  }
0xbf: {  	v20 =	vnsel vm0, $0x0, v20;
	v29 =	vadd.f32 v29, v33;
	v32 =	vld [tilespmem:s24+$0x20];
	v49 =	vperm.xlane v28, v0  }
0xc0: {  	v21 =	vperm.xlane v21, v6;
	v20 =	vsel vm1, v20, v27;
	v30 =	vadd.f32 v31, v30  }
0xc1: {  	v51 =	vperm.xlane v29, v0;
	v28 =	vadd.f32 v28, v49;
	v31 =	vperm.xlane v26, v0  }
0xc2: {  	v18 =	vadd.f32 v18, v50;
	v20 =	vsel vm2, v20, v21;
	v53 =	vperm.xlane v30, v1  }
0xc3: {  	v29 =	vadd.f32 v29, v51;
	v26 =	vadd.f32 v26, v31;
	v31 =	vperm.xlane v28, v1  }
0xc4: {  	v18 =	vperm.xlane v18, v7;
	v32 =	vmul.f32 v32, v52;
	v30 =	vadd.f32 v30, v53  }
0xc5: {  	v54 =	vperm.xlane v26, v1;
	v28 =	vadd.f32 v28, v31;
	v31 =	vperm.xlane v29, v1  }
0xc6: {  	v23 =	vperm.xlane v19, v8;
	v20 =	vsel vm3, v20, v18;
	[tilespmem:s23+$0x20] =	vst v32;
	v55 =	vperm.xlane v30, v2  }
0xc7: {  	v56 =	vld [tilespmem:s24+$0x30];
	v26 =	vadd.f32 v26, v54;
	v57 =	vperm.xlane v28, v2;
	v29 =	vadd.f32 v29, v31  }
0xc8: {  	v22 =	vperm.xlane v19, v9;
	[tilespmem:s4+$0x60] =	vst v24;
	v20 =	vmul.f32 $1.442695020e+00, v20;
	v30 =	vadd.f32 v30, v55  }
0xc9: {  	[tilespmem:s4+$0xFFFFFF70] =	vst v25;
	v25 =	vld [tilespmem:s9+$0x70];
	v31 =	vperm.xlane v26, v2;
	v27 =	vadd.f32 v28, v57;
	v28 =	vperm.xlane v29, v2  }
0xca: {  	v24 =	vperm.xlane v16, v10;
	(erf) = vpow2.f32 v20;
	v20 =	vld [tilespmem:s10+$0xFFFFFFD0]  }
0xcb: {  	v30 =	vperm.xlane v30, v4;
	v26 =	vadd.f32 v26, v31;
	v28 =	vadd.f32 v29, v28;
	v29 =	vld [tilespmem:s9+$0xFFFFFF90]  }
0xcc: {  	v24 =	vmul.f32 v56, v24;
	v27 =	vperm.xlane v27, v5  }
0xcd: {  	v17 =	vperm.xlane v19, v10;
	v31 =	vld [tilespmem:s10+$0xFFFFFFC0];
	v30 =	vnsel vm0, $0x0, v30;
	v26 =	vperm.xlane v26, v6  }
0xce: {  	v18 =	vperm.xlane v19, v11;
	[tilespmem:s23+$0x30] =	vst v24;
	v21 =	vsel vm1, v30, v27;
	v27 =	vperm.xlane v28, v7;
	v28 =	vld [tilespmem:s3+$0xFFFFFFC0]  }
0xcf: {  	v49 =	vperm.xlane v16, v13;
	v61 =	vshll.u32 v20, $0x10;
	v21 =	vsel vm2, v21, v26;
	v26 =	vld [tilespmem:s24+$0x40]  }
0xd0: {  	v24 =	vsel vm3, v21, v27;
	v21 =	vmul.f32 v25, v15;
	v15 =	vld [tilespmem:s3+$0xFFFFFFD0];
	v23 =	vmul.f32 v29, v23  }
0xd1: {  	v20 =	vand.u32 $0xFFFF0000, v20;
	v27 =	vld [tilespmem:s3+$0xFFFFFFE0];
	v29 =	vperm.xlane v16, v11;
	v24 =	vmul.f32 $1.442695020e+00, v24  }
0xd2: {  	v30 =	vld [tilespmem:s10+$0xFFFFFFE0];
	v25 =	vperm.xlane v19, v12;
	v59 =	vshll.u32 v31, $0x10;
	v31 =	vand.u32 $0xFFFF0000, v31  }
0xd3: {  	v60 =	vld [tilespmem:s10+$0xFFFFFFF0];
	(erf) = vpow2.f32 v24;
	v24 =	vperm.xlane v19, v13;
	v58 =	vshll.u32 v28, $0x10  }
0xd4: {  	v28 =	vand.u32 $0xFFFF0000, v28;
	v26 =	vmul.f32 v26, v29;
	v32 =	vmul.f32 v59, v58  }
0xd5: {  	[tilespmem:s4+$0xFFFFFF80] =	vst v23;
	v29 =	vld [tilespmem:s3+$0xFFFFFFF0];
	v28 =	vmul.f32 v31, v28;
	v31 =	vshll.u32 v15, $0x10;
	v15 =	vand.u32 $0xFFFF0000, v15  }
0xd6: {  	s10 =	sadd.s32 $0x80, s10;
	v46 =	vld [tilespmem:s9+$0xFFFFFFA0];
	v31 =	vmul.f32 v61, v31;
	v15 =	vmul.f32 v20, v15;
	v20 =	vshll.u32 v27, $0x10  }
0xd7: {  	v50 =	vld [tilespmem:s10+$0x30];
	[tilespmem:s23+$0x40] =	vst v26;
	v26 =	vshll.u32 v30, $0x10;
	v27 =	vand.u32 $0xFFFF0000, v27;
	v30 =	vand.u32 $0xFFFF0000, v30  }
0xd8: {  	v41 =	vshll.u32 v60, $0x10;
	s3 =	sadd.s32 $0x80, s3;
	v63 =	vmul.f32 v26, v20;
	v27 =	vmul.f32 v30, v27  }
0xd9: {  	v48 =	vld [tilespmem:s3+$0x30];
	v28 =	vadd.f32 v28, v32;
	v30 =	vperm.xlane v16, v12;
	v16 =	vperm.xlane v16, v14  }
0xda: {  	v53 =	vld [tilespmem:s3+$0x20];
	v31 =	vadd.f32 v15, v31;
	v15 =	vand.u32 $0xFFFF0000, v60;
	v40 =	vshll.u32 v29, $0x10  }
0xdb: {  	v62 =	vld [tilespmem:s24+$0x50];
	v22 =	vmul.f32 v46, v22;
	v29 =	vand.u32 $0xFFFF0000, v29;
	v32 =	vmul.f32 v41, v40  }
0xdc: {  	v38 =	vand.u32 $0xFFFF0000, v50;
	v29 =	vmul.f32 v15, v29;
	v15 =	vperm.xlane v19, v14  }
0xdd: {  	v55 =	vld [tilespmem:s3+$0x10];
	v26 =	vpop (erf);
	v27 =	vadd.f32 v27, v63;
	v19 =	vperm.xlane v28, v0;
	v44 =	vperm.xlane v31, v0  }
0xde: {  	v63 =	vld [tilespmem:s10+$0x20];
	[tilespmem:s23+$0xFFFFFFF0] =	vst v26;
	v23 =	vperm.xlane v26, v3;
	v34 =	vperm.xlane v26, v8;
	v61 =	vshll.u32 v48, $0x10  }
0xdf: {  	v37 =	vand.u32 $0xFFFF0000, v48;
	v48 =	vshll.u32 v53, $0x10;
	v41 =	vand.u32 $0xFFFF0000, v53;
	v42 =	vld [tilespmem:s24+$0xFFFFFF80]  }
0xe0: {  	s26 =	sadd.s32 $0x120, s23;
	v37 =	vmul.f32 v38, v37;
	v20 =	vpop (erf);
	v30 =	vmul.f32 v62, v30;
	v29 =	vadd.f32 v29, v32  }
0xe1: {  	v46 =	vld [tilespmem:s10+$0x0];
	v19 =	vadd.f32 v28, v19;
	v31 =	vadd.f32 v31, v44;
	[tilespmem:s26+$0x80] =	vst v20;
	v28 =	vperm.xlane v20, v3  }
0xe2: {  	s20 =	sadd.s32 $0x100, s24;
	v35 =	vand.u32 $0xFFFF0000, v55;
	v59 =	vperm.xlane v20, v8;
	[tilespmem:s23+$0x50] =	vst v30;
	v30 =	vperm.xlane v27, v0  }
0xe3: {  	v43 =	vld [tilespmem:s20+$0x0];
	v47 =	vperm.xlane v29, v0;
	v51 =	vperm.xlane v31, v1;
	v33 =	vand.u32 $0xFFFF0000, v63  }
0xe4: {  	v58 =	vld [tilespmem:s10+$0x10];
	v33 =	vmul.f32 v33, v41;
	v27 =	vadd.f32 v27, v30;
	v30 =	vmul.f32 v42, v23  }
0xe5: {  	v45 =	vld [tilespmem:s24+$0x60];
	v36 =	vadd.f32 v29, v47;
	v31 =	vadd.f32 v31, v51;
	v47 =	vshll.u32 v50, $0x10  }
0xe6: {  	v53 =	vshll.u32 v46, $0x10;
	v29 =	vperm.xlane v26, v9;
	v44 =	vmul.f32 v47, v61  }
0xe7: {  	v50 =	vshll.u32 v55, $0x10;
	v52 =	vperm.xlane v27, v1;
	v56 =	vperm.xlane v31, v2  }
0xe8: {  	[tilespmem:s23+$0xFFFFFF70] =	vst v30;
	v23 =	vmul.f32 v43, v28;
	v28 =	vperm.xlane v19, v1;
	v37 =	vadd.f32 v37, v44  }
0xe9: {  	v43 =	vand.u32 $0xFFFF0000, v58;
	v61 =	vld [tilespmem:s24+$0xFFFFFF90];
	v27 =	vadd.f32 v27, v52;
	v31 =	vadd.f32 v31, v56  }
0xea: {  	v35 =	vmul.f32 v43, v35;
	[tilespmem:s26+$0x0] =	vst v23;
	v19 =	vadd.f32 v19, v28;
	v28 =	vmul.f32 v45, v49;
	v45 =	vld [tilespmem:s3+$0x0]  }
0xeb: {  	v23 =	vperm.xlane v36, v1;
	v49 =	vshll.u32 v63, $0x10;
	v55 =	vperm.xlane v37, v0;
	v62 =	vld [tilespmem:s20+$0x10]  }
0xec: {  	v46 =	vand.u32 $0xFFFF0000, v46;
	v57 =	vperm.xlane v27, v2;
	v48 =	vmul.f32 v49, v48  }
0xed: {  	v51 =	vshll.u32 v58, $0x10;
	v31 =	vperm.xlane v31, v5;
	v54 =	vperm.xlane v19, v2  }
0xee: {  	v36 =	vadd.f32 v36, v23;
	v23 =	vperm.xlane v26, v11;
	v37 =	vadd.f32 v37, v55  }
0xef: {  	[tilespmem:s23+$0x60] =	vst v28;
	v28 =	vperm.xlane v20, v10;
	v33 =	vadd.f32 v33, v48;
	v34 =	vmul.f32 v61, v34  }
0xf0: {  	v52 =	vshll.u32 v45, $0x10;
	v45 =	vand.u32 $0xFFFF0000, v45;
	v32 =	vmul.f32 v62, v59  }
0xf1: {  	v27 =	vadd.f32 v27, v57;
	v52 =	vmul.f32 v53, v52;
	v45 =	vmul.f32 v46, v45  }
0xf2: {  	v39 =	vadd.f32 v19, v54;
	v19 =	vperm.xlane v26, v10;
	v62 =	vmul.f32 v51, v50  }
0xf3: {  	v44 =	vld [tilespmem:s3+$0xFFFFFFC0];
	v60 =	vperm.xlane v36, v2;
	v54 =	vperm.xlane v33, v0;
	[tilespmem:s26+$0x10] =	vst v32;
	v63 =	vadd.f32 v45, v52  }
0xf4: {  	v27 =	vperm.xlane v27, v6;
	v50 =	vperm.xlane v39, v4;
	v35 =	vadd.f32 v35, v62;
	v49 =	vld [tilespmem:s20+$0x20]  }
0xf5: {  	v53 =	vperm.xlane v20, v9;
	v51 =	vperm.xlane v63, v0  }
0xf6: {  	v36 =	vadd.f32 v36, v60;
	v59 =	vperm.xlane v37, v1;
	v52 =	vperm.xlane v35, v0  }
0xf7: {  	v33 =	vadd.f32 v33, v54;
	v38 =	vnsel vm0, $0x0, v50;
	v32 =	vadd.f32 v63, v51  }
0xf8: {  	[tilespmem:s4+$0xFFFFFF90] =	vst v22;
	v48 =	vld [tilespmem:s3+$0xFFFFFFE0];
	v37 =	vadd.f32 v37, v59;
	v22 =	vperm.xlane v36, v7;
	v35 =	vadd.f32 v35, v52  }
0xf9: {  	v50 =	vshll.u32 v44, $0x10;
	v41 =	vmul.f32 v49, v53;
	v56 =	vperm.xlane v32, v1  }
0xfa: {  	v54 =	vld [tilespmem:s10+$0xFFFFFFF0];
	v58 =	vperm.xlane v33, v1;
	v30 =	vsel vm1, v38, v31;
	v57 =	vperm.xlane v35, v1  }
0xfb: {  	v47 =	vld [tilespmem:s10+$0xFFFFFFC0];
	v42 =	vperm.xlane v37, v2;
	v27 =	vsel vm2, v30, v27;
	[tilespmem:s26+$0x20] =	vst v41;
	v32 =	vadd.f32 v32, v56  }
0xfc: {  	v33 =	vadd.f32 v33, v58;
	v22 =	vsel vm3, v27, v22;
	v35 =	vadd.f32 v35, v57;
	v41 =	vld [tilespmem:s20+$0x30]  }
0xfd: {  	v36 =	vand.u32 $0xFFFF0000, v48;
	v22 =	vmul.f32 $1.442695020e+00, v22;
	v49 =	vld [tilespmem:s10+$0xFFFFFFE0];
	v60 =	vperm.xlane v32, v2  }
0xfe: {  	v52 =	vand.u32 $0xFFFF0000, v44;
	v62 =	vperm.xlane v33, v2;
	v31 =	vperm.xlane v35, v2  }
0xff: {  	v40 =	vand.u32 $0xFFFF0000, v54;
	(erf) = vpow2.f32 v22;
	v32 =	vadd.f32 v32, v60  }
0x100: {  	v63 =	vld [tilespmem:s24+$0x70];
	v53 =	vshll.u32 v47, $0x10;
	v33 =	vadd.f32 v33, v62;
	v31 =	vadd.f32 v35, v31  }
0x101: {  	v43 =	vld [tilespmem:s9+$0xFFFFFFB0];
	v57 =	vshll.u32 v48, $0x10;
	v28 =	vmul.f32 v41, v28;
	v32 =	vperm.xlane v32, v4  }
0x102: {  	[tilespmem:s23+$0xFFFFFF80] =	vst v34;
	v51 =	vld [tilespmem:s3+$0xFFFFFFF0];
	v58 =	vshll.u32 v49, $0x10;
	v30 =	vperm.xlane v31, v5;
	v31 =	vadd.f32 v37, v42  }
0x103: {  	v38 =	vand.u32 $0xFFFF0000, v49;
	[tilespmem:s26+$0x30] =	vst v28;
	v27 =	vnsel vm0, $0x0, v32;
	v28 =	vperm.xlane v33, v6  }
0x104: {  	v35 =	vmul.f32 v53, v50;
	v53 =	vld [tilespmem:s24+$0xFFFFFFA0];
	v46 =	vperm.xlane v31, v7;
	v30 =	vsel vm1, v27, v30  }
0x105: {  	v59 =	vmul.f32 v58, v57;
	v45 =	vld [tilespmem:s20+$0x40];
	v27 =	vmul.f32 v63, v16;
	v16 =	vsel vm2, v30, v28  }
0x106: {  	v60 =	vperm.xlane v20, v12;
	v31 =	vmul.f32 v43, v17;
	v17 =	vld [tilespmem:s3+$0xFFFFFFD0];
	v16 =	vsel vm3, v16, v46  }
0x107: {  	v22 =	vld [tilespmem:s10+$0xFFFFFFD0];
	v61 =	vshll.u32 v51, $0x10;
	v36 =	vmul.f32 v38, v36;
	v33 =	vmul.f32 $1.442695020e+00, v16  }
0x108: {  	v57 =	vperm.xlane v20, v13;
	v32 =	vand.u32 $0xFFFF0000, v51;
	v30 =	vperm.xlane v20, v11  }
0x109: {  	v37 =	vand.u32 $0xFFFF0000, v47;
	v32 =	vmul.f32 v40, v32;
	(erf) = vpow2.f32 v33  }
0x10a: {  	v63 =	vshll.u32 v54, $0x10;
	v39 =	vmul.f32 v53, v29;
	v30 =	vmul.f32 v45, v30  }
0x10b: {  	v38 =	vmul.f32 v63, v61;
	v55 =	vshll.u32 v17, $0x10;
	v33 =	vmul.f32 v37, v52  }
0x10c: {  	v17 =	vand.u32 $0xFFFF0000, v17;
	[tilespmem:s26+$0x40] =	vst v30;
	v30 =	vshll.u32 v22, $0x10;
	v22 =	vand.u32 $0xFFFF0000, v22  }
0x10d: {  	v33 =	vadd.f32 v33, v35;
	v30 =	vmul.f32 v30, v55;
	v17 =	vmul.f32 v22, v17  }
0x10e: {  	v28 =	vperm.xlane v26, v12;
	v20 =	vperm.xlane v20, v14;
	v32 =	vadd.f32 v32, v38;
	v56 =	vld [tilespmem:s20+$0x50]  }
0x10f: {  	v16 =	vperm.xlane v26, v13;
	v46 =	vperm.xlane v33, v0;
	v22 =	vpop (erf);
	v45 =	vadd.f32 v17, v30  }
0x110: {  	v52 =	vperm.xlane v32, v0;
	v17 =	vperm.xlane v26, v14;
	v26 =	vadd.f32 v36, v59;
	[tilespmem:s26+$0xFFFFFFF0] =	vst v22  }
0x111: {  	s16 =	sadd.s32 $0x80, s10;
	v48 =	vperm.xlane v22, v3;
	v33 =	vadd.f32 v33, v46;
	v62 =	vld [tilespmem:s20+$0xFFFFFF80];
	v47 =	vperm.xlane v45, v0  }
0x112: {  	s11 =	sadd.s32 $0x120, s26;
	s3 =	sadd.s32 $0x80, s3;
	v61 =	vld [tilespmem:s16+$0x30];
	v35 =	vperm.xlane v22, v8;
	v50 =	vperm.xlane v26, v0;
	v30 =	vpop (erf)  }
0x113: {  	s12 =	sadd.s32 $0x100, s20;
	v37 =	vmul.f32 v56, v60;
	v55 =	vperm.xlane v33, v1;
	v60 =	vld [tilespmem:s3+$0x30];
	v36 =	vadd.f32 v45, v47;
	[tilespmem:s11+$0x80] =	vst v30  }
0x114: {  	v34 =	vperm.xlane v22, v9;
	v29 =	vperm.xlane v22, v11;
	v26 =	vadd.f32 v26, v50;
	v49 =	vld [tilespmem:s12+$0x0]  }
0x115: {  	v56 =	vperm.xlane v30, v3;
	v33 =	vadd.f32 v33, v55;
	v58 =	vperm.xlane v36, v1  }
0x116: {  	v43 =	vld [tilespmem:s3+$0x20];
	v32 =	vadd.f32 v32, v52;
	[tilespmem:s26+$0x50] =	vst v37;
	v59 =	vperm.xlane v26, v1;
	v37 =	vmul.f32 v62, v48  }
0x117: {  	v41 =	vand.u32 $0xFFFF0000, v61;
	v51 =	vld [tilespmem:s20+$0x60];
	v55 =	vperm.xlane v33, v2;
	v62 =	vperm.xlane v30, v8  }
0x118: {  	v36 =	vadd.f32 v36, v58;
	v54 =	vadd.f32 v26, v59;
	v26 =	vperm.xlane v32, v1  }
0x119: {  	v48 =	vld [tilespmem:s16+$0x20];
	v50 =	vshll.u32 v60, $0x10;
	v46 =	vand.u32 $0xFFFF0000, v60;
	v38 =	vmul.f32 v49, v56  }
0x11a: {  	v59 =	vld [tilespmem:s3+$0x10];
	v60 =	vshll.u32 v61, $0x10;
	v33 =	vadd.f32 v33, v55;
	v41 =	vmul.f32 v41, v46  }
0x11b: {  	v63 =	vld [tilespmem:s3+$0x0];
	v58 =	vperm.xlane v54, v2;
	v32 =	vadd.f32 v32, v26;
	v26 =	vperm.xlane v22, v10;
	[tilespmem:s11+$0x0] =	vst v38  }
0x11c: {  	v61 =	vshll.u32 v43, $0x10;
	v40 =	vmul.f32 v51, v57;
	v57 =	vperm.xlane v36, v2;
	v56 =	vld [tilespmem:s12+$0x10]  }
0x11d: {  	v43 =	vand.u32 $0xFFFF0000, v43;
	v33 =	vperm.xlane v33, v4;
	v45 =	vperm.xlane v32, v2  }
0x11e: {  	v47 =	vld [tilespmem:s16+$0x0];
	v42 =	vadd.f32 v54, v58;
	v54 =	vshll.u32 v48, $0x10;
	v48 =	vand.u32 $0xFFFF0000, v48  }
0x11f: {  	v49 =	vld [tilespmem:s16+$0x10];
	v36 =	vadd.f32 v36, v57;
	v55 =	vshll.u32 v59, $0x10;
	v58 =	vmul.f32 v54, v61  }
0x120: {  	v38 =	vand.u32 $0xFFFF0000, v59;
	v43 =	vmul.f32 v48, v43;
	v59 =	vmul.f32 v60, v50  }
0x121: {  	v51 =	vand.u32 $0xFFFF0000, v63;
	[tilespmem:s26+$0x60] =	vst v40;
	v52 =	vadd.f32 v32, v45;
	v44 =	vmul.f32 v56, v62  }
0x122: {  	v60 =	vld [tilespmem:s20+$0x70];
	v43 =	vadd.f32 v43, v58;
	v36 =	vperm.xlane v36, v5;
	v40 =	vadd.f32 v41, v59  }
0x123: {  	v56 =	vshll.u32 v63, $0x10;
	v63 =	vshll.u32 v47, $0x10;
	v47 =	vand.u32 $0xFFFF0000, v47;
	[tilespmem:s11+$0x10] =	vst v44  }
0x124: {  	v54 =	vperm.xlane v43, v0;
	v62 =	vshll.u32 v49, $0x10;
	v47 =	vmul.f32 v47, v51;
	v57 =	vld [tilespmem:s12+$0x20]  }
0x125: {  	[tilespmem:s26+$0xFFFFFF70] =	vst v37;
	v49 =	vand.u32 $0xFFFF0000, v49;
	v44 =	vmul.f32 v62, v55;
	v55 =	vmul.f32 v63, v56  }
0x126: {  	[tilespmem:s4+$0xFFFFFFA0] =	vst v31;
	v58 =	vld [tilespmem:s20+$0xFFFFFF90];
	v45 =	vperm.xlane v52, v7;
	v43 =	vadd.f32 v43, v54;
	v38 =	vmul.f32 v49, v38  }
0x127: {  	v52 =	vld [tilespmem:s9+$0xFFFFFFC0];
	v32 =	vmul.f32 v60, v20;
	v56 =	vperm.xlane v30, v9;
	v47 =	vadd.f32 v47, v55  }
0x128: {  	v60 =	vperm.xlane v43, v1;
	v38 =	vadd.f32 v38, v44;
	v55 =	vperm.xlane v40, v0  }
0x129: {  	v33 =	vnsel vm0, $0x0, v33;
	v62 =	vperm.xlane v47, v0;
	v61 =	vmul.f32 v57, v56  }
0x12a: {  	v59 =	vperm.xlane v30, v10;
	v43 =	vadd.f32 v43, v60;
	v63 =	vperm.xlane v38, v0  }
0x12b: {  	v35 =	vmul.f32 v58, v35;
	v40 =	vadd.f32 v40, v55;
	v55 =	vld [tilespmem:s3+$0xFFFFFFC0];
	v53 =	vadd.f32 v47, v62;
	[tilespmem:s11+$0x20] =	vst v61  }
0x12c: {  	v37 =	vmul.f32 v52, v18;
	v38 =	vadd.f32 v38, v63;
	v56 =	vperm.xlane v42, v6;
	v46 =	vld [tilespmem:s12+$0x30]  }
0x12d: {  	v33 =	vsel vm1, v33, v36;
	v54 =	vld [tilespmem:s16+$0xFFFFFFC0];
	v49 =	vperm.xlane v43, v2;
	v57 =	vperm.xlane v53, v1  }
0x12e: {  	v58 =	vld [tilespmem:s16+$0xFFFFFFD0];
	v20 =	vperm.xlane v38, v1;
	v61 =	vperm.xlane v40, v1;
	v31 =	vsel vm2, v33, v56  }
0x12f: {  	v56 =	vperm.xlane v30, v11;
	v31 =	vsel vm3, v31, v45;
	v42 =	vadd.f32 v53, v57  }
0x130: {  	v20 =	vadd.f32 v38, v20;
	v36 =	vadd.f32 v40, v61;
	v31 =	vmul.f32 $1.442695020e+00, v31  }
0x131: {  	v60 =	vand.u32 $0xFFFF0000, v55;
	v57 =	vld [tilespmem:s3+$0xFFFFFFD0];
	v63 =	vperm.xlane v42, v2;
	v62 =	vmul.f32 v46, v59  }
0x132: {  	v53 =	vadd.f32 v43, v49;
	v51 =	vperm.xlane v36, v2;
	v46 =	vperm.xlane v20, v2;
	v59 =	vld [tilespmem:s3+$0xFFFFFFE0]  }
0x133: {  	v61 =	vshll.u32 v54, $0x10;
	v49 =	vshll.u32 v58, $0x10;
	v48 =	vadd.f32 v42, v63;
	v63 =	vld [tilespmem:s16+$0xFFFFFFE0];
	[tilespmem:s11+$0x30] =	vst v62  }
0x134: {  	[tilespmem:s23+$0xFFFFFF90] =	vst v39;
	v39 =	vperm.xlane v53, v6;
	v36 =	vadd.f32 v36, v51;
	v20 =	vadd.f32 v20, v46;
	v50 =	vld [tilespmem:s12+$0x40]  }
0x135: {  	(erf) = vpow2.f32 v31;
	v42 =	vand.u32 $0xFFFF0000, v54;
	v38 =	vperm.xlane v48, v4  }
0x136: {  	v31 =	vperm.xlane v36, v7;
	v36 =	vand.u32 $0xFFFF0000, v57;
	v20 =	vperm.xlane v20, v5  }
0x137: {  	v38 =	vnsel vm0, $0x0, v38;
	v51 =	vshll.u32 v59, $0x10;
	v40 =	vand.u32 $0xFFFF0000, v59  }
0x138: {  	v52 =	vshll.u32 v63, $0x10;
	v44 =	vand.u32 $0xFFFF0000, v63;
	v20 =	vsel vm1, v38, v20  }
0x139: {  	v47 =	vld [tilespmem:s24+$0xFFFFFFB0];
	v20 =	vsel vm2, v20, v39;
	v39 =	vand.u32 $0xFFFF0000, v58;
	v33 =	vmul.f32 v50, v56  }
0x13a: {  	v54 =	vmul.f32 v52, v51;
	v20 =	vsel vm3, v20, v31;
	v36 =	vmul.f32 v39, v36  }
0x13b: {  	v48 =	vld [tilespmem:s16+$0xFFFFFFF0];
	v31 =	vshll.u32 v55, $0x10;
	v55 =	vmul.f32 v44, v40;
	v20 =	vmul.f32 $1.442695020e+00, v20;
	[tilespmem:s11+$0x40] =	vst v33  }
0x13c: {  	v41 =	vmul.f32 v61, v31;
	v31 =	vshll.u32 v57, $0x10;
	v33 =	vmul.f32 v42, v60;
	v62 =	vld [tilespmem:s12+$0x50]  }
0x13d: {  	v45 =	vmul.f32 v49, v31;
	(erf) = vpow2.f32 v20;
	v20 =	vld [tilespmem:s3+$0xFFFFFFF0]  }
0x13e: {  	v18 =	vperm.xlane v22, v13;
	v38 =	vmul.f32 v47, v19;
	v39 =	vadd.f32 v55, v54  }
0x13f: {  	v19 =	vperm.xlane v22, v12;
	v41 =	vadd.f32 v33, v41;
	v36 =	vadd.f32 v36, v45  }
0x140: {  	v50 =	vperm.xlane v30, v12;
	v57 =	vshll.u32 v48, $0x10;
	v61 =	vperm.xlane v39, v0  }
0x141: {  	v42 =	vand.u32 $0xFFFF0000, v48;
	v31 =	vpop (erf);
	v59 =	vperm.xlane v41, v0;
	v45 =	vperm.xlane v36, v0  }
0x142: {  	[tilespmem:s11+$0xFFFFFFF0] =	vst v31;
	v43 =	vmul.f32 v62, v50;
	v56 =	vshll.u32 v20, $0x10;
	v20 =	vand.u32 $0xFFFF0000, v20  }
0x143: {  	v53 =	vld [tilespmem:s12+$0xFFFFFF80];
	v41 =	vadd.f32 v41, v59;
	v40 =	vmul.f32 v57, v56;
	v20 =	vmul.f32 v42, v20  }
0x144: {  	v60 =	vperm.xlane v31, v3;
	v39 =	vadd.f32 v39, v61;
	v49 =	vadd.f32 v36, v45;
	[tilespmem:s11+$0x50] =	vst v43  }
0x145: {  	[tilespmem:s26+$0xFFFFFF80] =	vst v35;
	v35 =	vperm.xlane v31, v10;
	v51 =	vperm.xlane v41, v1;
	v58 =	vld [tilespmem:s12+$0x60];
	v40 =	vadd.f32 v20, v40  }
0x146: {  	v54 =	vperm.xlane v39, v1;
	v52 =	vperm.xlane v49, v1  }
0x147: {  	s13 =	sadd.s32 $0x120, s11;
	s19 =	sadd.s32 $0x80, s16;
	v36 =	vperm.xlane v31, v9;
	v33 =	vpop (erf);
	v41 =	vadd.f32 v41, v51;
	v50 =	vperm.xlane v40, v0  }
0x148: {  	s14 =	sadd.s32 $0x100, s12;
	v20 =	vperm.xlane v30, v13;
	v62 =	vmul.f32 v53, v60;
	v42 =	vadd.f32 v49, v52;
	v49 =	vld [tilespmem:s19+$0x30];
	[tilespmem:s13+$0x80] =	vst v33  }
0x149: {  	v30 =	vperm.xlane v30, v14;
	v63 =	vld [tilespmem:s14+$0x0];
	v56 =	vperm.xlane v41, v2;
	v40 =	vadd.f32 v40, v50  }
0x14a: {  	s18 =	sadd.s32 $0x80, s3;
	v39 =	vadd.f32 v39, v54;
	v44 =	vmul.f32 v58, v20;
	v20 =	vperm.xlane v22, v14;
	v22 =	vld [tilespmem:s20+$0xFFFFFFA0]  }
0x14b: {  	v48 =	vld [tilespmem:s18+$0x30];
	[tilespmem:s11+$0xFFFFFF70] =	vst v62;
	v53 =	vperm.xlane v33, v3;
	v55 =	vperm.xlane v40, v1  }
0x14c: {  	v52 =	vld [tilespmem:s18+$0x10];
	v62 =	vperm.xlane v33, v8;
	v58 =	vperm.xlane v39, v2;
	v41 =	vadd.f32 v41, v56;
	[tilespmem:s11+$0x60] =	vst v44  }
0x14d: {  	v57 =	vperm.xlane v42, v2;
	v47 =	vshll.u32 v49, $0x10;
	v45 =	vld [tilespmem:s12+$0x70];
	v40 =	vadd.f32 v40, v55  }
0x14e: {  	v46 =	vld [tilespmem:s12+$0xFFFFFF90];
	v41 =	vperm.xlane v41, v4;
	v39 =	vadd.f32 v39, v58;
	v43 =	vmul.f32 v63, v53  }
0x14f: {  	v63 =	vld [tilespmem:s18+$0x0];
	v50 =	vmul.f32 v22, v34;
	v34 =	vadd.f32 v42, v57;
	v60 =	vperm.xlane v40, v2  }
0x150: {  	v44 =	vperm.xlane v31, v8;
	v41 =	vnsel vm0, $0x0, v41;
	v39 =	vperm.xlane v39, v6;
	[tilespmem:s13+$0x0] =	vst v43;
	v43 =	vld [tilespmem:s19+$0x10]  }
0x151: {  	v22 =	vperm.xlane v31, v11;
	v59 =	vld [tilespmem:s14+$0x10];
	v61 =	vperm.xlane v34, v5;
	v40 =	vadd.f32 v40, v60  }
0x152: {  	v60 =	vshll.u32 v52, $0x10;
	v52 =	vand.u32 $0xFFFF0000, v52;
	v34 =	vmul.f32 v45, v30  }
0x153: {  	v51 =	vld [tilespmem:s18+$0x20];
	v30 =	vmul.f32 v46, v44;
	v46 =	vand.u32 $0xFFFF0000, v48;
	v41 =	vsel vm1, v41, v61  }
0x154: {  	v45 =	vld [tilespmem:s19+$0x0];
	v54 =	vand.u32 $0xFFFF0000, v63;
	v40 =	vperm.xlane v40, v7;
	v39 =	vsel vm2, v41, v39  }
0x155: {  	v44 =	vld [tilespmem:s19+$0x20];
	v41 =	vshll.u32 v48, $0x10;
	v48 =	vand.u32 $0xFFFF0000, v49;
	v61 =	vshll.u32 v43, $0x10  }
0x156: {  	[tilespmem:s26+$0xFFFFFF90] =	vst v50;
	v43 =	vand.u32 $0xFFFF0000, v43;
	v42 =	vmul.f32 v59, v62;
	v50 =	vmul.f32 v61, v60  }
0x157: {  	[tilespmem:s23+$0xFFFFFFA0] =	vst v38;
	v43 =	vmul.f32 v43, v52;
	v41 =	vmul.f32 v47, v41;
	v39 =	vsel vm3, v39, v40  }
0x158: {  	v38 =	vld [tilespmem:s20+$0xFFFFFFB0];
	v62 =	vshll.u32 v63, $0x10;
	v46 =	vmul.f32 v48, v46;
	v39 =	vmul.f32 $1.442695020e+00, v39;
	[tilespmem:s13+$0x10] =	vst v42  }
0x159: {  	v42 =	vshll.u32 v51, $0x10;
	v63 =	vshll.u32 v45, $0x10;
	v51 =	vand.u32 $0xFFFF0000, v51;
	v49 =	vld [tilespmem:s14+$0x20]  }
0x15a: {  	v41 =	vadd.f32 v46, v41;
	v61 =	vmul.f32 v63, v62;
	v62 =	vld [tilespmem:s24+$0xFFFFFFC0];
	v63 =	vshll.u32 v44, $0x10  }
0x15b: {  	v44 =	vand.u32 $0xFFFF0000, v44;
	(erf) = vpow2.f32 v39;
	v42 =	vmul.f32 v63, v42  }
0x15c: {  	v45 =	vand.u32 $0xFFFF0000, v45;
	v44 =	vmul.f32 v44, v51;
	v46 =	vperm.xlane v41, v0  }
0x15d: {  	v60 =	vperm.xlane v33, v9;
	v43 =	vadd.f32 v43, v50;
	v45 =	vmul.f32 v45, v54  }
0x15e: {  	v38 =	vmul.f32 v38, v26;
	v42 =	vadd.f32 v44, v42;
	v41 =	vadd.f32 v41, v46  }
0x15f: {  	[tilespmem:s4+$0xFFFFFFB0] =	vst v37;
	v49 =	vmul.f32 v49, v60;
	v60 =	vadd.f32 v45, v61;
	v44 =	vmul.f32 v62, v23  }
0x160: {  	v61 =	vld [tilespmem:s9+$0xFFFFFFD0];
	v62 =	vperm.xlane v43, v0;
	v52 =	vperm.xlane v42, v0  }
0x161: {  	v58 =	vperm.xlane v41, v1;
	v26 =	vperm.xlane v60, v0;
	[tilespmem:s13+$0x20] =	vst v49  }
0x162: {  	v54 =	vperm.xlane v33, v10;
	v43 =	vadd.f32 v43, v62;
	v37 =	vadd.f32 v42, v52;
	v63 =	vld [tilespmem:s14+$0x30]  }
0x163: {  	v23 =	vperm.xlane v31, v12;
	v41 =	vadd.f32 v41, v58;
	v58 =	vld [tilespmem:s19+$0xFFFFFFE0];
	v26 =	vadd.f32 v60, v26  }
0x164: {  	v46 =	vld [tilespmem:s19+$0xFFFFFFC0];
	v55 =	vperm.xlane v43, v1;
	v56 =	vperm.xlane v37, v1  }
0x165: {  	v48 =	vpop (erf);
	v45 =	vmul.f32 v61, v25;
	v25 =	vld [tilespmem:s18+$0xFFFFFFC0];
	v53 =	vperm.xlane v26, v1  }
0x166: {  	v50 =	vperm.xlane v48, v8;
	v57 =	vadd.f32 v43, v55;
	v37 =	vadd.f32 v37, v56  }
0x167: {  	v52 =	vld [tilespmem:s18+$0xFFFFFFD0];
	v56 =	vperm.xlane v33, v11;
	v26 =	vadd.f32 v26, v53;
	v40 =	vmul.f32 v63, v54  }
0x168: {  	v49 =	vand.u32 $0xFFFF0000, v58;
	v61 =	vperm.xlane v57, v2;
	v63 =	vperm.xlane v37, v2  }
0x169: {  	v55 =	vld [tilespmem:s19+$0xFFFFFFD0];
	v53 =	vshll.u32 v46, $0x10;
	v54 =	vperm.xlane v41, v2;
	v59 =	vperm.xlane v26, v2  }
0x16a: {  	v46 =	vand.u32 $0xFFFF0000, v46;
	v60 =	vshll.u32 v25, $0x10;
	[tilespmem:s13+$0x30] =	vst v40;
	v40 =	vadd.f32 v57, v61  }
0x16b: {  	v25 =	vand.u32 $0xFFFF0000, v25;
	v37 =	vadd.f32 v37, v63;
	v62 =	vld [tilespmem:s14+$0x40];
	v26 =	vadd.f32 v26, v59  }
0x16c: {  	v41 =	vadd.f32 v41, v54;
	v57 =	vld [tilespmem:s18+$0xFFFFFFE0];
	v61 =	vshll.u32 v52, $0x10;
	v47 =	vmul.f32 v53, v60  }
0x16d: {  	v63 =	vand.u32 $0xFFFF0000, v52;
	v25 =	vmul.f32 v46, v25;
	v26 =	vperm.xlane v26, v4  }
0x16e: {  	v52 =	vshll.u32 v55, $0x10;
	v53 =	vand.u32 $0xFFFF0000, v55;
	v40 =	vperm.xlane v40, v5  }
0x16f: {  	v60 =	vld [tilespmem:s18+$0xFFFFFFF0];
	v37 =	vperm.xlane v37, v6;
	v59 =	vperm.xlane v41, v7;
	v26 =	vnsel vm0, $0x0, v26  }
0x170: {  	v54 =	vmul.f32 v52, v61;
	v39 =	vmul.f32 v62, v56;
	v26 =	vsel vm1, v26, v40  }
0x171: {  	v42 =	vand.u32 $0xFFFF0000, v57;
	v62 =	vld [tilespmem:s19+$0xFFFFFFF0];
	v56 =	vshll.u32 v57, $0x10;
	v26 =	vsel vm2, v26, v37  }
0x172: {  	v57 =	vshll.u32 v58, $0x10;
	v42 =	vmul.f32 v49, v42;
	[tilespmem:s13+$0x40] =	vst v39;
	v26 =	vsel vm3, v26, v59  }
0x173: {  	v47 =	vadd.f32 v25, v47;
	v25 =	vmul.f32 v57, v56;
	v55 =	vld [tilespmem:s14+$0x50];
	v26 =	vmul.f32 $1.442695020e+00, v26  }
0x174: {  	v58 =	vshll.u32 v60, $0x10;
	v41 =	vand.u32 $0xFFFF0000, v60;
	v39 =	vmul.f32 v53, v63  }
0x175: {  	v42 =	vadd.f32 v42, v25;
	v25 =	vperm.xlane v31, v14;
	(erf) = vpow2.f32 v26  }
0x176: {  	v39 =	vadd.f32 v39, v54;
	v59 =	vshll.u32 v62, $0x10;
	v26 =	vperm.xlane v33, v12  }
0x177: {  	[tilespmem:s11+$0xFFFFFF80] =	vst v30;
	v37 =	vand.u32 $0xFFFF0000, v62;
	v62 =	vperm.xlane v47, v0;
	v60 =	vmul.f32 v59, v58  }
0x178: {  	[tilespmem:s13+$0xFFFFFFF0] =	vst v48;
	v37 =	vmul.f32 v37, v41;
	v43 =	vmul.f32 v55, v26  }
0x179: {  	[tilespmem:s26+$0xFFFFFFA0] =	vst v38;
	v61 =	vld [tilespmem:s14+$0xFFFFFF80];
	v26 =	vperm.xlane v31, v13;
	v31 =	vperm.xlane v39, v0  }
0x17a: {  	v38 =	vperm.xlane v48, v9;
	v54 =	vld [tilespmem:s12+$0xFFFFFFA0];
	v30 =	vperm.xlane v42, v0;
	v40 =	vadd.f32 v37, v60;
	[tilespmem:s13+$0x50] =	vst v43  }
0x17b: {  	v57 =	vperm.xlane v33, v13;
	v46 =	vadd.f32 v47, v62;
	v31 =	vadd.f32 v39, v31;
	v43 =	vld [tilespmem:s14+$0x60]  }
0x17c: {  	v63 =	vperm.xlane v48, v3;
	v30 =	vadd.f32 v42, v30;
	v55 =	vperm.xlane v40, v0  }
0x17d: {  	v56 =	vperm.xlane v46, v1;
	v58 =	vperm.xlane v31, v1  }
0x17e: {  	s16 =	sadd.s32 $0x120, s13;
	[tilespmem:s23+$0xFFFFFFB0] =	vst v44;
	v41 =	vmul.f32 v61, v63;
	v59 =	vperm.xlane v30, v1;
	v39 =	vadd.f32 v40, v55;
	v37 =	vpop (erf)  }
0x17f: {  	s17 =	sadd.s32 $0x100, s14;
	v51 =	vld [tilespmem:s20+$0xFFFFFFC0];
	v36 =	vmul.f32 v54, v36;
	v60 =	vadd.f32 v46, v56;
	v61 =	vadd.f32 v31, v58;
	[tilespmem:s16+$0x80] =	vst v37  }
0x180: {  	[tilespmem:s4+$0xFFFFFFC0] =	vst v45;
	v30 =	vadd.f32 v30, v59;
	v31 =	vperm.xlane v39, v1;
	v42 =	vmul.f32 v43, v57;
	v43 =	vld [tilespmem:s17+$0x0]  }
0x181: {  	v45 =	vld [tilespmem:s24+$0xFFFFFFD0];
	[tilespmem:s13+$0xFFFFFF70] =	vst v41;
	v62 =	vperm.xlane v60, v2;
	v63 =	vperm.xlane v61, v2  }
0x182: {  	v33 =	vperm.xlane v33, v14;
	[tilespmem:s11+$0xFFFFFF90] =	vst v36;
	v58 =	vperm.xlane v30, v2;
	v39 =	vadd.f32 v39, v31;
	v57 =	vld [tilespmem:s14+$0xFFFFFF90]  }
0x183: {  	s21 =	sadd.s32 $0x80, s18;
	v40 =	vadd.f32 v60, v62;
	v56 =	vperm.xlane v37, v3;
	v59 =	vadd.f32 v61, v63;
	v61 =	vld [tilespmem:s12+$0xFFFFFFB0]  }
0x184: {  	v31 =	vperm.xlane v48, v10;
	[tilespmem:s13+$0x60] =	vst v42;
	v60 =	vperm.xlane v39, v2;
	v63 =	vld [tilespmem:s21+$0x30]  }
0x185: {  	v62 =	vadd.f32 v30, v58;
	v40 =	vperm.xlane v40, v4;
	v42 =	vld [tilespmem:s14+$0x70];
	v43 =	vmul.f32 v43, v56  }
0x186: {  	v49 =	vld [tilespmem:s9+$0xFFFFFFE0];
	v30 =	vperm.xlane v48, v11;
	v36 =	vperm.xlane v59, v5;
	v41 =	vadd.f32 v39, v60  }
0x187: {  	v46 =	vld [tilespmem:s21+$0x10];
	v58 =	vperm.xlane v37, v8;
	v55 =	vperm.xlane v62, v6;
	v40 =	vnsel vm0, $0x0, v40;
	[tilespmem:s16+$0x0] =	vst v43  }
0x188: {  	v36 =	vsel vm1, v40, v36;
	v41 =	vperm.xlane v41, v7;
	v40 =	vmul.f32 v57, v50;
	v56 =	vld [tilespmem:s17+$0x10]  }
0x189: {  	s10 =	sadd.s32 $0x80, s19;
	v59 =	vld [tilespmem:s21+$0x0];
	v57 =	vsel vm2, v36, v55;
	v36 =	vmul.f32 v61, v35;
	v35 =	vmul.f32 v51, v29  }
0x18a: {  	v29 =	vperm.xlane v48, v12;
	v51 =	vld [tilespmem:s10+$0x0];
	v47 =	vand.u32 $0xFFFF0000, v63;
	v39 =	vmul.f32 v42, v33  }
0x18b: {  	v43 =	vld [tilespmem:s10+$0x10];
	v42 =	vsel vm3, v57, v41;
	v41 =	vmul.f32 v45, v28;
	v28 =	vperm.xlane v48, v13  }
0x18c: {  	v54 =	vld [tilespmem:s10+$0x30];
	v45 =	vshll.u32 v63, $0x10;
	v63 =	vshll.u32 v46, $0x10;
	v62 =	vmul.f32 $1.442695020e+00, v42  }
0x18d: {  	v44 =	vld [tilespmem:s10+$0x20];
	v46 =	vand.u32 $0xFFFF0000, v46;
	v42 =	vmul.f32 v49, v24;
	v33 =	vmul.f32 v56, v58  }
0x18e: {  	v53 =	vld [tilespmem:s21+$0x20];
	v24 =	vperm.xlane v48, v14;
	v61 =	vshll.u32 v59, $0x10;
	v50 =	vand.u32 $0xFFFF0000, v59  }
0x18f: {  	(erf) = vpow2.f32 v62;
	v62 =	vshll.u32 v51, $0x10;
	v51 =	vand.u32 $0xFFFF0000, v51;
	[tilespmem:s16+$0x10] =	vst v33  }
0x190: {  	v60 =	vshll.u32 v43, $0x10;
	v55 =	vmul.f32 v62, v61;
	v50 =	vmul.f32 v51, v50;
	v48 =	vld [tilespmem:s17+$0x20]  }
0x191: {  	v43 =	vand.u32 $0xFFFF0000, v43;
	v62 =	vshll.u32 v54, $0x10;
	v49 =	vmul.f32 v60, v63  }
0x192: {  	v63 =	vperm.xlane v37, v9;
	v60 =	vshll.u32 v44, $0x10;
	v43 =	vmul.f32 v43, v46  }
0x193: {  	v44 =	vand.u32 $0xFFFF0000, v44;
	v50 =	vadd.f32 v50, v55;
	v33 =	vshll.u32 v53, $0x10  }
0x194: {  	v53 =	vand.u32 $0xFFFF0000, v53;
	v43 =	vadd.f32 v43, v49;
	v33 =	vmul.f32 v60, v33  }
0x195: {  	v44 =	vmul.f32 v44, v53;
	v61 =	vmul.f32 v48, v63;
	v63 =	vand.u32 $0xFFFF0000, v54  }
0x196: {  	v45 =	vmul.f32 v62, v45;
	v47 =	vmul.f32 v63, v47  }
0x197: {  	v51 =	vld [tilespmem:s21+$0xFFFFFFC0];
	v56 =	vperm.xlane v50, v0;
	v57 =	vperm.xlane v43, v0;
	v33 =	vadd.f32 v44, v33  }
0x198: {  	v48 =	vld [tilespmem:s10+$0xFFFFFFC0];
	[tilespmem:s16+$0x20] =	vst v61;
	v45 =	vadd.f32 v47, v45  }
0x199: {  	v46 =	vadd.f32 v50, v56;
	v43 =	vadd.f32 v43, v57;
	v58 =	vperm.xlane v33, v0;
	v49 =	vld [tilespmem:s17+$0x30]  }
0x19a: {  	v60 =	vperm.xlane v45, v0  }
0x19b: {  	v62 =	vperm.xlane v46, v1;
	v33 =	vadd.f32 v33, v58;
	v63 =	vperm.xlane v43, v1  }
0x19c: {  	v44 =	vshll.u32 v51, $0x10;
	v61 =	vperm.xlane v37, v10;
	v45 =	vadd.f32 v45, v60  }
0x19d: {  	v46 =	vadd.f32 v46, v62;
	v57 =	vperm.xlane v33, v1;
	v43 =	vadd.f32 v43, v63  }
0x19e: {  	v59 =	vshll.u32 v48, $0x10;
	v49 =	vmul.f32 v49, v61;
	v58 =	vperm.xlane v45, v1  }
0x19f: {  	v33 =	vadd.f32 v33, v57;
	v44 =	vmul.f32 v59, v44;
	v59 =	vperm.xlane v46, v2  }
0x1a0: {  	v47 =	vld [tilespmem:s21+$0xFFFFFFD0];
	v60 =	vperm.xlane v43, v2;
	[tilespmem:s16+$0x30] =	vst v49;
	v45 =	vadd.f32 v45, v58  }
0x1a1: {  	v51 =	vand.u32 $0xFFFF0000, v51;
	v61 =	vperm.xlane v33, v2;
	v46 =	vadd.f32 v46, v59;
	v50 =	vld [tilespmem:s17+$0x40]  }
0x1a2: {  	v52 =	vld [tilespmem:s10+$0xFFFFFFD0];
	v63 =	vperm.xlane v37, v11;
	v43 =	vadd.f32 v43, v60;
	v62 =	vperm.xlane v45, v2  }
0x1a3: {  	v48 =	vand.u32 $0xFFFF0000, v48;
	v60 =	vld [tilespmem:s10+$0xFFFFFFE0];
	v33 =	vadd.f32 v33, v61;
	v46 =	vperm.xlane v46, v4  }
0x1a4: {  	v48 =	vmul.f32 v48, v51;
	v49 =	vld [tilespmem:s21+$0xFFFFFFE0];
	v43 =	vperm.xlane v43, v5;
	v45 =	vadd.f32 v45, v62  }
0x1a5: {  	v54 =	vshll.u32 v47, $0x10;
	v46 =	vnsel vm0, $0x0, v46;
	v33 =	vperm.xlane v33, v6  }
0x1a6: {  	v43 =	vsel vm1, v46, v43;
	v50 =	vmul.f32 v50, v63;
	v45 =	vperm.xlane v45, v7  }
0x1a7: {  	v55 =	vld [tilespmem:s10+$0xFFFFFFF0];
	v47 =	vand.u32 $0xFFFF0000, v47;
	v61 =	vshll.u32 v52, $0x10;
	v33 =	vsel vm2, v43, v33  }
0x1a8: {  	v52 =	vand.u32 $0xFFFF0000, v52;
	v54 =	vmul.f32 v61, v54;
	v62 =	vld [tilespmem:s21+$0xFFFFFFF0];
	[tilespmem:s16+$0x40] =	vst v50;
	v33 =	vsel vm3, v33, v45  }
0x1a9: {  	v47 =	vmul.f32 v52, v47;
	v56 =	vshll.u32 v60, $0x10;
	v63 =	vshll.u32 v49, $0x10;
	v43 =	vld [tilespmem:s17+$0x50]  }
0x1aa: {  	v51 =	vand.u32 $0xFFFF0000, v60;
	v49 =	vand.u32 $0xFFFF0000, v49;
	v57 =	vmul.f32 v56, v63  }
0x1ab: {  	[tilespmem:s4+$0x70] =	vst v21;
	v44 =	vadd.f32 v48, v44;
	v59 =	vmul.f32 v51, v49;
	v58 =	vmul.f32 $1.442695020e+00, v33;
	v33 =	vpop (erf)  }
0x1ac: {  	v61 =	vperm.xlane v37, v12;
	v63 =	vshll.u32 v55, $0x10;
	v56 =	vand.u32 $0xFFFF0000, v55;
	[tilespmem:s16+$0xFFFFFFF0] =	vst v33  }
0x1ad: {  	[tilespmem:s23+$0x70] =	vst v27;
	v27 =	vadd.f32 v59, v57;
	v60 =	vshll.u32 v62, $0x10;
	(erf) = vpow2.f32 v58;
	v21 =	vld [tilespmem:s17+$0xFFFFFF80]  }
0x1ae: {  	v62 =	vand.u32 $0xFFFF0000, v62;
	v57 =	vmul.f32 v63, v60;
	v43 =	vmul.f32 v43, v61  }
0x1af: {  	v54 =	vadd.f32 v47, v54;
	v47 =	vmul.f32 v56, v62;
	v60 =	vperm.xlane v27, v0  }
0x1b0: {  	v58 =	vperm.xlane v44, v0;
	v62 =	vperm.xlane v33, v3;
	[tilespmem:s16+$0x50] =	vst v43  }
0x1b1: {  	[tilespmem:s26+$0x70] =	vst v32;
	v59 =	vperm.xlane v54, v0;
	v61 =	vadd.f32 v47, v57;
	v63 =	vld [tilespmem:s17+$0x60]  }
0x1b2: {  	[tilespmem:s13+$0xFFFFFF80] =	vst v40;
	v32 =	vadd.f32 v27, v60;
	v44 =	vadd.f32 v44, v58;
	v21 =	vmul.f32 v21, v62  }
0x1b3: {  	[tilespmem:s11+$0xFFFFFFA0] =	vst v36;
	v46 =	vadd.f32 v54, v59;
	v54 =	vld [tilespmem:s14+$0xFFFFFFA0];
	v56 =	vperm.xlane v37, v13;
	v27 =	vperm.xlane v61, v0  }
0x1b4: {  	[tilespmem:s26+$0xFFFFFFB0] =	vst v35;
	v57 =	vperm.xlane v32, v1;
	v55 =	vperm.xlane v44, v1  }
0x1b5: {  	v36 =	vld [tilespmem:s12+$0xFFFFFFC0];
	[tilespmem:s4+$0xFFFFFFD0] =	vst v42;
	v37 =	vperm.xlane v37, v14;
	v49 =	vperm.xlane v46, v1;
	v58 =	vadd.f32 v61, v27  }
0x1b6: {  	v50 =	vadd.f32 v32, v57;
	v32 =	vld [tilespmem:s9+$0xFFFFFFF0];
	s9 =	sadd.s32 $0x120, s16;
	v59 =	vadd.f32 v44, v55;
	[tilespmem:s16+$0xFFFFFF70] =	vst v21;
	v47 =	vmul.f32 v63, v56;
	v21 =	vpop (erf)  }
0x1b7: {  	s3 =	sadd.s32 $0x100, s17;
	v35 =	vld [tilespmem:s20+$0xFFFFFFD0];
	v40 =	vperm.xlane v33, v8;
	v46 =	vadd.f32 v46, v49;
	v60 =	vperm.xlane v58, v1;
	[tilespmem:s9+$0x80] =	vst v21  }
0x1b8: {  	v48 =	vmul.f32 v54, v38;
	v61 =	vperm.xlane v59, v2;
	[tilespmem:s16+$0x60] =	vst v47;
	v44 =	vld [tilespmem:s3+$0x0]  }
0x1b9: {  	s18 =	smul.u32 $0x5A00, s25;
	[tilespmem:s23+$0xFFFFFFC0] =	vst v41;
	v42 =	vperm.xlane v33, v10;
	v62 =	vperm.xlane v46, v2;
	v45 =	vadd.f32 v58, v60;
	v41 =	vld [tilespmem:s17+$0x70]  }
0x1ba: {  	v38 =	vperm.xlane v33, v11;
	[tilespmem:s13+$0xFFFFFF90] =	vst v48;
	v43 =	vld [tilespmem:s17+$0xFFFFFF90];
	v63 =	vperm.xlane v50, v2;
	v49 =	vadd.f32 v59, v61  }
0x1bb: {  	s25 =	sand.u32 $0x3, s31;
	s18 =	sshrl.u32 s18, $0x2;
	[tilespmem:s13+$0x70] =	vst v39;
	v39 =	vld [tilespmem:s14+$0xFFFFFFB0];
	v47 =	vadd.f32 v46, v62;
	v48 =	vperm.xlane v45, v2;
	v46 =	vperm.xlane v21, v3  }
0x1bc: {  	[tilespmem:s11+$0x70] =	vst v34;
	s18 =	sadd.s32 $0x50F0, s18;
	s19 =	simm.s32 $0xC;
	v34 =	vld [tilespmem:s24+$0xFFFFFFE0];
	s21 =	sadd.s32 $0x80, s21;
	v27 =	vperm.xlane v33, v9;
	v49 =	vperm.xlane v49, v4;
	v50 =	vadd.f32 v50, v63  }
.LBB2_3:
0x1bd: {  	v51 =	vld [tilespmem:s21+$0x30];
	v47 =	vperm.xlane v47, v5;
	v45 =	vadd.f32 v45, v48;
	v44 =	vmul.f32 v44, v46;
	s10 =	sadd.s32 $0x80, s10  }
0x1be: {  	v46 =	vld [tilespmem:s10+$0x30];
	v48 =	vnsel vm0, $0x0, v49;
	v49 =	vperm.xlane v50, v6;
	v37 =	vmul.f32 v41, v37  }
0x1bf: {  	v40 =	vmul.f32 v43, v40;
	v41 =	vld [tilespmem:s21+$0x20];
	v47 =	vsel vm1, v48, v47;
	v45 =	vperm.xlane v45, v7;
	[tilespmem:s9+$0x0] =	vst v44  }
0x1c0: {  	v22 =	vmul.f32 v36, v22;
	v43 =	vsel vm2, v47, v49;
	v44 =	vld [tilespmem:s3+$0x10];
	[tilespmem:s16+$0x70] =	vst v37;
	v47 =	vmul.f32 v39, v31  }
0x1c1: {  	v35 =	vmul.f32 v35, v19;
	v39 =	vperm.xlane v33, v12;
	v36 =	vld [tilespmem:s10+$0x20];
	v37 =	vsel vm3, v43, v45;
	[tilespmem:s16+$0xFFFFFF80] =	vst v40  }
0x1c2: {  	v19 =	vmovc v23;
	v23 =	vmovc v29;
	v31 =	vmov v42;
	v43 =	vperm.xlane v33, v13;
	v40 =	vld [tilespmem:s21+$0x10];
	v37 =	vmul.f32 $1.442695020e+00, v37;
	[tilespmem:s13+$0xFFFFFFA0] =	vst v47  }
0x1c3: {  	v45 =	vperm.xlane v21, v8;
	v47 =	vmul.f32 v34, v16;
	v29 =	vmovc v39;
	v16 =	vmov v18;
	v42 =	vld [tilespmem:s10+$0x10];
	[tilespmem:s11+$0xFFFFFFB0] =	vst v22  }
0x1c4: {  	v33 =	vperm.xlane v33, v14;
	v18 =	vmovc v26;
	v26 =	vmovc v28;
	v28 =	vmov v43;
	v34 =	vld [tilespmem:s21+$0x0];
	(erf) = vpow2.f32 v37;
	[tilespmem:s26+$0xFFFFFFC0] =	vst v35  }
0x1c5: {  	v32 =	vmul.f32 v32, v15;
	v15 =	vmovc v17;
	v17 =	vmov v20;
	v35 =	vld [tilespmem:s10+$0x0];
	v37 =	vmul.f32 v44, v45;
	[tilespmem:s23+$0xFFFFFFD0] =	vst v47  }
0x1c6: {  	s19 =	sadd.s32 $0x2, s19;
	v20 =	vmovc v25;
	v25 =	vmovc v24;
	v43 =	vshll.u32 v51, $0x10;
	v24 =	vmov v33;
	v22 =	vmov v30;
	v39 =	vld [tilespmem:s10+$0xFFFFFFC0]  }
0x1c7: {  	p1 =	slt.u32 s19, $0x26;
	v30 =	vmovc v38;
	v45 =	vand.u32 $0xFFFF0000, v51;
	v47 =	vshll.u32 v46, $0x10;
	v46 =	vand.u32 $0xFFFF0000, v46;
	v44 =	vld [tilespmem:s21+$0xFFFFFFC0];
	[tilespmem:s9+$0x10] =	vst v37  }
0x1c8: {  	v38 =	vand.u32 $0xFFFF0000, v41;
	v37 =	vshll.u32 v41, $0x10;
	v41 =	vshll.u32 v36, $0x10;
	v33 =	vld [tilespmem:s3+$0x20];
	[tilespmem:s4+$0xFFFFFFE0] =	vst v32;
	s4 =	smov.u32 s23;
	s23 =	smov.u32 s26;
	s26 =	smov.u32 s11  }
0x1c9: {  	v32 =	vshll.u32 v40, $0x10;
	v40 =	vand.u32 $0xFFFF0000, v40;
	v49 =	vshll.u32 v42, $0x10;
	s11 =	smov.u32 s13;
	s13 =	smov.u32 s16;
	s16 =	smov.u32 s9;
	v48 =	vld [tilespmem:s21+$0xFFFFFFD0]  }
0x1ca: {  	v51 =	vshll.u32 v34, $0x10;
	v34 =	vand.u32 $0xFFFF0000, v34;
	v50 =	vld [tilespmem:s10+$0xFFFFFFD0];
	v52 =	vshll.u32 v35, $0x10  }
0x1cb: {  	v32 =	vmul.f32 v49, v32;
	v49 =	vperm.xlane v21, v9;
	v35 =	vand.u32 $0xFFFF0000, v35;
	v53 =	vld [tilespmem:s21+$0xFFFFFFE0]  }
0x1cc: {  	v51 =	vmul.f32 v52, v51;
	v34 =	vmul.f32 v35, v34;
	v35 =	vand.u32 $0xFFFF0000, v42;
	v54 =	vld [tilespmem:s10+$0xFFFFFFE0]  }
0x1cd: {  	v36 =	vand.u32 $0xFFFF0000, v36;
	v35 =	vmul.f32 v35, v40;
	v42 =	vld [tilespmem:s21+$0xFFFFFFF0];
	v40 =	vmul.f32 v33, v49;
	v33 =	vpop (erf)  }
0x1ce: {  	v37 =	vmul.f32 v41, v37;
	v36 =	vmul.f32 v36, v38;
	v34 =	vadd.f32 v34, v51;
	v49 =	vld [tilespmem:s10+$0xFFFFFFF0];
	[tilespmem:s9+$0xFFFFFFF0] =	vst v33  }
0x1cf: {  	v38 =	vmul.f32 v46, v45;
	v32 =	vadd.f32 v35, v32;
	v35 =	vmul.f32 v47, v43;
	v41 =	vld [tilespmem:s3+$0xFFFFFF80];
	[tilespmem:s9+$0x20] =	vst v40  }
0x1d0: {  	v45 =	vadd.f32 v36, v37;
	v40 =	vshll.u32 v44, $0x10;
	v43 =	vperm.xlane v34, v0;
	v46 =	vld [tilespmem:s3+$0x30]  }
0x1d1: {  	v44 =	vand.u32 $0xFFFF0000, v44;
	v47 =	vperm.xlane v32, v0;
	v38 =	vadd.f32 v38, v35;
	v37 =	vld [tilespmem:s17+$0xFFFFFFA0]  }
0x1d2: {  	v51 =	vshll.u32 v39, $0x10;
	v43 =	vadd.f32 v34, v43;
	v34 =	vperm.xlane v45, v0;
	v36 =	vld [tilespmem:s14+$0xFFFFFFC0]  }
0x1d3: {  	v52 =	vperm.xlane v21, v10;
	v47 =	vadd.f32 v32, v47;
	v32 =	vperm.xlane v38, v0;
	v35 =	vld [tilespmem:s12+$0xFFFFFFD0]  }
0x1d4: {  	v39 =	vand.u32 $0xFFFF0000, v39;
	v55 =	vperm.xlane v43, v1;
	v45 =	vadd.f32 v45, v34;
	v34 =	vld [tilespmem:s20+$0xFFFFFFE0]  }
0x1d5: {  	v56 =	vperm.xlane v47, v1;
	v38 =	vadd.f32 v38, v32;
	v46 =	vmul.f32 v46, v52;
	v32 =	vld [tilespmem:s24+$0xFFFFFFF0];
	s24 =	smov.u32 s20;
	s20 =	smov.u32 s12;
	s12 =	smov.u32 s14  }
0x1d6: {  	v40 =	vmul.f32 v51, v40;
	v43 =	vadd.f32 v43, v55;
	v51 =	vperm.xlane v45, v1;
	s14 =	smov.u32 s17;
	s17 =	smov.u32 s3  }
0x1d7: {  	v39 =	vmul.f32 v39, v44;
	v44 =	vadd.f32 v47, v56;
	v47 =	vperm.xlane v38, v1;
	[tilespmem:s9+$0x30] =	vst v46  }
0x1d8: {  	v46 =	vshll.u32 v48, $0x10;
	v52 =	vperm.xlane v43, v2;
	v45 =	vadd.f32 v45, v51;
	v51 =	vld [tilespmem:s3+$0x40]  }
0x1d9: {  	v48 =	vand.u32 $0xFFFF0000, v48;
	v55 =	vperm.xlane v44, v2;
	v38 =	vadd.f32 v38, v47  }
0x1da: {  	v47 =	vshll.u32 v50, $0x10;
	v43 =	vadd.f32 v43, v52;
	v52 =	vperm.xlane v45, v2  }
0x1db: {  	v56 =	vperm.xlane v21, v11;
	v44 =	vadd.f32 v44, v55;
	v55 =	vperm.xlane v38, v2  }
0x1dc: {  	v50 =	vand.u32 $0xFFFF0000, v50;
	v43 =	vperm.xlane v43, v4;
	v45 =	vadd.f32 v45, v52  }
0x1dd: {  	v44 =	vperm.xlane v44, v5;
	v38 =	vadd.f32 v38, v55;
	v51 =	vmul.f32 v51, v56  }
0x1de: {  	v46 =	vmul.f32 v47, v46;
	v43 =	vnsel vm0, $0x0, v43;
	v45 =	vperm.xlane v45, v6  }
0x1df: {  	v47 =	vmul.f32 v50, v48;
	v43 =	vsel vm1, v43, v44;
	v38 =	vperm.xlane v38, v7;
	[tilespmem:s9+$0x40] =	vst v51  }
0x1e0: {  	v48 =	vand.u32 $0xFFFF0000, v53;
	v44 =	vshll.u32 v53, $0x10;
	v43 =	vsel vm2, v43, v45;
	v45 =	vld [tilespmem:s3+$0x50]  }
0x1e1: {  	v50 =	vshll.u32 v54, $0x10;
	v51 =	vand.u32 $0xFFFF0000, v54;
	v38 =	vsel vm3, v43, v38  }
0x1e2: {  	v39 =	vadd.f32 v39, v40;
	v40 =	vmul.f32 v50, v44;
	v38 =	vmul.f32 $1.442695020e+00, v38  }
0x1e3: {  	v44 =	vshll.u32 v42, $0x10;
	v43 =	vmul.f32 v51, v48;
	v48 =	vperm.xlane v21, v12  }
0x1e4: {  	v42 =	vand.u32 $0xFFFF0000, v42;
	v50 =	vshll.u32 v49, $0x10;
	(erf) = vpow2.f32 v38  }
0x1e5: {  	v38 =	vadd.f32 v47, v46;
	v46 =	vand.u32 $0xFFFF0000, v49;
	v45 =	vmul.f32 v45, v48  }
0x1e6: {  	v43 =	vadd.f32 v43, v40;
	v40 =	vmul.f32 v50, v44;
	v42 =	vmul.f32 v46, v42  }
0x1e7: {  	v44 =	vperm.xlane v39, v0;
	v46 =	vperm.xlane v38, v0;
	[tilespmem:s9+$0x50] =	vst v45  }
0x1e8: {  	v47 =	vperm.xlane v33, v3;
	v45 =	vperm.xlane v43, v0;
	v42 =	vadd.f32 v42, v40;
	v48 =	vld [tilespmem:s3+$0x60]  }
0x1e9: {  	v39 =	vadd.f32 v39, v44;
	v40 =	vperm.xlane v33, v8;
	v38 =	vadd.f32 v38, v46  }
0x1ea: {  	v41 =	vmul.f32 v41, v47;
	v44 =	vadd.f32 v43, v45;
	v43 =	vperm.xlane v42, v0  }
0x1eb: {  	v46 =	vperm.xlane v21, v13;
	v45 =	vperm.xlane v39, v1  }
0x1ec: {  	v47 =	vperm.xlane v38, v1;
	v49 =	vperm.xlane v44, v1;
	v42 =	vadd.f32 v42, v43;
	[tilespmem:s9+$0xFFFFFF70] =	vst v41  }
0x1ed: {  	v39 =	vadd.f32 v39, v45;
	v41 =	vperm.xlane v33, v9;
	s9 =	sadd.s32 $0x120, s9;
	v51 =	vpop (erf);
	v43 =	vld [tilespmem:s3+$0xFFFFFF90];
	v45 =	vmul.f32 v48, v46  }
0x1ee: {  	v46 =	vadd.f32 v38, v47;
	v50 =	vadd.f32 v44, v49;
	v38 =	vperm.xlane v42, v1;
	s3 =	sadd.s32 $0x100, s3;
	[tilespmem:s9+$0x80] =	vst v51  }
.Ltmp0:
0x1ef: {  	v37 =	vmul.f32 v37, v27;
	v47 =	vperm.xlane v39, v2;
	v27 =	vmov v41;
	v44 =	vld [tilespmem:s3+$0x0];
	[tilespmem:s16+$0x60] =	vst v45;
	(pc) =	sbr.rel @p1 .LBB2_3-.Ltmp0, $4  }
0x1f0: {  	v48 =	vperm.xlane v46, v2;
	v52 =	vperm.xlane v50, v2;
	v45 =	vadd.f32 v42, v38;
	v41 =	vld [tilespmem:s17+$0x70]  }
0x1f1: {  	v49 =	vadd.f32 v39, v47;
	v42 =	vperm.xlane v33, v10;
	v38 =	vperm.xlane v33, v11;
	[tilespmem:s13+$0xFFFFFF90] =	vst v37  }
0x1f2: {  	v47 =	vadd.f32 v46, v48;
	v48 =	vperm.xlane v45, v2;
	v46 =	vperm.xlane v51, v3;
	v39 =	vld [tilespmem:s14+$0xFFFFFFB0]  }
0x1f3: {  	s21 =	sadd.s32 $0x80, s21;
	v49 =	vperm.xlane v49, v4;
	v50 =	vadd.f32 v50, v52;
	v37 =	vperm.xlane v21, v14;
	v21 =	vmovc v51  }
0x1f4: {  	v47 =	vperm.xlane v47, v5;
	v45 =	vadd.f32 v45, v48  }
0x1f5: {  	v52 =	vnsel vm0, $0x0, v49;
	v53 =	vperm.xlane v50, v6  }
0x1f6: {  	v47 =	vsel vm1, v52, v47;
	v45 =	vperm.xlane v45, v7  }
0x1f7: {  	v47 =	vsel vm2, v47, v53  }
0x1f8: {  	v45 =	vsel vm3, v47, v45  }
0x1f9: {  	v45 =	vmul.f32 $1.442695020e+00, v45;
	_ =	sdelay $0x1  }
0x1fa: {  	(erf) = vpow2.f32 v45;
	_ =	sdelay $0x8  }
0x1fb: {  	v45 =	vpop (erf)  }
0x1fc: {  	[tilespmem:s9+$0xFFFFFFF0] =	vst v45  }
0x1fd: {  	v54 =	vld [tilespmem:s3+$0xFFFFFF80];
	_ =	sdelay $0x2  }
0x1fe: {  	v44 =	vmul.f32 v44, v46;
	v55 =	vperm.xlane v45, v3;
	_ =	sdelay $0x1  }
0x1ff: {  	[tilespmem:s9+$0x0] =	vst v44;
	v46 =	vmul.f32 v54, v55  }
0x200: {  	v44 =	vld [tilespmem:s3+$0x10]  }
0x201: {  	[tilespmem:s9+$0xFFFFFF70] =	vst v46  }
0x202: {  	v46 =	vld [tilespmem:s3+$0xFFFFFF90]  }
0x203: {  	v56 =	vperm.xlane v21, v8;
	_ =	sdelay $0x1  }
0x204: {  	v44 =	vmul.f32 v44, v56;
	v57 =	vperm.xlane v45, v8  }
0x205: {  	v40 =	vmul.f32 v43, v40  }
0x206: {  	[tilespmem:s9+$0x10] =	vst v44;
	v46 =	vmul.f32 v46, v57  }
0x207: {  	[tilespmem:s16+$0xFFFFFF80] =	vst v40;
	v44 =	vld [tilespmem:s3+$0x20]  }
0x208: {  	v60 =	vld [tilespmem:s17+$0xFFFFFFA0];
	[tilespmem:s9+$0xFFFFFF80] =	vst v46  }
0x209: {  	v61 =	vld [tilespmem:s3+$0xFFFFFFA0]  }
0x20a: {  	v58 =	vperm.xlane v21, v9;
	_ =	sdelay $0x1  }
0x20b: {  	v59 =	vmul.f32 v44, v58;
	v62 =	vperm.xlane v45, v9  }
0x20c: {  	v27 =	vmul.f32 v60, v27  }
0x20d: {  	[tilespmem:s9+$0x20] =	vst v59;
	v44 =	vmul.f32 v61, v62  }
0x20e: {  	[tilespmem:s16+$0xFFFFFF90] =	vst v27;
	v40 =	vld [tilespmem:s3+$0x30]  }
0x20f: {  	v47 =	vld [tilespmem:s17+$0xFFFFFFB0];
	[tilespmem:s9+$0xFFFFFF90] =	vst v44  }
0x210: {  	v48 =	vld [tilespmem:s3+$0xFFFFFFB0]  }
0x211: {  	v63 =	vperm.xlane v21, v10  }
0x212: {  	v31 =	vmul.f32 v39, v31  }
0x213: {  	v49 =	vperm.xlane v45, v10;
	v46 =	vmul.f32 v40, v63  }
0x214: {  	[tilespmem:s13+$0xFFFFFFA0] =	vst v31;
	v40 =	vmul.f32 v47, v42  }
0x215: {  	v51 =	vld [tilespmem:s14+$0xFFFFFFC0];
	[tilespmem:s9+$0x30] =	vst v46;
	v39 =	vmul.f32 v48, v49  }
0x216: {  	[tilespmem:s16+$0xFFFFFFA0] =	vst v40;
	v27 =	vld [tilespmem:s3+$0x40]  }
0x217: {  	v52 =	vld [tilespmem:s17+$0xFFFFFFC0];
	[tilespmem:s9+$0xFFFFFFA0] =	vst v39  }
0x218: {  	v39 =	vld [tilespmem:s3+$0xFFFFFFC0]  }
0x219: {  	v22 =	vmul.f32 v36, v22;
	v50 =	vperm.xlane v21, v11  }
0x21a: {  	v30 =	vmul.f32 v51, v30  }
0x21b: {  	[tilespmem:s11+$0xFFFFFFB0] =	vst v22;
	v53 =	vperm.xlane v45, v11;
	v27 =	vmul.f32 v27, v50  }
0x21c: {  	[tilespmem:s13+$0xFFFFFFB0] =	vst v30;
	v55 =	vld [tilespmem:s12+$0xFFFFFFD0];
	v54 =	vmul.f32 v52, v38  }
0x21d: {  	v58 =	vld [tilespmem:s14+$0xFFFFFFD0];
	[tilespmem:s9+$0x40] =	vst v27;
	v57 =	vmul.f32 v39, v53  }
0x21e: {  	[tilespmem:s16+$0xFFFFFFB0] =	vst v54;
	v27 =	vld [tilespmem:s3+$0x50]  }
0x21f: {  	v60 =	vld [tilespmem:s17+$0xFFFFFFD0];
	[tilespmem:s9+$0xFFFFFFB0] =	vst v57  }
0x220: {  	v19 =	vmul.f32 v35, v19;
	v30 =	vld [tilespmem:s3+$0xFFFFFFD0]  }
0x221: {  	v56 =	vperm.xlane v21, v12;
	v23 =	vmul.f32 v55, v23  }
0x222: {  	[tilespmem:s26+$0xFFFFFFC0] =	vst v19;
	v29 =	vmul.f32 v58, v29;
	v61 =	vperm.xlane v33, v12  }
0x223: {  	[tilespmem:s11+$0xFFFFFFC0] =	vst v23;
	v63 =	vperm.xlane v45, v12;
	v38 =	vld [tilespmem:s20+$0xFFFFFFE0];
	v59 =	vmul.f32 v27, v56  }
0x224: {  	[tilespmem:s13+$0xFFFFFFC0] =	vst v29;
	v40 =	vld [tilespmem:s12+$0xFFFFFFE0];
	v22 =	vmul.f32 v60, v61  }
0x225: {  	v43 =	vld [tilespmem:s14+$0xFFFFFFE0];
	[tilespmem:s9+$0x50] =	vst v59;
	v19 =	vmul.f32 v30, v63  }
0x226: {  	v16 =	vmul.f32 v34, v16;
	[tilespmem:s16+$0xFFFFFFC0] =	vst v22;
	v62 =	vld [tilespmem:s3+$0x60]  }
0x227: {  	v15 =	vmul.f32 v32, v15;
	v46 =	vld [tilespmem:s17+$0xFFFFFFE0];
	[tilespmem:s9+$0xFFFFFFC0] =	vst v19  }
0x228: {  	[tilespmem:s23+$0xFFFFFFD0] =	vst v16;
	v18 =	vmul.f32 v38, v18;
	v19 =	vld [tilespmem:s3+$0xFFFFFFE0]  }
0x229: {  	[tilespmem:s4+$0xFFFFFFE0] =	vst v15;
	v26 =	vmul.f32 v40, v26;
	v39 =	vperm.xlane v21, v13  }
0x22a: {  	v51 =	vmul.f32 v43, v28;
	v47 =	vperm.xlane v33, v13;
	v49 =	vld [tilespmem:s24+$0xFFFFFFF0];
	[tilespmem:s26+$0xFFFFFFD0] =	vst v18  }
0x22b: {  	v50 =	vperm.xlane v45, v13;
	[tilespmem:s11+$0xFFFFFFD0] =	vst v26;
	v52 =	vld [tilespmem:s20+$0xFFFFFFF0];
	v44 =	vmul.f32 v62, v39  }
0x22c: {  	[tilespmem:s13+$0xFFFFFFD0] =	vst v51;
	v54 =	vld [tilespmem:s12+$0xFFFFFFF0];
	v22 =	vmul.f32 v46, v47  }
0x22d: {  	v56 =	vld [tilespmem:s14+$0xFFFFFFF0];
	[tilespmem:s9+$0x60] =	vst v44;
	v55 =	vmul.f32 v19, v50  }
0x22e: {  	v42 =	vmul.f32 v41, v37;
	[tilespmem:s16+$0xFFFFFFD0] =	vst v22;
	v48 =	vld [tilespmem:s3+$0x70]  }
0x22f: {  	v15 =	vmul.f32 v49, v17;
	v57 =	vld [tilespmem:s17+$0xFFFFFFF0];
	[tilespmem:s9+$0xFFFFFFD0] =	vst v55  }
0x230: {  	[tilespmem:s16+$0x70] =	vst v42;
	v59 =	vmul.f32 v52, v20;
	v58 =	vld [tilespmem:s3+$0xFFFFFFF0]  }
0x231: {  	[tilespmem:s23+$0xFFFFFFE0] =	vst v15;
	v15 =	vmul.f32 v54, v25;
	v53 =	vperm.xlane v21, v14  }
0x232: {  	v60 =	vperm.xlane v33, v14;
	[tilespmem:s26+$0xFFFFFFE0] =	vst v59;
	v62 =	vmul.f32 v56, v24  }
0x233: {  	v61 =	vperm.xlane v45, v14;
	[tilespmem:s11+$0xFFFFFFE0] =	vst v15;
	v16 =	vmul.f32 v48, v53  }
0x234: {  	p1 =	sgt.u32 s31, $0xF7;
	s26 =	smul.u32 $0xA0, s25;
	[tilespmem:s13+$0xFFFFFFE0] =	vst v62;
	v15 =	vmul.f32 v57, v60  }
0x235: {  	s4 =	smul.u32 @!p1 $0x28, s31;
	[tilespmem:s9+$0x70] =	vst v16;
	v63 =	vmul.f32 v58, v61  }
0x236: {  	[tilespmem:s16+$0xFFFFFFE0] =	vst v15;
	s3 =	sshrl.u32 s26, $0x2  }
0x237: {  	s4 =	sadd.s32 @!p1 s4, s15;
	s3 =	sadd.s32 $0x50, s3;
	[tilespmem:s9+$0xFFFFFFE0] =	vst v63  }
0x238: {  	[spmem:s2] =	stream.indirect.scatter.add.f32 [tilespmem:s18], [sflag:$0x3], $0x90, s3, s22, $0xb8;
	[tilespmem:$0x1DD80] =	vst v63  }
0x239: {  	s4 =	sshrl.u32 @!p1 s4, $0x3;
	s3 =	sand.u32 @!p1 $0x1, s31  }
0x23a: {  	s10 =	sadd.s32 @!p1 s7, s4;
	p2 =	seq.s32 @!p1 s3, $0x1  }
0x23b: {  	s9 =	sxor.u32 @!p1 $0x2, s25;
	s3 =	simm.s32 @!p1 $0x28;
	p2 =	por !p2, p1  }
0x23c: {  	s11 =	simm.s32 @!p1 $0x0;
	s9 =	smul.u32 @!p1 $0xA0, s9;
	s3 =	simm.s32 @p2 $0x0  }
0x23d: {  	[tilespmem:s3], [sflag:$0x1] =	stream.linear.gather @!p1 [hbm4b:s10+s11], $0x28, $0x38;
	[tilespmem:$0x1DD80] =	vst v63  }
0x23e: {  	s3 =	sshrl.u32 @!p1 s9, $0x2  }
0x23f: {  	s4 =	sadd.s32 @!p1 s8, s4;
	s3 =	sadd.s32 @!p1 $0x50, s3  }
0x240: {  	[tilespmem:s3], [sflag:$0x1] =	stream.linear.gather @!p1 [hbm4b:s4+s11], $0x28, $0x38;
	[tilespmem:$0x1DD80] =	vst v63  }
0x241: {  	p1 =	sne.s32 s0, $0xFA  }
.Ltmp1:
0x242: {  	_ = 	snop;
	(pc) =	sbr.rel @p1 .LBB2_2-.Ltmp1, $2  }
0x243: {  	_ =	sdelay $0x2  }
0x244: {  	p0 =	por !p0, !p0;
	s31 =	smov.u32 s0  }
0x245: {  	_ =	swait.ge [sflag:s29], $0x1680  }
0x246: {  	[sflag:s29] =	ssyncset.done $0x0  }
0x247: {  	[sflag:s29] =	ssyncadd.s32 $0xFFFFE980  }
0x248: {  	_ =	swait.ge [sflag:s29], $0x1680  }
0x249: {  	[sflag:s29] =	ssyncset.done $0x0  }
0x24a: {  	[sflag:s29] =	ssyncadd.s32 $0xFFFFE980  }
0x24b: {  	[bflag:$0x0] =	sbarrier.arrive $0xFFFF  }
0x24c: {  	s13 =	rddreg [dreg:$0x5]  }
0x24d: {  	s0 =	rddreg [dreg:$0xa]  }
0x24e: {  	s4 =	simm.s32 $0x4;
	s3 =	rddreg [dreg:$0xc]  }
0x24f: {  	[hbm:s0], [sflag:s13] =	dma.local [spmem:s3], $0x2BF2  }
0x250: {  	_ =	swait.ge [sflag:s4], $0x2BF2  }
0x251: {  	s30 =	sadd.s32 $0x1, s30;
	s31 =	rddreg [dreg:$0xb]  }
0x252: {  	p0 =	sne.s32 s30, s31  }
.Ltmp2:
0x253: {  	_ = 	snop;
	(pc) =	sbr.rel @p0 .LBB2_1-.Ltmp2, $3  }
0x254: {  	_ =	sdelay $0x1  }
0x255: {  	[sflag:s4] =	ssyncset.done $0x0  }
0x256: {  	[sflag:s4] =	ssyncadd.s32 $0xFFFFD40E  }
0x257: {  	_ =	sfence.sel $0x180000  }
0x258: {  	[bflag:$0x0] =	sbarrier.arrive $0xFFFF  }
0x259: {  	_ =	strace $0x90000047  }
0x25a: {  	s0 =	stileid.u32;
	[bflag:$0x2] =	sbarrier.arrive $0xFFFF  }
0x25b: {  	p0 =	sne.s32 s0, $0x0;
	s0 =	rddreg [dreg:$0x3]  }
0x25c: {  	s0 =	sadd.s32 @!p0 $0x100000, s0  }
0x25d: {  	[sflag:s0] =	ssyncadd.tile.s32 @!p0 $0x1;
	_ =	shalt  }
.Lfunc_end2:
_tile_overlayer_lowered:
.L_overlay_start_2:
0x25e: {  	(tag) =	ssettag $0x2  }
0x25f: {  	s0 =	rddreg [dreg:$0x0];
	s2 =	stileid.u32  }
0x260: {  	s1 =	rddreg [dreg:$0x1];
	p0 =	sne.s32 s2, $0x0  }
0x261: {  	s3 =	rddreg [dreg:$0x2];
	[bflag:$0x3] =	sbarrier.arrive $0xFFFF;
	s2 =	simm.s32 @!p0 $0x1C04  }
0x262: {  	[timem:s3], [sflag:s2] =	dma.local @!p0 [hbm:s0], s1  }
0x263: {  	s0 =	simm.s32 @!p0 $0x4  }
0x264: {  	_ =	swait.ge @!p0 [sflag:s0], s1  }
0x265: {  	s1 =	ssub.s32 @!p0 $0x0, s1;
	[sflag:s0] =	ssyncset.done @!p0 $0x0  }
0x266: {  	[sflag:s0] =	ssyncadd.s32 @!p0 s1  }
0x267: {  	[bflag:$0x3] =	sbarrier.arrive $0xFFFF  }
0x268: {  	_ =	shalt  }

</sc_bundles>
